<compile_context>
chip_gen: v7x
topology: tpu7x:2x2x1
jax: 0.10.2.dev20260603
libtpu: 0.0.44.dev20260713+nightly
codegen_flags: <defaults>
</compile_context>

<pallas_src>
import functools

import jax
import jax.numpy as jnp
from jax import lax
from jax.experimental import pallas as pl
from jax.experimental.pallas import tpu as pltpu
from jax.experimental.pallas import tpu_sc as plsc

N = 50000
E = 800000
B = 64
D = 64
H = 32
NT = 16
CH = 80
NCHUNK = E // CH
CPT = NCHUNK // NT
ZCH = 400
NRCH = N // ZCH
BLK = 2000
GRID = N // BLK
EPS = 1e-5

_MESH = dict(core_axis_name="c", subcore_axis_name="s", num_cores=2,
             num_subcores=16)



def _z16():
    return jnp.zeros((16,), jnp.float32)


def _sc_deg(dst):
    mesh = plsc.VectorSubcoreMesh(**_MESH)

    @functools.partial(
        pl.kernel, mesh=mesh,
        out_type=jax.ShapeDtypeStruct((N, 16), jnp.float32),
        scratch_types=[
            pltpu.VMEM((CH,), jnp.int32),
            pltpu.VMEM((CH, 16), jnp.float32),
            pltpu.VMEM((ZCH, 16), jnp.float32),
            pltpu.VMEM_SHARED((N, 16), jnp.float32),
        ],
        compiler_params=pltpu.CompilerParams(use_tc_tiling_on_sc=False),
    )
    def k(dst_hbm, out_hbm, idxbuf, ones_v, zbuf, acc):
        c = lax.axis_index("c")
        t = lax.axis_index("s")

        @pl.when(c == 0)
        def _():
            one = jnp.ones((16,), jnp.float32)

            def fill(i, _):
                ones_v[i, :] = one
                return 0
            lax.fori_loop(0, CH, fill, 0)

            def zfill(i, _):
                zbuf[i, :] = _z16()
                return 0
            lax.fori_loop(0, ZCH, zfill, 0)

            nj = jnp.where(t < NRCH - (NRCH // NT) * NT,
                           NRCH // NT + 1, NRCH // NT)

            def zchunk(j, _):
                off = pl.multiple_of((j * NT + t) * ZCH, ZCH)
                pltpu.sync_copy(zbuf, acc.at[pl.ds(off, ZCH)])
                return 0
            lax.fori_loop(0, nj, zchunk, 0)
            plsc.subcore_barrier()

            def step(j, _):
                base = pl.multiple_of((j * NT + t) * CH, CH)
                pltpu.sync_copy(dst_hbm.at[pl.ds(base, CH)], idxbuf)
                pltpu.sync_copy(ones_v, acc.at[idxbuf], add=True)
                return 0
            lax.fori_loop(0, CPT, step, 0)
            plsc.subcore_barrier()

            def wchunk(j, _):
                off = pl.multiple_of((j * NT + t) * ZCH, ZCH)
                pltpu.sync_copy(acc.at[pl.ds(off, ZCH)],
                                out_hbm.at[pl.ds(off, ZCH)])
                return 0
            lax.fori_loop(0, nj, wchunk, 0)

    return k(dst)


def _sc_agg(src, dst, ha, hb):
    mesh = plsc.VectorSubcoreMesh(**_MESH)

    @functools.partial(
        pl.kernel, mesh=mesh,
        out_type=(jax.ShapeDtypeStruct((N, H), jnp.float32),
                  jax.ShapeDtypeStruct((N, H), jnp.float32)),
        scratch_types=[
            pltpu.VMEM((CH,), jnp.int32),
            pltpu.VMEM((CH,), jnp.int32),
            pltpu.VMEM((CH, H), jnp.float32),
            pltpu.VMEM((ZCH, H), jnp.float32),
            pltpu.VMEM_SHARED((N, H), jnp.float32),
        ],
        compiler_params=pltpu.CompilerParams(use_tc_tiling_on_sc=False),
    )
    def k(src_hbm, dst_hbm, ha_hbm, hb_hbm, outa, outb,
          srcbuf, dstbuf, rows, zbuf, acc):
        c = lax.axis_index("c")
        t = lax.axis_index("s")

        def zfill(i, _):
            zbuf[i, pl.ds(0, 16)] = _z16()
            zbuf[i, pl.ds(16, 16)] = _z16()
            return 0
        lax.fori_loop(0, ZCH, zfill, 0)

        nj = jnp.where(t < NRCH - (NRCH // NT) * NT,
                       NRCH // NT + 1, NRCH // NT)

        def zchunk(j, _):
            off = pl.multiple_of((j * NT + t) * ZCH, ZCH)
            pltpu.sync_copy(zbuf, acc.at[pl.ds(off, ZCH)])
            return 0
        lax.fori_loop(0, nj, zchunk, 0)
        plsc.subcore_barrier()

        def run(h_hbm, out_hbm):
            def step(j, _):
                base = pl.multiple_of((j * NT + t) * CH, CH)
                pltpu.sync_copy(src_hbm.at[pl.ds(base, CH)], srcbuf)
                pltpu.sync_copy(dst_hbm.at[pl.ds(base, CH)], dstbuf)
                pltpu.sync_copy(h_hbm.at[srcbuf], rows)
                pltpu.sync_copy(rows, acc.at[dstbuf], add=True)
                return 0
            lax.fori_loop(0, CPT, step, 0)
            plsc.subcore_barrier()

            def wchunk(j, _):
                off = pl.multiple_of((j * NT + t) * ZCH, ZCH)
                pltpu.sync_copy(acc.at[pl.ds(off, ZCH)],
                                out_hbm.at[pl.ds(off, ZCH)])
                return 0
            lax.fori_loop(0, nj, wchunk, 0)

        @pl.when(c == 0)
        def _():
            run(ha_hbm, outa)

        @pl.when(c == 1)
        def _():
            run(hb_hbm, outb)

    return k(src, dst, ha, hb)



def _row_spec(w):
    return pl.BlockSpec((BLK, w), lambda i: (i, 0))


def _const_spec(shape):
    return pl.BlockSpec(shape, lambda i: (0, 0))


def _bf(x):
    return x.astype(jnp.bfloat16)


def _dot(a, b):
    return jnp.dot(_bf(a), _bf(b), preferred_element_type=jnp.float32)


def _xdot(a, b):
    return lax.dot_general(a, b, ((( 0,), (0,)), ((), ())),
                           preferred_element_type=jnp.float32,
                           precision=lax.Precision.HIGHEST)


def _acc_into(ref, val, i):
    @pl.when(i == 0)
    def _():
        ref[...] = val

    @pl.when(i > 0)
    def _():
        ref[...] = ref[...] + val


def _tc_block1_h(x8, W1a8, b1a):
    def body(xref, wref, bref, oh):
        oh[...] = _dot(xref[...], wref[...]) + bref[...]

    return pl.pallas_call(
        body,
        grid=(GRID,),
        in_specs=[_row_spec(8), _const_spec((8, D)), _const_spec((1, D))],
        out_specs=_row_spec(D),
        out_shape=jax.ShapeDtypeStruct((N, D), jnp.float32),
    )(x8, W1a8, b1a)


def _tc_colsum1(x, w):
    def body(xref, oref, sacc):
        i = pl.program_id(0)
        _acc_into(sacc, jnp.sum(xref[...], 0, keepdims=True), i)

        @pl.when(i == GRID - 1)
        def _():
            oref[...] = sacc[...]

    return pl.pallas_call(
        body,
        grid=(GRID,),
        in_specs=[_row_spec(w)],
        out_specs=_const_spec((1, w)),
        out_shape=jax.ShapeDtypeStruct((1, w), jnp.float32),
        scratch_shapes=[pltpu.VMEM((1, w), jnp.float32)],
    )(x)


def _tc_sqdev1(x, s, w):
    def body(xref, sref, oref, qacc):
        i = pl.program_id(0)
        dv = xref[...] - sref[...] / float(N)
        _acc_into(qacc, jnp.sum(dv * dv, 0, keepdims=True), i)

        @pl.when(i == GRID - 1)
        def _():
            oref[...] = qacc[...]

    return pl.pallas_call(
        body,
        grid=(GRID,),
        in_specs=[_row_spec(w), _const_spec((1, w))],
        out_specs=_const_spec((1, w)),
        out_shape=jax.ShapeDtypeStruct((1, w), jnp.float32),
        scratch_shapes=[pltpu.VMEM((1, w), jnp.float32)],
    )(x, s)


def _tc_block1_apply(h, hsum, hsq, g1, bt1, W1bA, b1bA, W1bB, b1bB):
    def body(href, sref, qref, gref, btref,
             wAref, bAref, wBref, bBref, oa, ob):
        m = sref[...] / float(N)
        v = qref[...] / float(N)
        r = jax.nn.relu((href[...] - m) / jnp.sqrt(v + EPS) * gref[...]
                        + btref[...])
        oa[...] = _dot(r, wAref[...]) + bAref[...]
        ob[...] = _dot(r, wBref[...]) + bBref[...]

    return pl.pallas_call(
        body,
        grid=(GRID,),
        in_specs=[_row_spec(D),
                  _const_spec((1, D)), _const_spec((1, D)),
                  _const_spec((1, D)), _const_spec((1, D)),
                  _const_spec((D, H)), _const_spec((1, H)),
                  _const_spec((D, H)), _const_spec((1, H))],
        out_specs=[_row_spec(H), _row_spec(H)],
        out_shape=[jax.ShapeDtypeStruct((N, H), jnp.float32)] * 2,
    )(h, hsum, hsq, g1, bt1, W1bA, b1bA, W1bB, b1bB)


def _tc_mlp(ha, hb, agga, aggb, deg, Wm1, bm1, Wm2A, bm2A, Wm2B, bm2B):
    def body(haref, hbref, aaref, abref, dref, w1ref, b1ref,
             w2aref, b2aref, w2bref, b2bref, za, zb):
        dcl = jnp.maximum(dref[...], 1.0)
        xa = haref[...] + aaref[...] / dcl
        xb = hbref[...] + abref[...] / dcl
        x = jnp.concatenate([xa, xb], axis=1)
        t = jax.nn.relu(_dot(x, w1ref[...]) + b1ref[...])
        za[...] = _dot(t, w2aref[...]) + b2aref[...]
        zb[...] = _dot(t, w2bref[...]) + b2bref[...]

    return pl.pallas_call(
        body,
        grid=(GRID,),
        in_specs=[_row_spec(H), _row_spec(H), _row_spec(H), _row_spec(H),
                  _row_spec(1),
                  _const_spec((D, D)), _const_spec((1, D)),
                  _const_spec((D, H)), _const_spec((1, H)),
                  _const_spec((D, H)), _const_spec((1, H))],
        out_specs=[_row_spec(H), _row_spec(H)],
        out_shape=[jax.ShapeDtypeStruct((N, H), jnp.float32),
                   jax.ShapeDtypeStruct((N, H), jnp.float32)],
    )(ha, hb, agga, aggb, deg, Wm1, bm1, Wm2A, bm2A, Wm2B, bm2B)


def _bn_apply(zref, sref, qref, gref, btref):
    m = sref[...] / float(N)
    v = qref[...] / float(N)
    return (zref[...] - m) / jnp.sqrt(v + EPS) * gref[...] + btref[...]


def _tc_bnrelu(za, zb, sa, qa, sb, qb, gA, btA, gB, btB, va, vb):
    def body(zaref, zbref, saref, qaref, sbref, qbref, garef, btaref,
             gbref, btbref, varef, vbref, oha, ohb, ova, ovb):
        hA = jax.nn.relu(_bn_apply(zaref, saref, qaref, garef, btaref))
        hB = jax.nn.relu(_bn_apply(zbref, sbref, qbref, gbref, btbref))
        oha[...] = hA
        ohb[...] = hB
        ova[...] = varef[...] + hA
        ovb[...] = vbref[...] + hB

    return pl.pallas_call(
        body,
        grid=(GRID,),
        in_specs=[_row_spec(H), _row_spec(H),
                  _const_spec((1, H)), _const_spec((1, H)),
                  _const_spec((1, H)), _const_spec((1, H)),
                  _const_spec((1, H)), _const_spec((1, H)),
                  _const_spec((1, H)), _const_spec((1, H)),
                  _row_spec(H), _row_spec(H)],
        out_specs=[_row_spec(H), _row_spec(H), _row_spec(H), _row_spec(H)],
        out_shape=[jax.ShapeDtypeStruct((N, H), jnp.float32)] * 4,
    )(za, zb, sa, qa, sb, qb, gA, btA, gB, btB, va, vb)


def _tc_bnrelu_pool(za, zb, sa, qa, sb, qb, gA, btA, gB, btB, va, vb,
                    batch2d, W2, b2, g2, bt2):
    def body(zaref, zbref, saref, qaref, sbref, qbref, garef, btaref,
             gbref, btbref, varef, vbref, bref, w2ref, b2ref, g2ref,
             bt2ref, ova, ovb, octx, pA, pB, cnt):
        i = pl.program_id(0)
        hA = jax.nn.relu(_bn_apply(zaref, saref, qaref, garef, btaref))
        hB = jax.nn.relu(_bn_apply(zbref, sbref, qbref, gbref, btbref))
        vA = varef[...] + hA
        vB = vbref[...] + hB
        ova[...] = vA
        ovb[...] = vB

        iota = lax.broadcasted_iota(jnp.int32, (1, B), 1)
        onehot = (bref[...] == iota).astype(jnp.float32)
        _acc_into(pA, _xdot(onehot, vA), i)
        _acc_into(pB, _xdot(onehot, vB), i)
        _acc_into(cnt, _xdot(onehot, jnp.ones((BLK, 1), jnp.float32)), i)

        @pl.when(i == GRID - 1)
        def _():
            cntc = jnp.maximum(cnt[...], 1.0)
            pooled = jnp.concatenate([pA[...] / cntc, pB[...] / cntc],
                                     axis=1)
            cpre = _dot(pooled, w2ref[...]) + b2ref[...]
            m = jnp.sum(cpre, axis=0, keepdims=True) / float(B)
            dm = cpre - m
            v = jnp.sum(dm * dm, axis=0, keepdims=True) / float(B)
            octx[...] = dm / jnp.sqrt(v + EPS) * g2ref[...] + bt2ref[...]

    return pl.pallas_call(
        body,
        grid=(GRID,),
        in_specs=[_row_spec(H), _row_spec(H),
                  _const_spec((1, H)), _const_spec((1, H)),
                  _const_spec((1, H)), _const_spec((1, H)),
                  _const_spec((1, H)), _const_spec((1, H)),
                  _const_spec((1, H)), _const_spec((1, H)),
                  _row_spec(H), _row_spec(H), _row_spec(1),
                  _const_spec((D, D)), _const_spec((1, D)),
                  _const_spec((1, D)), _const_spec((1, D))],
        out_specs=[_row_spec(H), _row_spec(H), _const_spec((B, D))],
        out_shape=[jax.ShapeDtypeStruct((N, H), jnp.float32),
                   jax.ShapeDtypeStruct((N, H), jnp.float32),
                   jax.ShapeDtypeStruct((B, D), jnp.float32)],
        scratch_shapes=[pltpu.VMEM((B, H), jnp.float32),
                        pltpu.VMEM((B, H), jnp.float32),
                        pltpu.VMEM((B, 1), jnp.float32)],
    )(za, zb, sa, qa, sb, qb, gA, btA, gB, btB, va, vb, batch2d,
      W2, b2, g2, bt2)



def kernel(coords, edge_index, depots, batch, W1a, b1a, g1, bt1, W1b, b1b,
           Wm1, bm1, Wm2, bm2, bng, bnb, W2, b2, g2, bt2):
    f32 = jnp.float32
    dep2d = depots.astype(f32).reshape(N, 1)
    batch2d = batch.reshape(N, 1)
    src = edge_index[0]
    dst = edge_index[1]

    x8 = jnp.concatenate([coords, dep2d, jnp.zeros((N, 5), f32)], axis=1)
    W1a8 = jnp.concatenate([W1a, jnp.zeros((5, D), f32)], axis=0)
    b1a_ = b1a.reshape(1, D)
    g1_ = g1.reshape(1, D)
    bt1_ = bt1.reshape(1, D)
    W1bA = W1b[:, :H]
    W1bB = W1b[:, H:]
    b1bA = b1b[:H].reshape(1, H)
    b1bB = b1b[H:].reshape(1, H)
    b2_ = b2.reshape(1, D)
    g2_ = g2.reshape(1, D)
    bt2_ = bt2.reshape(1, D)

    h1 = _tc_block1_h(x8, W1a8, b1a_)
    hsum = _tc_colsum1(h1, D)
    hsq = _tc_sqdev1(h1, hsum, D)
    ha, hb = _tc_block1_apply(h1, hsum, hsq, g1_, bt1_, W1bA, b1bA,
                              W1bB, b1bB)
    va, vb = ha, hb

    degf = _sc_deg(dst)
    deg = degf[:, 0:1]

    ctx = None
    for i in range(3):
        agga, aggb = _sc_agg(src, dst, ha, hb)
        bm1_ = bm1[i].reshape(1, D)
        Wm2A = Wm2[i][:, :H]
        Wm2B = Wm2[i][:, H:]
        bm2A = bm2[i][:H].reshape(1, H)
        bm2B = bm2[i][H:].reshape(1, H)
        za, zb = _tc_mlp(ha, hb, agga, aggb, deg, Wm1[i], bm1_,
                         Wm2A, bm2A, Wm2B, bm2B)
        sa = _tc_colsum1(za, H)
        sb = _tc_colsum1(zb, H)
        qa = _tc_sqdev1(za, sa, H)
        qb = _tc_sqdev1(zb, sb, H)
        gA = bng[i][:H].reshape(1, H)
        gB = bng[i][H:].reshape(1, H)
        btA = bnb[i][:H].reshape(1, H)
        btB = bnb[i][H:].reshape(1, H)
        if i < 2:
            ha, hb, va, vb = _tc_bnrelu(za, zb, sa, qa, sb, qb, gA, btA,
                                        gB, btB, va, vb)
        else:
            va, vb, ctx = _tc_bnrelu_pool(za, zb, sa, qa, sb, qb, gA, btA,
                                          gB, btB, va, vb, batch2d, W2,
                                          b2_, g2_, bt2_)

    vert = jnp.concatenate([va, vb], axis=1)
    return vert, ctx

# --- scband reference (transcript-rebuilt; emitter-appended) ---
"""Pipeline reference for scband-graph-embeddings-7670811590986 (READ-ONLY COPY).

The authoritative reference and input builder live on the scoring server;
editing this copy changes nothing except your own understanding.
"""

import jax, jax.numpy as jnp
import numpy as np

N = 50000
E = 800000
B = 64
D = 64
L = 3

def _bn(x, g, b):
    m = jnp.mean(x, axis=0)
    v = jnp.var(x, axis=0)
    return (x - m) / jnp.sqrt(v + 1e-5) * g + b

def setup_inputs(seed: int = 0) -> dict:
    key = jax.random.key(seed)
    ks = jax.random.split(key, 24)
    s = 0.05
    inp = {}
    inp['coords'] = jax.random.normal(ks[0], (N, 2), dtype=jnp.float32)
    inp['edge_index'] = jax.random.randint(ks[1], (2, E), 0, N, dtype=jnp.int32)
    inp['depots'] = jax.random.randint(ks[2], (N,), 0, 2, dtype=jnp.int32) == 1
    inp['batch'] = jnp.sort(jax.random.randint(ks[3], (N,), 0, B, dtype=jnp.int32))
    # block1: Linear(3,D), BN(D), ReLU, Linear(D,D)
    inp['W1a'] = jax.random.normal(ks[4], (3, D), dtype=jnp.float32) * s
    inp['b1a'] = jnp.zeros((D,), jnp.float32)
    inp['g1'] = jnp.ones((D,), jnp.float32)
    inp['bt1'] = jnp.zeros((D,), jnp.float32)
    inp['W1b'] = jax.random.normal(ks[5], (D, D), dtype=jnp.float32) * s
    inp['b1b'] = jnp.zeros((D,), jnp.float32)
    # L GINConv mlps: Linear(D,D), ReLU, Linear(D,D); plus per-layer BN
    inp['Wm1'] = jax.random.normal(ks[6], (L, D, D), dtype=jnp.float32) * s
    inp['bm1'] = jnp.zeros((L, D), jnp.float32)
    inp['Wm2'] = jax.random.normal(ks[7], (L, D, D), dtype=jnp.float32) * s
    inp['bm2'] = jnp.zeros((L, D), jnp.float32)
    inp['bng'] = jnp.ones((L, D), jnp.float32)
    inp['bnb'] = jnp.zeros((L, D), jnp.float32)
    # block2: Linear(D,D), BN(D)
    inp['W2'] = jax.random.normal(ks[8], (D, D), dtype=jnp.float32) * s
    inp['b2'] = jnp.zeros((D,), jnp.float32)
    inp['g2'] = jnp.ones((D,), jnp.float32)
    inp['bt2'] = jnp.zeros((D,), jnp.float32)
    return inp

def reference(coords, edge_index, depots, batch, W1a, b1a, g1, bt1, W1b, b1b, Wm1, bm1, Wm2, bm2, bng, bnb, W2, b2, g2, bt2):
    x = jnp.concatenate([coords, depots.astype(jnp.float32)[:, None]], axis=-1)
    h = x @ W1a + b1a
    h = _bn(h, g1, bt1)
    h = jax.nn.relu(h)
    h = h @ W1b + b1b
    vert = h
    src = edge_index[0]
    dst = edge_index[1]
    deg = jax.ops.segment_sum(jnp.ones((E,), jnp.float32), dst, num_segments=N)
    deg = jnp.clip(deg, 1.0)[:, None]
    for i in range(L):
        msg = jnp.take(h, src, axis=0)
        agg = jax.ops.segment_sum(msg, dst, num_segments=N) / deg
        z = h + agg  # GIN with eps=0, mean aggregation
        z = jax.nn.relu(z @ Wm1[i] + bm1[i]) @ Wm2[i] + bm2[i]
        z = _bn(z, bng[i], bnb[i])
        h = jax.nn.relu(z)
        vert = vert + h
    cnt = jax.ops.segment_sum(jnp.ones((N,), jnp.float32), batch, num_segments=B)
    ctx = jax.ops.segment_sum(vert, batch, num_segments=B) / jnp.clip(cnt, 1.0)[:, None]
    ctx = ctx @ W2 + b2
    ctx = _bn(ctx, g2, bt2)
    return (vert, ctx)

if __name__ == "__main__":
    import jax
    _d = setup_inputs()
    print(jax.jit(kernel)(*tuple(_d.values())))

</pallas_src>

<mosaic_0001>
#map = affine_map<(d0, d1) -> (0)>
#map1 = affine_map<(d0, d1) -> (0, 0)>
module attributes {stable_mosaic.version = 14 : i64} {
  func.func @k(%arg0: i32, %arg1: i32, %arg2: memref<800000xi32, #tpu.memory_space<hbm>>, %arg3: memref<800000xi32, #tpu.memory_space<hbm>>, %arg4: memref<50000x32xf32, #tpu.memory_space<hbm>>, %arg5: memref<50000x32xf32, #tpu.memory_space<hbm>>, %arg6: memref<50000x32xf32, #tpu.memory_space<hbm>>, %arg7: memref<50000x32xf32, #tpu.memory_space<hbm>>, %arg8: memref<80xi32, #tpu.memory_space<vmem>>, %arg9: memref<80xi32, #tpu.memory_space<vmem>>, %arg10: memref<80x32xf32, #tpu.memory_space<vmem>>, %arg11: memref<400x32xf32, #tpu.memory_space<vmem>>, %arg12: memref<50000x32xf32, #tpu.memory_space<vmem_shared>>) attributes {dimension_semantics = [#tpu.dimension_semantics<core_parallel>, #tpu.dimension_semantics<subcore_parallel>], iteration_bounds = array<i64: 2, 16>, scalar_prefetch = 0 : i64, scratch_operands = 5 : i64, tpu.core_type = #tpu.core_type<sc_vector_subcore>, window_params = [{transform_indices = #map}, {transform_indices = #map}, {transform_indices = #map1}, {transform_indices = #map1}, {transform_indices = #map1}, {transform_indices = #map1}]} {
    %scan3A = arith.constant 0 : i32
    %scan3A_0 = arith.constant 0 : i32
    %scan3A_1 = arith.constant 400 : i32
    %scan3A_2 = arith.addi %scan3A_0, %scan3A_1 : i32
    %scan3A_3 = arith.constant 1 : i32
    %scan3A_4 = scf.for %scan3A_26 = %scan3A_0 to %scan3A_2 step %scan3A_3 iter_args(%scan3A_27 = %scan3A) -> (i32)  : i32 {
      %broadcast_in_dim3A = arith.constant 0.000000e+00 : f32
      %broadcast_in_dim3A_28 = vector.broadcast %broadcast_in_dim3A : f32 to vector<16xf32>
      %swap3A = arith.index_cast %scan3A_26 : i32 to index
      %swap3A_29 = arith.constant 0 : index
      %swap3A_30 = tpu.vector_load %arg11[%swap3A, %swap3A_29] {strides = array<i32>} : memref<400x32xf32, #tpu.memory_space<vmem>>, vector<1x16xf32>,
      %swap3A_31 = vector.shape_cast %swap3A_30 : vector<1x16xf32> to vector<16xf32>
      %swap3A_32 = vector.shape_cast %broadcast_in_dim3A_28 : vector<16xf32> to vector<1x16xf32>
      tpu.vector_store %arg11[%swap3A, %swap3A_29], %swap3A_32 {strides = array<i32>} : memref<400x32xf32, #tpu.memory_space<vmem>>, vector<1x16xf32>,
      %broadcast_in_dim3A_33 = arith.constant 0.000000e+00 : f32
      %broadcast_in_dim3A_34 = vector.broadcast %broadcast_in_dim3A_33 : f32 to vector<16xf32>
      %swap3A_35 = arith.index_cast %scan3A_26 : i32 to index
      %swap3A_36 = arith.constant 16 : index
      %swap3A_37 = tpu.vector_load %arg11[%swap3A_35, %swap3A_36] {strides = array<i32>} : memref<400x32xf32, #tpu.memory_space<vmem>>, vector<1x16xf32>,
      %swap3A_38 = vector.shape_cast %swap3A_37 : vector<1x16xf32> to vector<16xf32>
      %swap3A_39 = vector.shape_cast %broadcast_in_dim3A_34 : vector<16xf32> to vector<1x16xf32>
      tpu.vector_store %arg11[%swap3A_35, %swap3A_36], %swap3A_39 {strides = array<i32>} : memref<400x32xf32, #tpu.memory_space<vmem>>, vector<1x16xf32>,
      %scan3A_40 = arith.constant 0 : i32
      scf.yield %scan3A_40 : i32
    }
    %scan3A_5 = arith.constant 400 : i32
    %lt3A = arith.constant 13 : i32
    %lt3A_6 = arith.cmpi slt, %arg1, %lt3A : i32
    %jit3A = arith.constant 8 : i32
    %jit3A_7 = arith.constant 7 : i32
    %select_n3A = arith.select %lt3A_6, %jit3A, %jit3A_7 : i32
    %while3A = arith.constant 0 : i32
    %while3A_8 = arith.constant 0 : i32
    %while3A_9 = arith.subi %select_n3A, %while3A : i32
    %while3A_10 = arith.addi %while3A, %while3A_9 : i32
    %while3A_11 = arith.constant 1 : i32
    %while3A_12 = arith.divsi %while3A_9, %while3A_11 : i32
    %while3A_13 = arith.muli %while3A_12, %while3A_11 : i32
    %while3A_14 = arith.addi %while3A, %while3A_13 : i32
    %while3A_15 = arith.constant 1 : i32
    %while3A_16 = scf.for %while3A_26 = %while3A to %while3A_14 step %while3A_15 iter_args(%while3A_27 = %while3A_8) -> (i32)  : i32 {
      %mul3A = arith.constant 16 : i32
      %mul3A_28 = arith.muli %while3A_26, %mul3A : i32
      %add3A = arith.addi %mul3A_28, %arg1 : i32
      %mul3A_29 = arith.constant 400 : i32
      %mul3A_30 = arith.muli %add3A, %mul3A_29 : i32
      %multiple_of3A = tpu.assume_multiple %mul3A_30, 400 : i32
      "tpu.region"() ({
        %run_scoped3A = tpu.sem_alloc : memref<!tpu.dma_semaphore, #tpu.memory_space<semaphore_mem>>
        %dma_start3A = arith.constant 0 : i32
        %dma_start3A_32 = tpu.memref_slice %arg12[%multiple_of3A, %dma_start3A] : memref<50000x32xf32, #tpu.memory_space<vmem_shared>> -> memref<400x32xf32, #tpu.memory_space<vmem_shared>>
        %dma_start3A_33 = arith.constant 0 : i32
        %dma_start3A_34 = tpu.memref_slice %arg12[%multiple_of3A, %dma_start3A_33] : memref<50000x32xf32, #tpu.memory_space<vmem_shared>> -> memref<400x32xf32, #tpu.memory_space<vmem_shared>>
        tpu.enqueue_dma source(%arg11 : memref<400x32xf32, #tpu.memory_space<vmem>>) target(%dma_start3A_34 : memref<400x32xf32, #tpu.memory_space<vmem_shared>>) target_semaphore(%run_scoped3A : memref<!tpu.dma_semaphore, #tpu.memory_space<semaphore_mem>>)
        %dma_wait3A = arith.constant 0 : i32
        %dma_wait3A_35 = tpu.memref_slice %arg12[%multiple_of3A, %dma_wait3A] : memref<50000x32xf32, #tpu.memory_space<vmem_shared>> -> memref<400x32xf32, #tpu.memory_space<vmem_shared>>
        %dma_wait3A_36 = arith.constant 0 : i32
        %dma_wait3A_37 = tpu.memref_slice %arg12[%multiple_of3A, %dma_wait3A_36] : memref<50000x32xf32, #tpu.memory_space<vmem_shared>> -> memref<400x32xf32, #tpu.memory_space<vmem_shared>>
        tpu.wait_dma2 semaphore(%run_scoped3A : memref<!tpu.dma_semaphore, #tpu.memory_space<semaphore_mem>>) src(%arg11 : memref<400x32xf32, #tpu.memory_space<vmem>>) dst(%dma_wait3A_37 : memref<400x32xf32, #tpu.memory_space<vmem_shared>>)
        tpu.yield
      }) : () -> ()
      %while3A_31 = arith.constant 0 : i32
      scf.yield %while3A_31 : i32
    }
    %while3A_17 = arith.constant 1 : i32
    %while3A_18 = scf.for %while3A_26 = %while3A_14 to %while3A_10 step %while3A_17 iter_args(%while3A_27 = %while3A_16) -> (i32)  : i32 {
      %mul3A = arith.constant 16 : i32
      %mul3A_28 = arith.muli %while3A_26, %mul3A : i32
      %add3A = arith.addi %mul3A_28, %arg1 : i32
      %mul3A_29 = arith.constant 400 : i32
      %mul3A_30 = arith.muli %add3A, %mul3A_29 : i32
      %multiple_of3A = tpu.assume_multiple %mul3A_30, 400 : i32
      "tpu.region"() ({
        %run_scoped3A = tpu.sem_alloc : memref<!tpu.dma_semaphore, #tpu.memory_space<semaphore_mem>>
        %dma_start3A = arith.constant 0 : i32
        %dma_start3A_32 = tpu.memref_slice %arg12[%multiple_of3A, %dma_start3A] : memref<50000x32xf32, #tpu.memory_space<vmem_shared>> -> memref<400x32xf32, #tpu.memory_space<vmem_shared>>
        %dma_start3A_33 = arith.constant 0 : i32
        %dma_start3A_34 = tpu.memref_slice %arg12[%multiple_of3A, %dma_start3A_33] : memref<50000x32xf32, #tpu.memory_space<vmem_shared>> -> memref<400x32xf32, #tpu.memory_space<vmem_shared>>
        tpu.enqueue_dma source(%arg11 : memref<400x32xf32, #tpu.memory_space<vmem>>) target(%dma_start3A_34 : memref<400x32xf32, #tpu.memory_space<vmem_shared>>) target_semaphore(%run_scoped3A : memref<!tpu.dma_semaphore, #tpu.memory_space<semaphore_mem>>)
        %dma_wait3A = arith.constant 0 : i32
        %dma_wait3A_35 = tpu.memref_slice %arg12[%multiple_of3A, %dma_wait3A] : memref<50000x32xf32, #tpu.memory_space<vmem_shared>> -> memref<400x32xf32, #tpu.memory_space<vmem_shared>>
        %dma_wait3A_36 = arith.constant 0 : i32
        %dma_wait3A_37 = tpu.memref_slice %arg12[%multiple_of3A, %dma_wait3A_36] : memref<50000x32xf32, #tpu.memory_space<vmem_shared>> -> memref<400x32xf32, #tpu.memory_space<vmem_shared>>
        tpu.wait_dma2 semaphore(%run_scoped3A : memref<!tpu.dma_semaphore, #tpu.memory_space<semaphore_mem>>) src(%arg11 : memref<400x32xf32, #tpu.memory_space<vmem>>) dst(%dma_wait3A_37 : memref<400x32xf32, #tpu.memory_space<vmem_shared>>)
        tpu.yield
      }) : () -> ()
      %while3A_31 = arith.constant 0 : i32
      scf.yield %while3A_31 : i32
    }
    %barrier3A = arith.constant 0 : index
    tpu.barrier barrier_id(%barrier3A)
    %eq3A = arith.constant 0 : i32
    %eq3A_19 = arith.cmpi eq, %arg0, %eq3A : i32
    %convert_element_type3A = arith.extui %eq3A_19 : i1 to i32
    %cond3A = arith.constant 0 : i32
    %cond3A_20 = arith.cmpi ne, %convert_element_type3A, %cond3A : i32
    scf.if %cond3A_20 {
      %scan3A_26 = arith.constant 0 : i32
      %scan3A_27 = arith.constant 0 : i32
      %scan3A_28 = arith.constant 625 : i32
      %scan3A_29 = arith.addi %scan3A_27, %scan3A_28 : i32
      %scan3A_30 = arith.constant 1 : i32
      %scan3A_31 = scf.for %scan3A_46 = %scan3A_27 to %scan3A_29 step %scan3A_30 iter_args(%scan3A_47 = %scan3A_26) -> (i32)  : i32 {
        %mul3A = arith.constant 16 : i32
        %mul3A_48 = arith.muli %scan3A_46, %mul3A : i32
        %add3A = arith.addi %mul3A_48, %arg1 : i32
        %mul3A_49 = arith.constant 80 : i32
        %mul3A_50 = arith.muli %add3A, %mul3A_49 : i32
        %multiple_of3A = tpu.assume_multiple %mul3A_50, 80 : i32
        "tpu.region"() ({
          %run_scoped3A = tpu.sem_alloc : memref<!tpu.dma_semaphore, #tpu.memory_space<semaphore_mem>>
          %dma_start3A = tpu.memref_slice %arg2[%multiple_of3A] : memref<800000xi32, #tpu.memory_space<hbm>> -> memref<80xi32, #tpu.memory_space<hbm>>
          %dma_start3A_52 = tpu.memref_slice %arg2[%multiple_of3A] : memref<800000xi32, #tpu.memory_space<hbm>> -> memref<80xi32, #tpu.memory_space<hbm>>
          tpu.enqueue_dma source(%dma_start3A_52 : memref<80xi32, #tpu.memory_space<hbm>>) target(%arg8 : memref<80xi32, #tpu.memory_space<vmem>>) target_semaphore(%run_scoped3A : memref<!tpu.dma_semaphore, #tpu.memory_space<semaphore_mem>>)
          %dma_wait3A = tpu.memref_slice %arg2[%multiple_of3A] : memref<800000xi32, #tpu.memory_space<hbm>> -> memref<80xi32, #tpu.memory_space<hbm>>
          %dma_wait3A_53 = tpu.memref_slice %arg2[%multiple_of3A] : memref<800000xi32, #tpu.memory_space<hbm>> -> memref<80xi32, #tpu.memory_space<hbm>>
          tpu.wait_dma2 semaphore(%run_scoped3A : memref<!tpu.dma_semaphore, #tpu.memory_space<semaphore_mem>>) src(%dma_wait3A_53 : memref<80xi32, #tpu.memory_space<hbm>>) dst(%arg8 : memref<80xi32, #tpu.memory_space<vmem>>)
          tpu.yield
        }) : () -> ()
        "tpu.region"() ({
          %run_scoped3A = tpu.sem_alloc : memref<!tpu.dma_semaphore, #tpu.memory_space<semaphore_mem>>
          %dma_start3A = tpu.memref_slice %arg3[%multiple_of3A] : memref<800000xi32, #tpu.memory_space<hbm>> -> memref<80xi32, #tpu.memory_space<hbm>>
          %dma_start3A_52 = tpu.memref_slice %arg3[%multiple_of3A] : memref<800000xi32, #tpu.memory_space<hbm>> -> memref<80xi32, #tpu.memory_space<hbm>>
          tpu.enqueue_dma source(%dma_start3A_52 : memref<80xi32, #tpu.memory_space<hbm>>) target(%arg9 : memref<80xi32, #tpu.memory_space<vmem>>) target_semaphore(%run_scoped3A : memref<!tpu.dma_semaphore, #tpu.memory_space<semaphore_mem>>)
          %dma_wait3A = tpu.memref_slice %arg3[%multiple_of3A] : memref<800000xi32, #tpu.memory_space<hbm>> -> memref<80xi32, #tpu.memory_space<hbm>>
          %dma_wait3A_53 = tpu.memref_slice %arg3[%multiple_of3A] : memref<800000xi32, #tpu.memory_space<hbm>> -> memref<80xi32, #tpu.memory_space<hbm>>
          tpu.wait_dma2 semaphore(%run_scoped3A : memref<!tpu.dma_semaphore, #tpu.memory_space<semaphore_mem>>) src(%dma_wait3A_53 : memref<80xi32, #tpu.memory_space<hbm>>) dst(%arg9 : memref<80xi32, #tpu.memory_space<vmem>>)
          tpu.yield
        }) : () -> ()
        "tpu.region"() ({
          %run_scoped3A = tpu.sem_alloc : memref<!tpu.dma_semaphore, #tpu.memory_space<semaphore_mem>>
          %dma_start3A = arith.constant 0 : i32
          %dma_start3A_52 = arith.constant 0 : i32
          %dma_start3A_53 = tpu.memref_slice %arg4[%dma_start3A, %dma_start3A_52] : memref<50000x32xf32, #tpu.memory_space<hbm>> -> memref<50000x32xf32, #tpu.memory_space<hbm>>
          tpu.enqueue_indirect_dma source(%dma_start3A_53 : memref<50000x32xf32, #tpu.memory_space<hbm>>) target(%arg10 : memref<80x32xf32, #tpu.memory_space<vmem>>) offsets(%arg8 : memref<80xi32, #tpu.memory_space<vmem>>) semaphore(%run_scoped3A : memref<!tpu.dma_semaphore, #tpu.memory_space<semaphore_mem>>)
          %dma_wait3A = arith.constant 0 : i32
          %dma_wait3A_54 = arith.constant 0 : i32
          %dma_wait3A_55 = tpu.memref_slice %arg4[%dma_wait3A, %dma_wait3A_54] : memref<50000x32xf32, #tpu.memory_space<hbm>> -> memref<50000x32xf32, #tpu.memory_space<hbm>>
          tpu.wait_indirect_dma semaphore(%run_scoped3A : memref<!tpu.dma_semaphore, #tpu.memory_space<semaphore_mem>>) src(%dma_wait3A_55 : memref<50000x32xf32, #tpu.memory_space<hbm>>) dst(%arg10 : memref<80x32xf32, #tpu.memory_space<vmem>>)
          tpu.yield
        }) : () -> ()
        "tpu.region"() ({
          %run_scoped3A = tpu.sem_alloc : memref<!tpu.dma_semaphore, #tpu.memory_space<semaphore_mem>>
          %dma_start3A = arith.constant 0 : i32
          %dma_start3A_52 = arith.constant 0 : i32
          %dma_start3A_53 = tpu.memref_slice %arg12[%dma_start3A, %dma_start3A_52] : memref<50000x32xf32, #tpu.memory_space<vmem_shared>> -> memref<50000x32xf32, #tpu.memory_space<vmem_shared>>
          tpu.enqueue_indirect_dma source(%arg10 : memref<80x32xf32, #tpu.memory_space<vmem>>) target(%dma_start3A_53 : memref<50000x32xf32, #tpu.memory_space<vmem_shared>>) offsets(%arg9 : memref<80xi32, #tpu.memory_space<vmem>>) semaphore(%run_scoped3A : memref<!tpu.dma_semaphore, #tpu.memory_space<semaphore_mem>>) {add = true}
          %dma_wait3A = arith.constant 0 : i32
          %dma_wait3A_54 = arith.constant 0 : i32
          %dma_wait3A_55 = tpu.memref_slice %arg12[%dma_wait3A, %dma_wait3A_54] : memref<50000x32xf32, #tpu.memory_space<vmem_shared>> -> memref<50000x32xf32, #tpu.memory_space<vmem_shared>>
          tpu.wait_indirect_dma semaphore(%run_scoped3A : memref<!tpu.dma_semaphore, #tpu.memory_space<semaphore_mem>>) src(%arg10 : memref<80x32xf32, #tpu.memory_space<vmem>>) dst(%dma_wait3A_55 : memref<50000x32xf32, #tpu.memory_space<vmem_shared>>)
          tpu.yield
        }) : () -> ()
        %scan3A_51 = arith.constant 0 : i32
        scf.yield %scan3A_51 : i32
      }
      %scan3A_32 = arith.constant 625 : i32
      %barrier3A_33 = arith.constant 0 : index
      tpu.barrier barrier_id(%barrier3A_33)
      %while3A_34 = arith.constant 0 : i32
      %while3A_35 = arith.constant 0 : i32
      %while3A_36 = arith.subi %select_n3A, %while3A_34 : i32
      %while3A_37 = arith.addi %while3A_34, %while3A_36 : i32
      %while3A_38 = arith.constant 1 : i32
      %while3A_39 = arith.divsi %while3A_36, %while3A_38 : i32
      %while3A_40 = arith.muli %while3A_39, %while3A_38 : i32
      %while3A_41 = arith.addi %while3A_34, %while3A_40 : i32
      %while3A_42 = arith.constant 1 : i32
      %while3A_43 = scf.for %while3A_46 = %while3A_34 to %while3A_41 step %while3A_42 iter_args(%while3A_47 = %while3A_35) -> (i32)  : i32 {
        %mul3A = arith.constant 16 : i32
        %mul3A_48 = arith.muli %while3A_46, %mul3A : i32
        %add3A = arith.addi %mul3A_48, %arg1 : i32
        %mul3A_49 = arith.constant 400 : i32
        %mul3A_50 = arith.muli %add3A, %mul3A_49 : i32
        %multiple_of3A = tpu.assume_multiple %mul3A_50, 400 : i32
        "tpu.region"() ({
          %run_scoped3A = tpu.sem_alloc : memref<!tpu.dma_semaphore, #tpu.memory_space<semaphore_mem>>
          %dma_start3A = arith.constant 0 : i32
          %dma_start3A_52 = tpu.memref_slice %arg6[%multiple_of3A, %dma_start3A] : memref<50000x32xf32, #tpu.memory_space<hbm>> -> memref<400x32xf32, #tpu.memory_space<hbm>>
          %dma_start3A_53 = arith.constant 0 : i32
          %dma_start3A_54 = tpu.memref_slice %arg12[%multiple_of3A, %dma_start3A_53] : memref<50000x32xf32, #tpu.memory_space<vmem_shared>> -> memref<400x32xf32, #tpu.memory_space<vmem_shared>>
          tpu.enqueue_dma source(%dma_start3A_54 : memref<400x32xf32, #tpu.memory_space<vmem_shared>>) target(%dma_start3A_52 : memref<400x32xf32, #tpu.memory_space<hbm>>) target_semaphore(%run_scoped3A : memref<!tpu.dma_semaphore, #tpu.memory_space<semaphore_mem>>)
          %dma_wait3A = arith.constant 0 : i32
          %dma_wait3A_55 = tpu.memref_slice %arg6[%multiple_of3A, %dma_wait3A] : memref<50000x32xf32, #tpu.memory_space<hbm>> -> memref<400x32xf32, #tpu.memory_space<hbm>>
          %dma_wait3A_56 = arith.constant 0 : i32
          %dma_wait3A_57 = tpu.memref_slice %arg12[%multiple_of3A, %dma_wait3A_56] : memref<50000x32xf32, #tpu.memory_space<vmem_shared>> -> memref<400x32xf32, #tpu.memory_space<vmem_shared>>
          tpu.wait_dma2 semaphore(%run_scoped3A : memref<!tpu.dma_semaphore, #tpu.memory_space<semaphore_mem>>) src(%dma_wait3A_57 : memref<400x32xf32, #tpu.memory_space<vmem_shared>>) dst(%dma_wait3A_55 : memref<400x32xf32, #tpu.memory_space<hbm>>)
          tpu.yield
        }) : () -> ()
        %while3A_51 = arith.constant 0 : i32
        scf.yield %while3A_51 : i32
      }
      %while3A_44 = arith.constant 1 : i32
      %while3A_45 = scf.for %while3A_46 = %while3A_41 to %while3A_37 step %while3A_44 iter_args(%while3A_47 = %while3A_43) -> (i32)  : i32 {
        %mul3A = arith.constant 16 : i32
        %mul3A_48 = arith.muli %while3A_46, %mul3A : i32
        %add3A = arith.addi %mul3A_48, %arg1 : i32
        %mul3A_49 = arith.constant 400 : i32
        %mul3A_50 = arith.muli %add3A, %mul3A_49 : i32
        %multiple_of3A = tpu.assume_multiple %mul3A_50, 400 : i32
        "tpu.region"() ({
          %run_scoped3A = tpu.sem_alloc : memref<!tpu.dma_semaphore, #tpu.memory_space<semaphore_mem>>
          %dma_start3A = arith.constant 0 : i32
          %dma_start3A_52 = tpu.memref_slice %arg6[%multiple_of3A, %dma_start3A] : memref<50000x32xf32, #tpu.memory_space<hbm>> -> memref<400x32xf32, #tpu.memory_space<hbm>>
          %dma_start3A_53 = arith.constant 0 : i32
          %dma_start3A_54 = tpu.memref_slice %arg12[%multiple_of3A, %dma_start3A_53] : memref<50000x32xf32, #tpu.memory_space<vmem_shared>> -> memref<400x32xf32, #tpu.memory_space<vmem_shared>>
          tpu.enqueue_dma source(%dma_start3A_54 : memref<400x32xf32, #tpu.memory_space<vmem_shared>>) target(%dma_start3A_52 : memref<400x32xf32, #tpu.memory_space<hbm>>) target_semaphore(%run_scoped3A : memref<!tpu.dma_semaphore, #tpu.memory_space<semaphore_mem>>)
          %dma_wait3A = arith.constant 0 : i32
          %dma_wait3A_55 = tpu.memref_slice %arg6[%multiple_of3A, %dma_wait3A] : memref<50000x32xf32, #tpu.memory_space<hbm>> -> memref<400x32xf32, #tpu.memory_space<hbm>>
          %dma_wait3A_56 = arith.constant 0 : i32
          %dma_wait3A_57 = tpu.memref_slice %arg12[%multiple_of3A, %dma_wait3A_56] : memref<50000x32xf32, #tpu.memory_space<vmem_shared>> -> memref<400x32xf32, #tpu.memory_space<vmem_shared>>
          tpu.wait_dma2 semaphore(%run_scoped3A : memref<!tpu.dma_semaphore, #tpu.memory_space<semaphore_mem>>) src(%dma_wait3A_57 : memref<400x32xf32, #tpu.memory_space<vmem_shared>>) dst(%dma_wait3A_55 : memref<400x32xf32, #tpu.memory_space<hbm>>)
          tpu.yield
        }) : () -> ()
        %while3A_51 = arith.constant 0 : i32
        scf.yield %while3A_51 : i32
      }
    } else {
    }
    %eq3A_21 = arith.constant 1 : i32
    %eq3A_22 = arith.cmpi eq, %arg0, %eq3A_21 : i32
    %convert_element_type3A_23 = arith.extui %eq3A_22 : i1 to i32
    %cond3A_24 = arith.constant 0 : i32
    %cond3A_25 = arith.cmpi ne, %convert_element_type3A_23, %cond3A_24 : i32
    scf.if %cond3A_25 {
      %scan3A_26 = arith.constant 0 : i32
      %scan3A_27 = arith.constant 0 : i32
      %scan3A_28 = arith.constant 625 : i32
      %scan3A_29 = arith.addi %scan3A_27, %scan3A_28 : i32
      %scan3A_30 = arith.constant 1 : i32
      %scan3A_31 = scf.for %scan3A_46 = %scan3A_27 to %scan3A_29 step %scan3A_30 iter_args(%scan3A_47 = %scan3A_26) -> (i32)  : i32 {
        %mul3A = arith.constant 16 : i32
        %mul3A_48 = arith.muli %scan3A_46, %mul3A : i32
        %add3A = arith.addi %mul3A_48, %arg1 : i32
        %mul3A_49 = arith.constant 80 : i32
        %mul3A_50 = arith.muli %add3A, %mul3A_49 : i32
        %multiple_of3A = tpu.assume_multiple %mul3A_50, 80 : i32
        "tpu.region"() ({
          %run_scoped3A = tpu.sem_alloc : memref<!tpu.dma_semaphore, #tpu.memory_space<semaphore_mem>>
          %dma_start3A = tpu.memref_slice %arg2[%multiple_of3A] : memref<800000xi32, #tpu.memory_space<hbm>> -> memref<80xi32, #tpu.memory_space<hbm>>
          %dma_start3A_52 = tpu.memref_slice %arg2[%multiple_of3A] : memref<800000xi32, #tpu.memory_space<hbm>> -> memref<80xi32, #tpu.memory_space<hbm>>
          tpu.enqueue_dma source(%dma_start3A_52 : memref<80xi32, #tpu.memory_space<hbm>>) target(%arg8 : memref<80xi32, #tpu.memory_space<vmem>>) target_semaphore(%run_scoped3A : memref<!tpu.dma_semaphore, #tpu.memory_space<semaphore_mem>>)
          %dma_wait3A = tpu.memref_slice %arg2[%multiple_of3A] : memref<800000xi32, #tpu.memory_space<hbm>> -> memref<80xi32, #tpu.memory_space<hbm>>
          %dma_wait3A_53 = tpu.memref_slice %arg2[%multiple_of3A] : memref<800000xi32, #tpu.memory_space<hbm>> -> memref<80xi32, #tpu.memory_space<hbm>>
          tpu.wait_dma2 semaphore(%run_scoped3A : memref<!tpu.dma_semaphore, #tpu.memory_space<semaphore_mem>>) src(%dma_wait3A_53 : memref<80xi32, #tpu.memory_space<hbm>>) dst(%arg8 : memref<80xi32, #tpu.memory_space<vmem>>)
          tpu.yield
        }) : () -> ()
        "tpu.region"() ({
          %run_scoped3A = tpu.sem_alloc : memref<!tpu.dma_semaphore, #tpu.memory_space<semaphore_mem>>
          %dma_start3A = tpu.memref_slice %arg3[%multiple_of3A] : memref<800000xi32, #tpu.memory_space<hbm>> -> memref<80xi32, #tpu.memory_space<hbm>>
          %dma_start3A_52 = tpu.memref_slice %arg3[%multiple_of3A] : memref<800000xi32, #tpu.memory_space<hbm>> -> memref<80xi32, #tpu.memory_space<hbm>>
          tpu.enqueue_dma source(%dma_start3A_52 : memref<80xi32, #tpu.memory_space<hbm>>) target(%arg9 : memref<80xi32, #tpu.memory_space<vmem>>) target_semaphore(%run_scoped3A : memref<!tpu.dma_semaphore, #tpu.memory_space<semaphore_mem>>)
          %dma_wait3A = tpu.memref_slice %arg3[%multiple_of3A] : memref<800000xi32, #tpu.memory_space<hbm>> -> memref<80xi32, #tpu.memory_space<hbm>>
          %dma_wait3A_53 = tpu.memref_slice %arg3[%multiple_of3A] : memref<800000xi32, #tpu.memory_space<hbm>> -> memref<80xi32, #tpu.memory_space<hbm>>
          tpu.wait_dma2 semaphore(%run_scoped3A : memref<!tpu.dma_semaphore, #tpu.memory_space<semaphore_mem>>) src(%dma_wait3A_53 : memref<80xi32, #tpu.memory_space<hbm>>) dst(%arg9 : memref<80xi32, #tpu.memory_space<vmem>>)
          tpu.yield
        }) : () -> ()
        "tpu.region"() ({
          %run_scoped3A = tpu.sem_alloc : memref<!tpu.dma_semaphore, #tpu.memory_space<semaphore_mem>>
          %dma_start3A = arith.constant 0 : i32
          %dma_start3A_52 = arith.constant 0 : i32
          %dma_start3A_53 = tpu.memref_slice %arg5[%dma_start3A, %dma_start3A_52] : memref<50000x32xf32, #tpu.memory_space<hbm>> -> memref<50000x32xf32, #tpu.memory_space<hbm>>
          tpu.enqueue_indirect_dma source(%dma_start3A_53 : memref<50000x32xf32, #tpu.memory_space<hbm>>) target(%arg10 : memref<80x32xf32, #tpu.memory_space<vmem>>) offsets(%arg8 : memref<80xi32, #tpu.memory_space<vmem>>) semaphore(%run_scoped3A : memref<!tpu.dma_semaphore, #tpu.memory_space<semaphore_mem>>)
          %dma_wait3A = arith.constant 0 : i32
          %dma_wait3A_54 = arith.constant 0 : i32
          %dma_wait3A_55 = tpu.memref_slice %arg5[%dma_wait3A, %dma_wait3A_54] : memref<50000x32xf32, #tpu.memory_space<hbm>> -> memref<50000x32xf32, #tpu.memory_space<hbm>>
          tpu.wait_indirect_dma semaphore(%run_scoped3A : memref<!tpu.dma_semaphore, #tpu.memory_space<semaphore_mem>>) src(%dma_wait3A_55 : memref<50000x32xf32, #tpu.memory_space<hbm>>) dst(%arg10 : memref<80x32xf32, #tpu.memory_space<vmem>>)
          tpu.yield
        }) : () -> ()
        "tpu.region"() ({
          %run_scoped3A = tpu.sem_alloc : memref<!tpu.dma_semaphore, #tpu.memory_space<semaphore_mem>>
          %dma_start3A = arith.constant 0 : i32
          %dma_start3A_52 = arith.constant 0 : i32
          %dma_start3A_53 = tpu.memref_slice %arg12[%dma_start3A, %dma_start3A_52] : memref<50000x32xf32, #tpu.memory_space<vmem_shared>> -> memref<50000x32xf32, #tpu.memory_space<vmem_shared>>
          tpu.enqueue_indirect_dma source(%arg10 : memref<80x32xf32, #tpu.memory_space<vmem>>) target(%dma_start3A_53 : memref<50000x32xf32, #tpu.memory_space<vmem_shared>>) offsets(%arg9 : memref<80xi32, #tpu.memory_space<vmem>>) semaphore(%run_scoped3A : memref<!tpu.dma_semaphore, #tpu.memory_space<semaphore_mem>>) {add = true}
          %dma_wait3A = arith.constant 0 : i32
          %dma_wait3A_54 = arith.constant 0 : i32
          %dma_wait3A_55 = tpu.memref_slice %arg12[%dma_wait3A, %dma_wait3A_54] : memref<50000x32xf32, #tpu.memory_space<vmem_shared>> -> memref<50000x32xf32, #tpu.memory_space<vmem_shared>>
          tpu.wait_indirect_dma semaphore(%run_scoped3A : memref<!tpu.dma_semaphore, #tpu.memory_space<semaphore_mem>>) src(%arg10 : memref<80x32xf32, #tpu.memory_space<vmem>>) dst(%dma_wait3A_55 : memref<50000x32xf32, #tpu.memory_space<vmem_shared>>)
          tpu.yield
        }) : () -> ()
        %scan3A_51 = arith.constant 0 : i32
        scf.yield %scan3A_51 : i32
      }
      %scan3A_32 = arith.constant 625 : i32
      %barrier3A_33 = arith.constant 0 : index
      tpu.barrier barrier_id(%barrier3A_33)
      %while3A_34 = arith.constant 0 : i32
      %while3A_35 = arith.constant 0 : i32
      %while3A_36 = arith.subi %select_n3A, %while3A_34 : i32
      %while3A_37 = arith.addi %while3A_34, %while3A_36 : i32
      %while3A_38 = arith.constant 1 : i32
      %while3A_39 = arith.divsi %while3A_36, %while3A_38 : i32
      %while3A_40 = arith.muli %while3A_39, %while3A_38 : i32
      %while3A_41 = arith.addi %while3A_34, %while3A_40 : i32
      %while3A_42 = arith.constant 1 : i32
      %while3A_43 = scf.for %while3A_46 = %while3A_34 to %while3A_41 step %while3A_42 iter_args(%while3A_47 = %while3A_35) -> (i32)  : i32 {
        %mul3A = arith.constant 16 : i32
        %mul3A_48 = arith.muli %while3A_46, %mul3A : i32
        %add3A = arith.addi %mul3A_48, %arg1 : i32
        %mul3A_49 = arith.constant 400 : i32
        %mul3A_50 = arith.muli %add3A, %mul3A_49 : i32
        %multiple_of3A = tpu.assume_multiple %mul3A_50, 400 : i32
        "tpu.region"() ({
          %run_scoped3A = tpu.sem_alloc : memref<!tpu.dma_semaphore, #tpu.memory_space<semaphore_mem>>
          %dma_start3A = arith.constant 0 : i32
          %dma_start3A_52 = tpu.memref_slice %arg7[%multiple_of3A, %dma_start3A] : memref<50000x32xf32, #tpu.memory_space<hbm>> -> memref<400x32xf32, #tpu.memory_space<hbm>>
          %dma_start3A_53 = arith.constant 0 : i32
          %dma_start3A_54 = tpu.memref_slice %arg12[%multiple_of3A, %dma_start3A_53] : memref<50000x32xf32, #tpu.memory_space<vmem_shared>> -> memref<400x32xf32, #tpu.memory_space<vmem_shared>>
          tpu.enqueue_dma source(%dma_start3A_54 : memref<400x32xf32, #tpu.memory_space<vmem_shared>>) target(%dma_start3A_52 : memref<400x32xf32, #tpu.memory_space<hbm>>) target_semaphore(%run_scoped3A : memref<!tpu.dma_semaphore, #tpu.memory_space<semaphore_mem>>)
          %dma_wait3A = arith.constant 0 : i32
          %dma_wait3A_55 = tpu.memref_slice %arg7[%multiple_of3A, %dma_wait3A] : memref<50000x32xf32, #tpu.memory_space<hbm>> -> memref<400x32xf32, #tpu.memory_space<hbm>>
          %dma_wait3A_56 = arith.constant 0 : i32
          %dma_wait3A_57 = tpu.memref_slice %arg12[%multiple_of3A, %dma_wait3A_56] : memref<50000x32xf32, #tpu.memory_space<vmem_shared>> -> memref<400x32xf32, #tpu.memory_space<vmem_shared>>
          tpu.wait_dma2 semaphore(%run_scoped3A : memref<!tpu.dma_semaphore, #tpu.memory_space<semaphore_mem>>) src(%dma_wait3A_57 : memref<400x32xf32, #tpu.memory_space<vmem_shared>>) dst(%dma_wait3A_55 : memref<400x32xf32, #tpu.memory_space<hbm>>)
          tpu.yield
        }) : () -> ()
        %while3A_51 = arith.constant 0 : i32
        scf.yield %while3A_51 : i32
      }
      %while3A_44 = arith.constant 1 : i32
      %while3A_45 = scf.for %while3A_46 = %while3A_41 to %while3A_37 step %while3A_44 iter_args(%while3A_47 = %while3A_43) -> (i32)  : i32 {
        %mul3A = arith.constant 16 : i32
        %mul3A_48 = arith.muli %while3A_46, %mul3A : i32
        %add3A = arith.addi %mul3A_48, %arg1 : i32
        %mul3A_49 = arith.constant 400 : i32
        %mul3A_50 = arith.muli %add3A, %mul3A_49 : i32
        %multiple_of3A = tpu.assume_multiple %mul3A_50, 400 : i32
        "tpu.region"() ({
          %run_scoped3A = tpu.sem_alloc : memref<!tpu.dma_semaphore, #tpu.memory_space<semaphore_mem>>
          %dma_start3A = arith.constant 0 : i32
          %dma_start3A_52 = tpu.memref_slice %arg7[%multiple_of3A, %dma_start3A] : memref<50000x32xf32, #tpu.memory_space<hbm>> -> memref<400x32xf32, #tpu.memory_space<hbm>>
          %dma_start3A_53 = arith.constant 0 : i32
          %dma_start3A_54 = tpu.memref_slice %arg12[%multiple_of3A, %dma_start3A_53] : memref<50000x32xf32, #tpu.memory_space<vmem_shared>> -> memref<400x32xf32, #tpu.memory_space<vmem_shared>>
          tpu.enqueue_dma source(%dma_start3A_54 : memref<400x32xf32, #tpu.memory_space<vmem_shared>>) target(%dma_start3A_52 : memref<400x32xf32, #tpu.memory_space<hbm>>) target_semaphore(%run_scoped3A : memref<!tpu.dma_semaphore, #tpu.memory_space<semaphore_mem>>)
          %dma_wait3A = arith.constant 0 : i32
          %dma_wait3A_55 = tpu.memref_slice %arg7[%multiple_of3A, %dma_wait3A] : memref<50000x32xf32, #tpu.memory_space<hbm>> -> memref<400x32xf32, #tpu.memory_space<hbm>>
          %dma_wait3A_56 = arith.constant 0 : i32
          %dma_wait3A_57 = tpu.memref_slice %arg12[%multiple_of3A, %dma_wait3A_56] : memref<50000x32xf32, #tpu.memory_space<vmem_shared>> -> memref<400x32xf32, #tpu.memory_space<vmem_shared>>
          tpu.wait_dma2 semaphore(%run_scoped3A : memref<!tpu.dma_semaphore, #tpu.memory_space<semaphore_mem>>) src(%dma_wait3A_57 : memref<400x32xf32, #tpu.memory_space<vmem_shared>>) dst(%dma_wait3A_55 : memref<400x32xf32, #tpu.memory_space<hbm>>)
          tpu.yield
        }) : () -> ()
        %while3A_51 = arith.constant 0 : i32
        scf.yield %while3A_51 : i32
      }
    } else {
    }
    return
  }
}

#map = affine_map<(d0, d1) -> (0)>
#map1 = affine_map<(d0, d1) -> (0, 0)>
module attributes {stable_mosaic.version = 14 : i64} {
  func.func @k(%arg0: i32, %arg1: i32, %arg2: memref<800000xi32, #tpu.memory_space<hbm>>, %arg3: memref<800000xi32, #tpu.memory_space<hbm>>, %arg4: memref<50000x32xf32, #tpu.memory_space<hbm>>, %arg5: memref<50000x32xf32, #tpu.memory_space<hbm>>, %arg6: memref<50000x32xf32, #tpu.memory_space<hbm>>, %arg7: memref<50000x32xf32, #tpu.memory_space<hbm>>, %arg8: memref<80xi32, #tpu.memory_space<vmem>>, %arg9: memref<80xi32, #tpu.memory_space<vmem>>, %arg10: memref<80x32xf32, #tpu.memory_space<vmem>>, %arg11: memref<400x32xf32, #tpu.memory_space<vmem>>, %arg12: memref<50000x32xf32, #tpu.memory_space<vmem_shared>>) attributes {dimension_semantics = [#tpu.dimension_semantics<core_parallel>, #tpu.dimension_semantics<subcore_parallel>], iteration_bounds = array<i64: 2, 16>, scalar_prefetch = 0 : i64, scratch_operands = 5 : i64, tpu.core_type = #tpu.core_type<sc_vector_subcore>, window_params = [{transform_indices = #map}, {transform_indices = #map}, {transform_indices = #map1}, {transform_indices = #map1}, {transform_indices = #map1}, {transform_indices = #map1}]} {
    %scan3A = arith.constant 0 : i32
    %scan3A_0 = arith.constant 0 : i32
    %scan3A_1 = arith.constant 400 : i32
    %scan3A_2 = arith.addi %scan3A_0, %scan3A_1 : i32
    %scan3A_3 = arith.constant 1 : i32
    %scan3A_4 = scf.for %scan3A_26 = %scan3A_0 to %scan3A_2 step %scan3A_3 iter_args(%scan3A_27 = %scan3A) -> (i32)  : i32 {
      %broadcast_in_dim3A = arith.constant 0.000000e+00 : f32
      %broadcast_in_dim3A_28 = vector.broadcast %broadcast_in_dim3A : f32 to vector<16xf32>
      %swap3A = arith.index_cast %scan3A_26 : i32 to index
      %swap3A_29 = arith.constant 0 : index
      %swap3A_30 = tpu.vector_load %arg11[%swap3A, %swap3A_29] {strides = array<i32>} : memref<400x32xf32, #tpu.memory_space<vmem>>, vector<1x16xf32>,
      %swap3A_31 = vector.shape_cast %swap3A_30 : vector<1x16xf32> to vector<16xf32>
      %swap3A_32 = vector.shape_cast %broadcast_in_dim3A_28 : vector<16xf32> to vector<1x16xf32>
      tpu.vector_store %arg11[%swap3A, %swap3A_29], %swap3A_32 {strides = array<i32>} : memref<400x32xf32, #tpu.memory_space<vmem>>, vector<1x16xf32>,
      %broadcast_in_dim3A_33 = arith.constant 0.000000e+00 : f32
      %broadcast_in_dim3A_34 = vector.broadcast %broadcast_in_dim3A_33 : f32 to vector<16xf32>
      %swap3A_35 = arith.index_cast %scan3A_26 : i32 to index
      %swap3A_36 = arith.constant 16 : index
      %swap3A_37 = tpu.vector_load %arg11[%swap3A_35, %swap3A_36] {strides = array<i32>} : memref<400x32xf32, #tpu.memory_space<vmem>>, vector<1x16xf32>,
      %swap3A_38 = vector.shape_cast %swap3A_37 : vector<1x16xf32> to vector<16xf32>
      %swap3A_39 = vector.shape_cast %broadcast_in_dim3A_34 : vector<16xf32> to vector<1x16xf32>
      tpu.vector_store %arg11[%swap3A_35, %swap3A_36], %swap3A_39 {strides = array<i32>} : memref<400x32xf32, #tpu.memory_space<vmem>>, vector<1x16xf32>,
      %scan3A_40 = arith.constant 0 : i32
      scf.yield %scan3A_40 : i32
    }
    %scan3A_5 = arith.constant 400 : i32
    %lt3A = arith.constant 13 : i32
    %lt3A_6 = arith.cmpi slt, %arg1, %lt3A : i32
    %jit3A = arith.constant 8 : i32
    %jit3A_7 = arith.constant 7 : i32
    %select_n3A = arith.select %lt3A_6, %jit3A, %jit3A_7 : i32
    %while3A = arith.constant 0 : i32
    %while3A_8 = arith.constant 0 : i32
    %while3A_9 = arith.subi %select_n3A, %while3A : i32
    %while3A_10 = arith.addi %while3A, %while3A_9 : i32
    %while3A_11 = arith.constant 1 : i32
    %while3A_12 = arith.divsi %while3A_9, %while3A_11 : i32
    %while3A_13 = arith.muli %while3A_12, %while3A_11 : i32
    %while3A_14 = arith.addi %while3A, %while3A_13 : i32
    %while3A_15 = arith.constant 1 : i32
    %while3A_16 = scf.for %while3A_26 = %while3A to %while3A_14 step %while3A_15 iter_args(%while3A_27 = %while3A_8) -> (i32)  : i32 {
      %mul3A = arith.constant 16 : i32
      %mul3A_28 = arith.muli %while3A_26, %mul3A : i32
      %add3A = arith.addi %mul3A_28, %arg1 : i32
      %mul3A_29 = arith.constant 400 : i32
      %mul3A_30 = arith.muli %add3A, %mul3A_29 : i32
      %multiple_of3A = tpu.assume_multiple %mul3A_30, 400 : i32
      "tpu.region"() ({
        %run_scoped3A = tpu.sem_alloc : memref<!tpu.dma_semaphore, #tpu.memory_space<semaphore_mem>>
        %dma_start3A = arith.constant 0 : i32
        %dma_start3A_32 = tpu.memref_slice %arg12[%multiple_of3A, %dma_start3A] : memref<50000x32xf32, #tpu.memory_space<vmem_shared>> -> memref<400x32xf32, #tpu.memory_space<vmem_shared>>
        %dma_start3A_33 = arith.constant 0 : i32
        %dma_start3A_34 = tpu.memref_slice %arg12[%multiple_of3A, %dma_start3A_33] : memref<50000x32xf32, #tpu.memory_space<vmem_shared>> -> memref<400x32xf32, #tpu.memory_space<vmem_shared>>
        tpu.enqueue_dma source(%arg11 : memref<400x32xf32, #tpu.memory_space<vmem>>) target(%dma_start3A_34 : memref<400x32xf32, #tpu.memory_space<vmem_shared>>) target_semaphore(%run_scoped3A : memref<!tpu.dma_semaphore, #tpu.memory_space<semaphore_mem>>)
        %dma_wait3A = arith.constant 0 : i32
        %dma_wait3A_35 = tpu.memref_slice %arg12[%multiple_of3A, %dma_wait3A] : memref<50000x32xf32, #tpu.memory_space<vmem_shared>> -> memref<400x32xf32, #tpu.memory_space<vmem_shared>>
        %dma_wait3A_36 = arith.constant 0 : i32
        %dma_wait3A_37 = tpu.memref_slice %arg12[%multiple_of3A, %dma_wait3A_36] : memref<50000x32xf32, #tpu.memory_space<vmem_shared>> -> memref<400x32xf32, #tpu.memory_space<vmem_shared>>
        tpu.wait_dma2 semaphore(%run_scoped3A : memref<!tpu.dma_semaphore, #tpu.memory_space<semaphore_mem>>) src(%arg11 : memref<400x32xf32, #tpu.memory_space<vmem>>) dst(%dma_wait3A_37 : memref<400x32xf32, #tpu.memory_space<vmem_shared>>)
        tpu.yield
      }) : () -> ()
      %while3A_31 = arith.constant 0 : i32
      scf.yield %while3A_31 : i32
    }
    %while3A_17 = arith.constant 1 : i32
    %while3A_18 = scf.for %while3A_26 = %while3A_14 to %while3A_10 step %while3A_17 iter_args(%while3A_27 = %while3A_16) -> (i32)  : i32 {
      %mul3A = arith.constant 16 : i32
      %mul3A_28 = arith.muli %while3A_26, %mul3A : i32
      %add3A = arith.addi %mul3A_28, %arg1 : i32
      %mul3A_29 = arith.constant 400 : i32
      %mul3A_30 = arith.muli %add3A, %mul3A_29 : i32
      %multiple_of3A = tpu.assume_multiple %mul3A_30, 400 : i32
      "tpu.region"() ({
        %run_scoped3A = tpu.sem_alloc : memref<!tpu.dma_semaphore, #tpu.memory_space<semaphore_mem>>
        %dma_start3A = arith.constant 0 : i32
        %dma_start3A_32 = tpu.memref_slice %arg12[%multiple_of3A, %dma_start3A] : memref<50000x32xf32, #tpu.memory_space<vmem_shared>> -> memref<400x32xf32, #tpu.memory_space<vmem_shared>>
        %dma_start3A_33 = arith.constant 0 : i32
        %dma_start3A_34 = tpu.memref_slice %arg12[%multiple_of3A, %dma_start3A_33] : memref<50000x32xf32, #tpu.memory_space<vmem_shared>> -> memref<400x32xf32, #tpu.memory_space<vmem_shared>>
        tpu.enqueue_dma source(%arg11 : memref<400x32xf32, #tpu.memory_space<vmem>>) target(%dma_start3A_34 : memref<400x32xf32, #tpu.memory_space<vmem_shared>>) target_semaphore(%run_scoped3A : memref<!tpu.dma_semaphore, #tpu.memory_space<semaphore_mem>>)
        %dma_wait3A = arith.constant 0 : i32
        %dma_wait3A_35 = tpu.memref_slice %arg12[%multiple_of3A, %dma_wait3A] : memref<50000x32xf32, #tpu.memory_space<vmem_shared>> -> memref<400x32xf32, #tpu.memory_space<vmem_shared>>
        %dma_wait3A_36 = arith.constant 0 : i32
        %dma_wait3A_37 = tpu.memref_slice %arg12[%multiple_of3A, %dma_wait3A_36] : memref<50000x32xf32, #tpu.memory_space<vmem_shared>> -> memref<400x32xf32, #tpu.memory_space<vmem_shared>>
        tpu.wait_dma2 semaphore(%run_scoped3A : memref<!tpu.dma_semaphore, #tpu.memory_space<semaphore_mem>>) src(%arg11 : memref<400x32xf32, #tpu.memory_space<vmem>>) dst(%dma_wait3A_37 : memref<400x32xf32, #tpu.memory_space<vmem_shared>>)
        tpu.yield
      }) : () -> ()
      %while3A_31 = arith.constant 0 : i32
      scf.yield %while3A_31 : i32
    }
    %barrier3A = arith.constant 0 : index
    tpu.barrier barrier_id(%barrier3A)
    %eq3A = arith.constant 0 : i32
    %eq3A_19 = arith.cmpi eq, %arg0, %eq3A : i32
    %convert_element_type3A = arith.extui %eq3A_19 : i1 to i32
    %cond3A = arith.constant 0 : i32
    %cond3A_20 = arith.cmpi ne, %convert_element_type3A, %cond3A : i32
    scf.if %cond3A_20 {
      %scan3A_26 = arith.constant 0 : i32
      %scan3A_27 = arith.constant 0 : i32
      %scan3A_28 = arith.constant 625 : i32
      %scan3A_29 = arith.addi %scan3A_27, %scan3A_28 : i32
      %scan3A_30 = arith.constant 1 : i32
      %scan3A_31 = scf.for %scan3A_46 = %scan3A_27 to %scan3A_29 step %scan3A_30 iter_args(%scan3A_47 = %scan3A_26) -> (i32)  : i32 {
        %mul3A = arith.constant 16 : i32
        %mul3A_48 = arith.muli %scan3A_46, %mul3A : i32
        %add3A = arith.addi %mul3A_48, %arg1 : i32
        %mul3A_49 = arith.constant 80 : i32
        %mul3A_50 = arith.muli %add3A, %mul3A_49 : i32
        %multiple_of3A = tpu.assume_multiple %mul3A_50, 80 : i32
        "tpu.region"() ({
          %run_scoped3A = tpu.sem_alloc : memref<!tpu.dma_semaphore, #tpu.memory_space<semaphore_mem>>
          %dma_start3A = tpu.memref_slice %arg2[%multiple_of3A] : memref<800000xi32, #tpu.memory_space<hbm>> -> memref<80xi32, #tpu.memory_space<hbm>>
          %dma_start3A_52 = tpu.memref_slice %arg2[%multiple_of3A] : memref<800000xi32, #tpu.memory_space<hbm>> -> memref<80xi32, #tpu.memory_space<hbm>>
          tpu.enqueue_dma source(%dma_start3A_52 : memref<80xi32, #tpu.memory_space<hbm>>) target(%arg8 : memref<80xi32, #tpu.memory_space<vmem>>) target_semaphore(%run_scoped3A : memref<!tpu.dma_semaphore, #tpu.memory_space<semaphore_mem>>)
          %dma_wait3A = tpu.memref_slice %arg2[%multiple_of3A] : memref<800000xi32, #tpu.memory_space<hbm>> -> memref<80xi32, #tpu.memory_space<hbm>>
          %dma_wait3A_53 = tpu.memref_slice %arg2[%multiple_of3A] : memref<800000xi32, #tpu.memory_space<hbm>> -> memref<80xi32, #tpu.memory_space<hbm>>
          tpu.wait_dma2 semaphore(%run_scoped3A : memref<!tpu.dma_semaphore, #tpu.memory_space<semaphore_mem>>) src(%dma_wait3A_53 : memref<80xi32, #tpu.memory_space<hbm>>) dst(%arg8 : memref<80xi32, #tpu.memory_space<vmem>>)
          tpu.yield
        }) : () -> ()
        "tpu.region"() ({
          %run_scoped3A = tpu.sem_alloc : memref<!tpu.dma_semaphore, #tpu.memory_space<semaphore_mem>>
          %dma_start3A = tpu.memref_slice %arg3[%multiple_of3A] : memref<800000xi32, #tpu.memory_space<hbm>> -> memref<80xi32, #tpu.memory_space<hbm>>
          %dma_start3A_52 = tpu.memref_slice %arg3[%multiple_of3A] : memref<800000xi32, #tpu.memory_space<hbm>> -> memref<80xi32, #tpu.memory_space<hbm>>
          tpu.enqueue_dma source(%dma_start3A_52 : memref<80xi32, #tpu.memory_space<hbm>>) target(%arg9 : memref<80xi32, #tpu.memory_space<vmem>>) target_semaphore(%run_scoped3A : memref<!tpu.dma_semaphore, #tpu.memory_space<semaphore_mem>>)
          %dma_wait3A = tpu.memref_slice %arg3[%multiple_of3A] : memref<800000xi32, #tpu.memory_space<hbm>> -> memref<80xi32, #tpu.memory_space<hbm>>
          %dma_wait3A_53 = tpu.memref_slice %arg3[%multiple_of3A] : memref<800000xi32, #tpu.memory_space<hbm>> -> memref<80xi32, #tpu.memory_space<hbm>>
          tpu.wait_dma2 semaphore(%run_scoped3A : memref<!tpu.dma_semaphore, #tpu.memory_space<semaphore_mem>>) src(%dma_wait3A_53 : memref<80xi32, #tpu.memory_space<hbm>>) dst(%arg9 : memref<80xi32, #tpu.memory_space<vmem>>)
          tpu.yield
        }) : () -> ()
        "tpu.region"() ({
          %run_scoped3A = tpu.sem_alloc : memref<!tpu.dma_semaphore, #tpu.memory_space<semaphore_mem>>
          %dma_start3A = arith.constant 0 : i32
          %dma_start3A_52 = arith.constant 0 : i32
          %dma_start3A_53 = tpu.memref_slice %arg4[%dma_start3A, %dma_start3A_52] : memref<50000x32xf32, #tpu.memory_space<hbm>> -> memref<50000x32xf32, #tpu.memory_space<hbm>>
          tpu.enqueue_indirect_dma source(%dma_start3A_53 : memref<50000x32xf32, #tpu.memory_space<hbm>>) target(%arg10 : memref<80x32xf32, #tpu.memory_space<vmem>>) offsets(%arg8 : memref<80xi32, #tpu.memory_space<vmem>>) semaphore(%run_scoped3A : memref<!tpu.dma_semaphore, #tpu.memory_space<semaphore_mem>>)
          %dma_wait3A = arith.constant 0 : i32
          %dma_wait3A_54 = arith.constant 0 : i32
          %dma_wait3A_55 = tpu.memref_slice %arg4[%dma_wait3A, %dma_wait3A_54] : memref<50000x32xf32, #tpu.memory_space<hbm>> -> memref<50000x32xf32, #tpu.memory_space<hbm>>
          tpu.wait_indirect_dma semaphore(%run_scoped3A : memref<!tpu.dma_semaphore, #tpu.memory_space<semaphore_mem>>) src(%dma_wait3A_55 : memref<50000x32xf32, #tpu.memory_space<hbm>>) dst(%arg10 : memref<80x32xf32, #tpu.memory_space<vmem>>)
          tpu.yield
        }) : () -> ()
        "tpu.region"() ({
          %run_scoped3A = tpu.sem_alloc : memref<!tpu.dma_semaphore, #tpu.memory_space<semaphore_mem>>
          %dma_start3A = arith.constant 0 : i32
          %dma_start3A_52 = arith.constant 0 : i32
          %dma_start3A_53 = tpu.memref_slice %arg12[%dma_start3A, %dma_start3A_52] : memref<50000x32xf32, #tpu.memory_space<vmem_shared>> -> memref<50000x32xf32, #tpu.memory_space<vmem_shared>>
          tpu.enqueue_indirect_dma source(%arg10 : memref<80x32xf32, #tpu.memory_space<vmem>>) target(%dma_start3A_53 : memref<50000x32xf32, #tpu.memory_space<vmem_shared>>) offsets(%arg9 : memref<80xi32, #tpu.memory_space<vmem>>) semaphore(%run_scoped3A : memref<!tpu.dma_semaphore, #tpu.memory_space<semaphore_mem>>) {add = true}
          %dma_wait3A = arith.constant 0 : i32
          %dma_wait3A_54 = arith.constant 0 : i32
          %dma_wait3A_55 = tpu.memref_slice %arg12[%dma_wait3A, %dma_wait3A_54] : memref<50000x32xf32, #tpu.memory_space<vmem_shared>> -> memref<50000x32xf32, #tpu.memory_space<vmem_shared>>
          tpu.wait_indirect_dma semaphore(%run_scoped3A : memref<!tpu.dma_semaphore, #tpu.memory_space<semaphore_mem>>) src(%arg10 : memref<80x32xf32, #tpu.memory_space<vmem>>) dst(%dma_wait3A_55 : memref<50000x32xf32, #tpu.memory_space<vmem_shared>>)
          tpu.yield
        }) : () -> ()
        %scan3A_51 = arith.constant 0 : i32
        scf.yield %scan3A_51 : i32
      }
      %scan3A_32 = arith.constant 625 : i32
      %barrier3A_33 = arith.constant 0 : index
      tpu.barrier barrier_id(%barrier3A_33)
      %while3A_34 = arith.constant 0 : i32
      %while3A_35 = arith.constant 0 : i32
      %while3A_36 = arith.subi %select_n3A, %while3A_34 : i32
      %while3A_37 = arith.addi %while3A_34, %while3A_36 : i32
      %while3A_38 = arith.constant 1 : i32
      %while3A_39 = arith.divsi %while3A_36, %while3A_38 : i32
      %while3A_40 = arith.muli %while3A_39, %while3A_38 : i32
      %while3A_41 = arith.addi %while3A_34, %while3A_40 : i32
      %while3A_42 = arith.constant 1 : i32
      %while3A_43 = scf.for %while3A_46 = %while3A_34 to %while3A_41 step %while3A_42 iter_args(%while3A_47 = %while3A_35) -> (i32)  : i32 {
        %mul3A = arith.constant 16 : i32
        %mul3A_48 = arith.muli %while3A_46, %mul3A : i32
        %add3A = arith.addi %mul3A_48, %arg1 : i32
        %mul3A_49 = arith.constant 400 : i32
        %mul3A_50 = arith.muli %add3A, %mul3A_49 : i32
        %multiple_of3A = tpu.assume_multiple %mul3A_50, 400 : i32
        "tpu.region"() ({
          %run_scoped3A = tpu.sem_alloc : memref<!tpu.dma_semaphore, #tpu.memory_space<semaphore_mem>>
          %dma_start3A = arith.constant 0 : i32
          %dma_start3A_52 = tpu.memref_slice %arg6[%multiple_of3A, %dma_start3A] : memref<50000x32xf32, #tpu.memory_space<hbm>> -> memref<400x32xf32, #tpu.memory_space<hbm>>
          %dma_start3A_53 = arith.constant 0 : i32
          %dma_start3A_54 = tpu.memref_slice %arg12[%multiple_of3A, %dma_start3A_53] : memref<50000x32xf32, #tpu.memory_space<vmem_shared>> -> memref<400x32xf32, #tpu.memory_space<vmem_shared>>
          tpu.enqueue_dma source(%dma_start3A_54 : memref<400x32xf32, #tpu.memory_space<vmem_shared>>) target(%dma_start3A_52 : memref<400x32xf32, #tpu.memory_space<hbm>>) target_semaphore(%run_scoped3A : memref<!tpu.dma_semaphore, #tpu.memory_space<semaphore_mem>>)
          %dma_wait3A = arith.constant 0 : i32
          %dma_wait3A_55 = tpu.memref_slice %arg6[%multiple_of3A, %dma_wait3A] : memref<50000x32xf32, #tpu.memory_space<hbm>> -> memref<400x32xf32, #tpu.memory_space<hbm>>
          %dma_wait3A_56 = arith.constant 0 : i32
          %dma_wait3A_57 = tpu.memref_slice %arg12[%multiple_of3A, %dma_wait3A_56] : memref<50000x32xf32, #tpu.memory_space<vmem_shared>> -> memref<400x32xf32, #tpu.memory_space<vmem_shared>>
          tpu.wait_dma2 semaphore(%run_scoped3A : memref<!tpu.dma_semaphore, #tpu.memory_space<semaphore_mem>>) src(%dma_wait3A_57 : memref<400x32xf32, #tpu.memory_space<vmem_shared>>) dst(%dma_wait3A_55 : memref<400x32xf32, #tpu.memory_space<hbm>>)
          tpu.yield
        }) : () -> ()
        %while3A_51 = arith.constant 0 : i32
        scf.yield %while3A_51 : i32
      }
      %while3A_44 = arith.constant 1 : i32
      %while3A_45 = scf.for %while3A_46 = %while3A_41 to %while3A_37 step %while3A_44 iter_args(%while3A_47 = %while3A_43) -> (i32)  : i32 {
        %mul3A = arith.constant 16 : i32
        %mul3A_48 = arith.muli %while3A_46, %mul3A : i32
        %add3A = arith.addi %mul3A_48, %arg1 : i32
        %mul3A_49 = arith.constant 400 : i32
        %mul3A_50 = arith.muli %add3A, %mul3A_49 : i32
        %multiple_of3A = tpu.assume_multiple %mul3A_50, 400 : i32
        "tpu.region"() ({
          %run_scoped3A = tpu.sem_alloc : memref<!tpu.dma_semaphore, #tpu.memory_space<semaphore_mem>>
          %dma_start3A = arith.constant 0 : i32
          %dma_start3A_52 = tpu.memref_slice %arg6[%multiple_of3A, %dma_start3A] : memref<50000x32xf32, #tpu.memory_space<hbm>> -> memref<400x32xf32, #tpu.memory_space<hbm>>
          %dma_start3A_53 = arith.constant 0 : i32
          %dma_start3A_54 = tpu.memref_slice %arg12[%multiple_of3A, %dma_start3A_53] : memref<50000x32xf32, #tpu.memory_space<vmem_shared>> -> memref<400x32xf32, #tpu.memory_space<vmem_shared>>
          tpu.enqueue_dma source(%dma_start3A_54 : memref<400x32xf32, #tpu.memory_space<vmem_shared>>) target(%dma_start3A_52 : memref<400x32xf32, #tpu.memory_space<hbm>>) target_semaphore(%run_scoped3A : memref<!tpu.dma_semaphore, #tpu.memory_space<semaphore_mem>>)
          %dma_wait3A = arith.constant 0 : i32
          %dma_wait3A_55 = tpu.memref_slice %arg6[%multiple_of3A, %dma_wait3A] : memref<50000x32xf32, #tpu.memory_space<hbm>> -> memref<400x32xf32, #tpu.memory_space<hbm>>
          %dma_wait3A_56 = arith.constant 0 : i32
          %dma_wait3A_57 = tpu.memref_slice %arg12[%multiple_of3A, %dma_wait3A_56] : memref<50000x32xf32, #tpu.memory_space<vmem_shared>> -> memref<400x32xf32, #tpu.memory_space<vmem_shared>>
          tpu.wait_dma2 semaphore(%run_scoped3A : memref<!tpu.dma_semaphore, #tpu.memory_space<semaphore_mem>>) src(%dma_wait3A_57 : memref<400x32xf32, #tpu.memory_space<vmem_shared>>) dst(%dma_wait3A_55 : memref<400x32xf32, #tpu.memory_space<hbm>>)
          tpu.yield
        }) : () -> ()
        %while3A_51 = arith.constant 0 : i32
        scf.yield %while3A_51 : i32
      }
    } else {
    }
    %eq3A_21 = arith.constant 1 : i32
    %eq3A_22 = arith.cmpi eq, %arg0, %eq3A_21 : i32
    %convert_element_type3A_23 = arith.extui %eq3A_22 : i1 to i32
    %cond3A_24 = arith.constant 0 : i32
    %cond3A_25 = arith.cmpi ne, %convert_element_type3A_23, %cond3A_24 : i32
    scf.if %cond3A_25 {
      %scan3A_26 = arith.constant 0 : i32
      %scan3A_27 = arith.constant 0 : i32
      %scan3A_28 = arith.constant 625 : i32
      %scan3A_29 = arith.addi %scan3A_27, %scan3A_28 : i32
      %scan3A_30 = arith.constant 1 : i32
      %scan3A_31 = scf.for %scan3A_46 = %scan3A_27 to %scan3A_29 step %scan3A_30 iter_args(%scan3A_47 = %scan3A_26) -> (i32)  : i32 {
        %mul3A = arith.constant 16 : i32
        %mul3A_48 = arith.muli %scan3A_46, %mul3A : i32
        %add3A = arith.addi %mul3A_48, %arg1 : i32
        %mul3A_49 = arith.constant 80 : i32
        %mul3A_50 = arith.muli %add3A, %mul3A_49 : i32
        %multiple_of3A = tpu.assume_multiple %mul3A_50, 80 : i32
        "tpu.region"() ({
          %run_scoped3A = tpu.sem_alloc : memref<!tpu.dma_semaphore, #tpu.memory_space<semaphore_mem>>
          %dma_start3A = tpu.memref_slice %arg2[%multiple_of3A] : memref<800000xi32, #tpu.memory_space<hbm>> -> memref<80xi32, #tpu.memory_space<hbm>>
          %dma_start3A_52 = tpu.memref_slice %arg2[%multiple_of3A] : memref<800000xi32, #tpu.memory_space<hbm>> -> memref<80xi32, #tpu.memory_space<hbm>>
          tpu.enqueue_dma source(%dma_start3A_52 : memref<80xi32, #tpu.memory_space<hbm>>) target(%arg8 : memref<80xi32, #tpu.memory_space<vmem>>) target_semaphore(%run_scoped3A : memref<!tpu.dma_semaphore, #tpu.memory_space<semaphore_mem>>)
          %dma_wait3A = tpu.memref_slice %arg2[%multiple_of3A] : memref<800000xi32, #tpu.memory_space<hbm>> -> memref<80xi32, #tpu.memory_space<hbm>>
          %dma_wait3A_53 = tpu.memref_slice %arg2[%multiple_of3A] : memref<800000xi32, #tpu.memory_space<hbm>> -> memref<80xi32, #tpu.memory_space<hbm>>
          tpu.wait_dma2 semaphore(%run_scoped3A : memref<!tpu.dma_semaphore, #tpu.memory_space<semaphore_mem>>) src(%dma_wait3A_53 : memref<80xi32, #tpu.memory_space<hbm>>) dst(%arg8 : memref<80xi32, #tpu.memory_space<vmem>>)
          tpu.yield
        }) : () -> ()
        "tpu.region"() ({
          %run_scoped3A = tpu.sem_alloc : memref<!tpu.dma_semaphore, #tpu.memory_space<semaphore_mem>>
          %dma_start3A = tpu.memref_slice %arg3[%multiple_of3A] : memref<800000xi32, #tpu.memory_space<hbm>> -> memref<80xi32, #tpu.memory_space<hbm>>
          %dma_start3A_52 = tpu.memref_slice %arg3[%multiple_of3A] : memref<800000xi32, #tpu.memory_space<hbm>> -> memref<80xi32, #tpu.memory_space<hbm>>
          tpu.enqueue_dma source(%dma_start3A_52 : memref<80xi32, #tpu.memory_space<hbm>>) target(%arg9 : memref<80xi32, #tpu.memory_space<vmem>>) target_semaphore(%run_scoped3A : memref<!tpu.dma_semaphore, #tpu.memory_space<semaphore_mem>>)
          %dma_wait3A = tpu.memref_slice %arg3[%multiple_of3A] : memref<800000xi32, #tpu.memory_space<hbm>> -> memref<80xi32, #tpu.memory_space<hbm>>
          %dma_wait3A_53 = tpu.memref_slice %arg3[%multiple_of3A] : memref<800000xi32, #tpu.memory_space<hbm>> -> memref<80xi32, #tpu.memory_space<hbm>>
          tpu.wait_dma2 semaphore(%run_scoped3A : memref<!tpu.dma_semaphore, #tpu.memory_space<semaphore_mem>>) src(%dma_wait3A_53 : memref<80xi32, #tpu.memory_space<hbm>>) dst(%arg9 : memref<80xi32, #tpu.memory_space<vmem>>)
          tpu.yield
        }) : () -> ()
        "tpu.region"() ({
          %run_scoped3A = tpu.sem_alloc : memref<!tpu.dma_semaphore, #tpu.memory_space<semaphore_mem>>
          %dma_start3A = arith.constant 0 : i32
          %dma_start3A_52 = arith.constant 0 : i32
          %dma_start3A_53 = tpu.memref_slice %arg5[%dma_start3A, %dma_start3A_52] : memref<50000x32xf32, #tpu.memory_space<hbm>> -> memref<50000x32xf32, #tpu.memory_space<hbm>>
          tpu.enqueue_indirect_dma source(%dma_start3A_53 : memref<50000x32xf32, #tpu.memory_space<hbm>>) target(%arg10 : memref<80x32xf32, #tpu.memory_space<vmem>>) offsets(%arg8 : memref<80xi32, #tpu.memory_space<vmem>>) semaphore(%run_scoped3A : memref<!tpu.dma_semaphore, #tpu.memory_space<semaphore_mem>>)
          %dma_wait3A = arith.constant 0 : i32
          %dma_wait3A_54 = arith.constant 0 : i32
          %dma_wait3A_55 = tpu.memref_slice %arg5[%dma_wait3A, %dma_wait3A_54] : memref<50000x32xf32, #tpu.memory_space<hbm>> -> memref<50000x32xf32, #tpu.memory_space<hbm>>
          tpu.wait_indirect_dma semaphore(%run_scoped3A : memref<!tpu.dma_semaphore, #tpu.memory_space<semaphore_mem>>) src(%dma_wait3A_55 : memref<50000x32xf32, #tpu.memory_space<hbm>>) dst(%arg10 : memref<80x32xf32, #tpu.memory_space<vmem>>)
          tpu.yield
        }) : () -> ()
        "tpu.region"() ({
          %run_scoped3A = tpu.sem_alloc : memref<!tpu.dma_semaphore, #tpu.memory_space<semaphore_mem>>
          %dma_start3A = arith.constant 0 : i32
          %dma_start3A_52 = arith.constant 0 : i32
          %dma_start3A_53 = tpu.memref_slice %arg12[%dma_start3A, %dma_start3A_52] : memref<50000x32xf32, #tpu.memory_space<vmem_shared>> -> memref<50000x32xf32, #tpu.memory_space<vmem_shared>>
          tpu.enqueue_indirect_dma source(%arg10 : memref<80x32xf32, #tpu.memory_space<vmem>>) target(%dma_start3A_53 : memref<50000x32xf32, #tpu.memory_space<vmem_shared>>) offsets(%arg9 : memref<80xi32, #tpu.memory_space<vmem>>) semaphore(%run_scoped3A : memref<!tpu.dma_semaphore, #tpu.memory_space<semaphore_mem>>) {add = true}
          %dma_wait3A = arith.constant 0 : i32
          %dma_wait3A_54 = arith.constant 0 : i32
          %dma_wait3A_55 = tpu.memref_slice %arg12[%dma_wait3A, %dma_wait3A_54] : memref<50000x32xf32, #tpu.memory_space<vmem_shared>> -> memref<50000x32xf32, #tpu.memory_space<vmem_shared>>
          tpu.wait_indirect_dma semaphore(%run_scoped3A : memref<!tpu.dma_semaphore, #tpu.memory_space<semaphore_mem>>) src(%arg10 : memref<80x32xf32, #tpu.memory_space<vmem>>) dst(%dma_wait3A_55 : memref<50000x32xf32, #tpu.memory_space<vmem_shared>>)
          tpu.yield
        }) : () -> ()
        %scan3A_51 = arith.constant 0 : i32
        scf.yield %scan3A_51 : i32
      }
      %scan3A_32 = arith.constant 625 : i32
      %barrier3A_33 = arith.constant 0 : index
      tpu.barrier barrier_id(%barrier3A_33)
      %while3A_34 = arith.constant 0 : i32
      %while3A_35 = arith.constant 0 : i32
      %while3A_36 = arith.subi %select_n3A, %while3A_34 : i32
      %while3A_37 = arith.addi %while3A_34, %while3A_36 : i32
      %while3A_38 = arith.constant 1 : i32
      %while3A_39 = arith.divsi %while3A_36, %while3A_38 : i32
      %while3A_40 = arith.muli %while3A_39, %while3A_38 : i32
      %while3A_41 = arith.addi %while3A_34, %while3A_40 : i32
      %while3A_42 = arith.constant 1 : i32
      %while3A_43 = scf.for %while3A_46 = %while3A_34 to %while3A_41 step %while3A_42 iter_args(%while3A_47 = %while3A_35) -> (i32)  : i32 {
        %mul3A = arith.constant 16 : i32
        %mul3A_48 = arith.muli %while3A_46, %mul3A : i32
        %add3A = arith.addi %mul3A_48, %arg1 : i32
        %mul3A_49 = arith.constant 400 : i32
        %mul3A_50 = arith.muli %add3A, %mul3A_49 : i32
        %multiple_of3A = tpu.assume_multiple %mul3A_50, 400 : i32
        "tpu.region"() ({
          %run_scoped3A = tpu.sem_alloc : memref<!tpu.dma_semaphore, #tpu.memory_space<semaphore_mem>>
          %dma_start3A = arith.constant 0 : i32
          %dma_start3A_52 = tpu.memref_slice %arg7[%multiple_of3A, %dma_start3A] : memref<50000x32xf32, #tpu.memory_space<hbm>> -> memref<400x32xf32, #tpu.memory_space<hbm>>
          %dma_start3A_53 = arith.constant 0 : i32
          %dma_start3A_54 = tpu.memref_slice %arg12[%multiple_of3A, %dma_start3A_53] : memref<50000x32xf32, #tpu.memory_space<vmem_shared>> -> memref<400x32xf32, #tpu.memory_space<vmem_shared>>
          tpu.enqueue_dma source(%dma_start3A_54 : memref<400x32xf32, #tpu.memory_space<vmem_shared>>) target(%dma_start3A_52 : memref<400x32xf32, #tpu.memory_space<hbm>>) target_semaphore(%run_scoped3A : memref<!tpu.dma_semaphore, #tpu.memory_space<semaphore_mem>>)
          %dma_wait3A = arith.constant 0 : i32
          %dma_wait3A_55 = tpu.memref_slice %arg7[%multiple_of3A, %dma_wait3A] : memref<50000x32xf32, #tpu.memory_space<hbm>> -> memref<400x32xf32, #tpu.memory_space<hbm>>
          %dma_wait3A_56 = arith.constant 0 : i32
          %dma_wait3A_57 = tpu.memref_slice %arg12[%multiple_of3A, %dma_wait3A_56] : memref<50000x32xf32, #tpu.memory_space<vmem_shared>> -> memref<400x32xf32, #tpu.memory_space<vmem_shared>>
          tpu.wait_dma2 semaphore(%run_scoped3A : memref<!tpu.dma_semaphore, #tpu.memory_space<semaphore_mem>>) src(%dma_wait3A_57 : memref<400x32xf32, #tpu.memory_space<vmem_shared>>) dst(%dma_wait3A_55 : memref<400x32xf32, #tpu.memory_space<hbm>>)
          tpu.yield
        }) : () -> ()
        %while3A_51 = arith.constant 0 : i32
        scf.yield %while3A_51 : i32
      }
      %while3A_44 = arith.constant 1 : i32
      %while3A_45 = scf.for %while3A_46 = %while3A_41 to %while3A_37 step %while3A_44 iter_args(%while3A_47 = %while3A_43) -> (i32)  : i32 {
        %mul3A = arith.constant 16 : i32
        %mul3A_48 = arith.muli %while3A_46, %mul3A : i32
        %add3A = arith.addi %mul3A_48, %arg1 : i32
        %mul3A_49 = arith.constant 400 : i32
        %mul3A_50 = arith.muli %add3A, %mul3A_49 : i32
        %multiple_of3A = tpu.assume_multiple %mul3A_50, 400 : i32
        "tpu.region"() ({
          %run_scoped3A = tpu.sem_alloc : memref<!tpu.dma_semaphore, #tpu.memory_space<semaphore_mem>>
          %dma_start3A = arith.constant 0 : i32
          %dma_start3A_52 = tpu.memref_slice %arg7[%multiple_of3A, %dma_start3A] : memref<50000x32xf32, #tpu.memory_space<hbm>> -> memref<400x32xf32, #tpu.memory_space<hbm>>
          %dma_start3A_53 = arith.constant 0 : i32
          %dma_start3A_54 = tpu.memref_slice %arg12[%multiple_of3A, %dma_start3A_53] : memref<50000x32xf32, #tpu.memory_space<vmem_shared>> -> memref<400x32xf32, #tpu.memory_space<vmem_shared>>
          tpu.enqueue_dma source(%dma_start3A_54 : memref<400x32xf32, #tpu.memory_space<vmem_shared>>) target(%dma_start3A_52 : memref<400x32xf32, #tpu.memory_space<hbm>>) target_semaphore(%run_scoped3A : memref<!tpu.dma_semaphore, #tpu.memory_space<semaphore_mem>>)
          %dma_wait3A = arith.constant 0 : i32
          %dma_wait3A_55 = tpu.memref_slice %arg7[%multiple_of3A, %dma_wait3A] : memref<50000x32xf32, #tpu.memory_space<hbm>> -> memref<400x32xf32, #tpu.memory_space<hbm>>
          %dma_wait3A_56 = arith.constant 0 : i32
          %dma_wait3A_57 = tpu.memref_slice %arg12[%multiple_of3A, %dma_wait3A_56] : memref<50000x32xf32, #tpu.memory_space<vmem_shared>> -> memref<400x32xf32, #tpu.memory_space<vmem_shared>>
          tpu.wait_dma2 semaphore(%run_scoped3A : memref<!tpu.dma_semaphore, #tpu.memory_space<semaphore_mem>>) src(%dma_wait3A_57 : memref<400x32xf32, #tpu.memory_space<vmem_shared>>) dst(%dma_wait3A_55 : memref<400x32xf32, #tpu.memory_space<hbm>>)
          tpu.yield
        }) : () -> ()
        %while3A_51 = arith.constant 0 : i32
        scf.yield %while3A_51 : i32
      }
    } else {
    }
    return
  }
}

#map = affine_map<(d0, d1) -> (0)>
#map1 = affine_map<(d0, d1) -> (0, 0)>
module attributes {stable_mosaic.version = 14 : i64} {
  func.func @k(%arg0: i32, %arg1: i32, %arg2: memref<800000xi32, #tpu.memory_space<hbm>>, %arg3: memref<800000xi32, #tpu.memory_space<hbm>>, %arg4: memref<50000x32xf32, #tpu.memory_space<hbm>>, %arg5: memref<50000x32xf32, #tpu.memory_space<hbm>>, %arg6: memref<50000x32xf32, #tpu.memory_space<hbm>>, %arg7: memref<50000x32xf32, #tpu.memory_space<hbm>>, %arg8: memref<80xi32, #tpu.memory_space<vmem>>, %arg9: memref<80xi32, #tpu.memory_space<vmem>>, %arg10: memref<80x32xf32, #tpu.memory_space<vmem>>, %arg11: memref<400x32xf32, #tpu.memory_space<vmem>>, %arg12: memref<50000x32xf32, #tpu.memory_space<vmem_shared>>) attributes {dimension_semantics = [#tpu.dimension_semantics<core_parallel>, #tpu.dimension_semantics<subcore_parallel>], iteration_bounds = array<i64: 2, 16>, scalar_prefetch = 0 : i64, scratch_operands = 5 : i64, tpu.core_type = #tpu.core_type<sc_vector_subcore>, window_params = [{transform_indices = #map}, {transform_indices = #map}, {transform_indices = #map1}, {transform_indices = #map1}, {transform_indices = #map1}, {transform_indices = #map1}]} {
    %scan3A = arith.constant 0 : i32
    %scan3A_0 = arith.constant 0 : i32
    %scan3A_1 = arith.constant 400 : i32
    %scan3A_2 = arith.addi %scan3A_0, %scan3A_1 : i32
    %scan3A_3 = arith.constant 1 : i32
    %scan3A_4 = scf.for %scan3A_26 = %scan3A_0 to %scan3A_2 step %scan3A_3 iter_args(%scan3A_27 = %scan3A) -> (i32)  : i32 {
      %broadcast_in_dim3A = arith.constant 0.000000e+00 : f32
      %broadcast_in_dim3A_28 = vector.broadcast %broadcast_in_dim3A : f32 to vector<16xf32>
      %swap3A = arith.index_cast %scan3A_26 : i32 to index
      %swap3A_29 = arith.constant 0 : index
      %swap3A_30 = tpu.vector_load %arg11[%swap3A, %swap3A_29] {strides = array<i32>} : memref<400x32xf32, #tpu.memory_space<vmem>>, vector<1x16xf32>,
      %swap3A_31 = vector.shape_cast %swap3A_30 : vector<1x16xf32> to vector<16xf32>
      %swap3A_32 = vector.shape_cast %broadcast_in_dim3A_28 : vector<16xf32> to vector<1x16xf32>
      tpu.vector_store %arg11[%swap3A, %swap3A_29], %swap3A_32 {strides = array<i32>} : memref<400x32xf32, #tpu.memory_space<vmem>>, vector<1x16xf32>,
      %broadcast_in_dim3A_33 = arith.constant 0.000000e+00 : f32
      %broadcast_in_dim3A_34 = vector.broadcast %broadcast_in_dim3A_33 : f32 to vector<16xf32>
      %swap3A_35 = arith.index_cast %scan3A_26 : i32 to index
      %swap3A_36 = arith.constant 16 : index
      %swap3A_37 = tpu.vector_load %arg11[%swap3A_35, %swap3A_36] {strides = array<i32>} : memref<400x32xf32, #tpu.memory_space<vmem>>, vector<1x16xf32>,
      %swap3A_38 = vector.shape_cast %swap3A_37 : vector<1x16xf32> to vector<16xf32>
      %swap3A_39 = vector.shape_cast %broadcast_in_dim3A_34 : vector<16xf32> to vector<1x16xf32>
      tpu.vector_store %arg11[%swap3A_35, %swap3A_36], %swap3A_39 {strides = array<i32>} : memref<400x32xf32, #tpu.memory_space<vmem>>, vector<1x16xf32>,
      %scan3A_40 = arith.constant 0 : i32
      scf.yield %scan3A_40 : i32
    }
    %scan3A_5 = arith.constant 400 : i32
    %lt3A = arith.constant 13 : i32
    %lt3A_6 = arith.cmpi slt, %arg1, %lt3A : i32
    %jit3A = arith.constant 8 : i32
    %jit3A_7 = arith.constant 7 : i32
    %select_n3A = arith.select %lt3A_6, %jit3A, %jit3A_7 : i32
    %while3A = arith.constant 0 : i32
    %while3A_8 = arith.constant 0 : i32
    %while3A_9 = arith.subi %select_n3A, %while3A : i32
    %while3A_10 = arith.addi %while3A, %while3A_9 : i32
    %while3A_11 = arith.constant 1 : i32
    %while3A_12 = arith.divsi %while3A_9, %while3A_11 : i32
    %while3A_13 = arith.muli %while3A_12, %while3A_11 : i32
    %while3A_14 = arith.addi %while3A, %while3A_13 : i32
    %while3A_15 = arith.constant 1 : i32
    %while3A_16 = scf.for %while3A_26 = %while3A to %while3A_14 step %while3A_15 iter_args(%while3A_27 = %while3A_8) -> (i32)  : i32 {
      %mul3A = arith.constant 16 : i32
      %mul3A_28 = arith.muli %while3A_26, %mul3A : i32
      %add3A = arith.addi %mul3A_28, %arg1 : i32
      %mul3A_29 = arith.constant 400 : i32
      %mul3A_30 = arith.muli %add3A, %mul3A_29 : i32
      %multiple_of3A = tpu.assume_multiple %mul3A_30, 400 : i32
      "tpu.region"() ({
        %run_scoped3A = tpu.sem_alloc : memref<!tpu.dma_semaphore, #tpu.memory_space<semaphore_mem>>
        %dma_start3A = arith.constant 0 : i32
        %dma_start3A_32 = tpu.memref_slice %arg12[%multiple_of3A, %dma_start3A] : memref<50000x32xf32, #tpu.memory_space<vmem_shared>> -> memref<400x32xf32, #tpu.memory_space<vmem_shared>>
        %dma_start3A_33 = arith.constant 0 : i32
        %dma_start3A_34 = tpu.memref_slice %arg12[%multiple_of3A, %dma_start3A_33] : memref<50000x32xf32, #tpu.memory_space<vmem_shared>> -> memref<400x32xf32, #tpu.memory_space<vmem_shared>>
        tpu.enqueue_dma source(%arg11 : memref<400x32xf32, #tpu.memory_space<vmem>>) target(%dma_start3A_34 : memref<400x32xf32, #tpu.memory_space<vmem_shared>>) target_semaphore(%run_scoped3A : memref<!tpu.dma_semaphore, #tpu.memory_space<semaphore_mem>>)
        %dma_wait3A = arith.constant 0 : i32
        %dma_wait3A_35 = tpu.memref_slice %arg12[%multiple_of3A, %dma_wait3A] : memref<50000x32xf32, #tpu.memory_space<vmem_shared>> -> memref<400x32xf32, #tpu.memory_space<vmem_shared>>
        %dma_wait3A_36 = arith.constant 0 : i32
        %dma_wait3A_37 = tpu.memref_slice %arg12[%multiple_of3A, %dma_wait3A_36] : memref<50000x32xf32, #tpu.memory_space<vmem_shared>> -> memref<400x32xf32, #tpu.memory_space<vmem_shared>>
        tpu.wait_dma2 semaphore(%run_scoped3A : memref<!tpu.dma_semaphore, #tpu.memory_space<semaphore_mem>>) src(%arg11 : memref<400x32xf32, #tpu.memory_space<vmem>>) dst(%dma_wait3A_37 : memref<400x32xf32, #tpu.memory_space<vmem_shared>>)
        tpu.yield
      }) : () -> ()
      %while3A_31 = arith.constant 0 : i32
      scf.yield %while3A_31 : i32
    }
    %while3A_17 = arith.constant 1 : i32
    %while3A_18 = scf.for %while3A_26 = %while3A_14 to %while3A_10 step %while3A_17 iter_args(%while3A_27 = %while3A_16) -> (i32)  : i32 {
      %mul3A = arith.constant 16 : i32
      %mul3A_28 = arith.muli %while3A_26, %mul3A : i32
      %add3A = arith.addi %mul3A_28, %arg1 : i32
      %mul3A_29 = arith.constant 400 : i32
      %mul3A_30 = arith.muli %add3A, %mul3A_29 : i32
      %multiple_of3A = tpu.assume_multiple %mul3A_30, 400 : i32
      "tpu.region"() ({
        %run_scoped3A = tpu.sem_alloc : memref<!tpu.dma_semaphore, #tpu.memory_space<semaphore_mem>>
        %dma_start3A = arith.constant 0 : i32
        %dma_start3A_32 = tpu.memref_slice %arg12[%multiple_of3A, %dma_start3A] : memref<50000x32xf32, #tpu.memory_space<vmem_shared>> -> memref<400x32xf32, #tpu.memory_space<vmem_shared>>
        %dma_start3A_33 = arith.constant 0 : i32
        %dma_start3A_34 = tpu.memref_slice %arg12[%multiple_of3A, %dma_start3A_33] : memref<50000x32xf32, #tpu.memory_space<vmem_shared>> -> memref<400x32xf32, #tpu.memory_space<vmem_shared>>
        tpu.enqueue_dma source(%arg11 : memref<400x32xf32, #tpu.memory_space<vmem>>) target(%dma_start3A_34 : memref<400x32xf32, #tpu.memory_space<vmem_shared>>) target_semaphore(%run_scoped3A : memref<!tpu.dma_semaphore, #tpu.memory_space<semaphore_mem>>)
        %dma_wait3A = arith.constant 0 : i32
        %dma_wait3A_35 = tpu.memref_slice %arg12[%multiple_of3A, %dma_wait3A] : memref<50000x32xf32, #tpu.memory_space<vmem_shared>> -> memref<400x32xf32, #tpu.memory_space<vmem_shared>>
        %dma_wait3A_36 = arith.constant 0 : i32
        %dma_wait3A_37 = tpu.memref_slice %arg12[%multiple_of3A, %dma_wait3A_36] : memref<50000x32xf32, #tpu.memory_space<vmem_shared>> -> memref<400x32xf32, #tpu.memory_space<vmem_shared>>
        tpu.wait_dma2 semaphore(%run_scoped3A : memref<!tpu.dma_semaphore, #tpu.memory_space<semaphore_mem>>) src(%arg11 : memref<400x32xf32, #tpu.memory_space<vmem>>) dst(%dma_wait3A_37 : memref<400x32xf32, #tpu.memory_space<vmem_shared>>)
        tpu.yield
      }) : () -> ()
      %while3A_31 = arith.constant 0 : i32
      scf.yield %while3A_31 : i32
    }
    %barrier3A = arith.constant 0 : index
    tpu.barrier barrier_id(%barrier3A)
    %eq3A = arith.constant 0 : i32
    %eq3A_19 = arith.cmpi eq, %arg0, %eq3A : i32
    %convert_element_type3A = arith.extui %eq3A_19 : i1 to i32
    %cond3A = arith.constant 0 : i32
    %cond3A_20 = arith.cmpi ne, %convert_element_type3A, %cond3A : i32
    scf.if %cond3A_20 {
      %scan3A_26 = arith.constant 0 : i32
      %scan3A_27 = arith.constant 0 : i32
      %scan3A_28 = arith.constant 625 : i32
      %scan3A_29 = arith.addi %scan3A_27, %scan3A_28 : i32
      %scan3A_30 = arith.constant 1 : i32
      %scan3A_31 = scf.for %scan3A_46 = %scan3A_27 to %scan3A_29 step %scan3A_30 iter_args(%scan3A_47 = %scan3A_26) -> (i32)  : i32 {
        %mul3A = arith.constant 16 : i32
        %mul3A_48 = arith.muli %scan3A_46, %mul3A : i32
        %add3A = arith.addi %mul3A_48, %arg1 : i32
        %mul3A_49 = arith.constant 80 : i32
        %mul3A_50 = arith.muli %add3A, %mul3A_49 : i32
        %multiple_of3A = tpu.assume_multiple %mul3A_50, 80 : i32
        "tpu.region"() ({
          %run_scoped3A = tpu.sem_alloc : memref<!tpu.dma_semaphore, #tpu.memory_space<semaphore_mem>>
          %dma_start3A = tpu.memref_slice %arg2[%multiple_of3A] : memref<800000xi32, #tpu.memory_space<hbm>> -> memref<80xi32, #tpu.memory_space<hbm>>
          %dma_start3A_52 = tpu.memref_slice %arg2[%multiple_of3A] : memref<800000xi32, #tpu.memory_space<hbm>> -> memref<80xi32, #tpu.memory_space<hbm>>
          tpu.enqueue_dma source(%dma_start3A_52 : memref<80xi32, #tpu.memory_space<hbm>>) target(%arg8 : memref<80xi32, #tpu.memory_space<vmem>>) target_semaphore(%run_scoped3A : memref<!tpu.dma_semaphore, #tpu.memory_space<semaphore_mem>>)
          %dma_wait3A = tpu.memref_slice %arg2[%multiple_of3A] : memref<800000xi32, #tpu.memory_space<hbm>> -> memref<80xi32, #tpu.memory_space<hbm>>
          %dma_wait3A_53 = tpu.memref_slice %arg2[%multiple_of3A] : memref<800000xi32, #tpu.memory_space<hbm>> -> memref<80xi32, #tpu.memory_space<hbm>>
          tpu.wait_dma2 semaphore(%run_scoped3A : memref<!tpu.dma_semaphore, #tpu.memory_space<semaphore_mem>>) src(%dma_wait3A_53 : memref<80xi32, #tpu.memory_space<hbm>>) dst(%arg8 : memref<80xi32, #tpu.memory_space<vmem>>)
          tpu.yield
        }) : () -> ()
        "tpu.region"() ({
          %run_scoped3A = tpu.sem_alloc : memref<!tpu.dma_semaphore, #tpu.memory_space<semaphore_mem>>
          %dma_start3A = tpu.memref_slice %arg3[%multiple_of3A] : memref<800000xi32, #tpu.memory_space<hbm>> -> memref<80xi32, #tpu.memory_space<hbm>>
          %dma_start3A_52 = tpu.memref_slice %arg3[%multiple_of3A] : memref<800000xi32, #tpu.memory_space<hbm>> -> memref<80xi32, #tpu.memory_space<hbm>>
          tpu.enqueue_dma source(%dma_start3A_52 : memref<80xi32, #tpu.memory_space<hbm>>) target(%arg9 : memref<80xi32, #tpu.memory_space<vmem>>) target_semaphore(%run_scoped3A : memref<!tpu.dma_semaphore, #tpu.memory_space<semaphore_mem>>)
          %dma_wait3A = tpu.memref_slice %arg3[%multiple_of3A] : memref<800000xi32, #tpu.memory_space<hbm>> -> memref<80xi32, #tpu.memory_space<hbm>>
          %dma_wait3A_53 = tpu.memref_slice %arg3[%multiple_of3A] : memref<800000xi32, #tpu.memory_space<hbm>> -> memref<80xi32, #tpu.memory_space<hbm>>
          tpu.wait_dma2 semaphore(%run_scoped3A : memref<!tpu.dma_semaphore, #tpu.memory_space<semaphore_mem>>) src(%dma_wait3A_53 : memref<80xi32, #tpu.memory_space<hbm>>) dst(%arg9 : memref<80xi32, #tpu.memory_space<vmem>>)
          tpu.yield
        }) : () -> ()
        "tpu.region"() ({
          %run_scoped3A = tpu.sem_alloc : memref<!tpu.dma_semaphore, #tpu.memory_space<semaphore_mem>>
          %dma_start3A = arith.constant 0 : i32
          %dma_start3A_52 = arith.constant 0 : i32
          %dma_start3A_53 = tpu.memref_slice %arg4[%dma_start3A, %dma_start3A_52] : memref<50000x32xf32, #tpu.memory_space<hbm>> -> memref<50000x32xf32, #tpu.memory_space<hbm>>
          tpu.enqueue_indirect_dma source(%dma_start3A_53 : memref<50000x32xf32, #tpu.memory_space<hbm>>) target(%arg10 : memref<80x32xf32, #tpu.memory_space<vmem>>) offsets(%arg8 : memref<80xi32, #tpu.memory_space<vmem>>) semaphore(%run_scoped3A : memref<!tpu.dma_semaphore, #tpu.memory_space<semaphore_mem>>)
          %dma_wait3A = arith.constant 0 : i32
          %dma_wait3A_54 = arith.constant 0 : i32
          %dma_wait3A_55 = tpu.memref_slice %arg4[%dma_wait3A, %dma_wait3A_54] : memref<50000x32xf32, #tpu.memory_space<hbm>> -> memref<50000x32xf32, #tpu.memory_space<hbm>>
          tpu.wait_indirect_dma semaphore(%run_scoped3A : memref<!tpu.dma_semaphore, #tpu.memory_space<semaphore_mem>>) src(%dma_wait3A_55 : memref<50000x32xf32, #tpu.memory_space<hbm>>) dst(%arg10 : memref<80x32xf32, #tpu.memory_space<vmem>>)
          tpu.yield
        }) : () -> ()
        "tpu.region"() ({
          %run_scoped3A = tpu.sem_alloc : memref<!tpu.dma_semaphore, #tpu.memory_space<semaphore_mem>>
          %dma_start3A = arith.constant 0 : i32
          %dma_start3A_52 = arith.constant 0 : i32
          %dma_start3A_53 = tpu.memref_slice %arg12[%dma_start3A, %dma_start3A_52] : memref<50000x32xf32, #tpu.memory_space<vmem_shared>> -> memref<50000x32xf32, #tpu.memory_space<vmem_shared>>
          tpu.enqueue_indirect_dma source(%arg10 : memref<80x32xf32, #tpu.memory_space<vmem>>) target(%dma_start3A_53 : memref<50000x32xf32, #tpu.memory_space<vmem_shared>>) offsets(%arg9 : memref<80xi32, #tpu.memory_space<vmem>>) semaphore(%run_scoped3A : memref<!tpu.dma_semaphore, #tpu.memory_space<semaphore_mem>>) {add = true}
          %dma_wait3A = arith.constant 0 : i32
          %dma_wait3A_54 = arith.constant 0 : i32
          %dma_wait3A_55 = tpu.memref_slice %arg12[%dma_wait3A, %dma_wait3A_54] : memref<50000x32xf32, #tpu.memory_space<vmem_shared>> -> memref<50000x32xf32, #tpu.memory_space<vmem_shared>>
          tpu.wait_indirect_dma semaphore(%run_scoped3A : memref<!tpu.dma_semaphore, #tpu.memory_space<semaphore_mem>>) src(%arg10 : memref<80x32xf32, #tpu.memory_space<vmem>>) dst(%dma_wait3A_55 : memref<50000x32xf32, #tpu.memory_space<vmem_shared>>)
          tpu.yield
        }) : () -> ()
        %scan3A_51 = arith.constant 0 : i32
        scf.yield %scan3A_51 : i32
      }
      %scan3A_32 = arith.constant 625 : i32
      %barrier3A_33 = arith.constant 0 : index
      tpu.barrier barrier_id(%barrier3A_33)
      %while3A_34 = arith.constant 0 : i32
      %while3A_35 = arith.constant 0 : i32
      %while3A_36 = arith.subi %select_n3A, %while3A_34 : i32
      %while3A_37 = arith.addi %while3A_34, %while3A_36 : i32
      %while3A_38 = arith.constant 1 : i32
      %while3A_39 = arith.divsi %while3A_36, %while3A_38 : i32
      %while3A_40 = arith.muli %while3A_39, %while3A_38 : i32
      %while3A_41 = arith.addi %while3A_34, %while3A_40 : i32
      %while3A_42 = arith.constant 1 : i32
      %while3A_43 = scf.for %while3A_46 = %while3A_34 to %while3A_41 step %while3A_42 iter_args(%while3A_47 = %while3A_35) -> (i32)  : i32 {
        %mul3A = arith.constant 16 : i32
        %mul3A_48 = arith.muli %while3A_46, %mul3A : i32
        %add3A = arith.addi %mul3A_48, %arg1 : i32
        %mul3A_49 = arith.constant 400 : i32
        %mul3A_50 = arith.muli %add3A, %mul3A_49 : i32
        %multiple_of3A = tpu.assume_multiple %mul3A_50, 400 : i32
        "tpu.region"() ({
          %run_scoped3A = tpu.sem_alloc : memref<!tpu.dma_semaphore, #tpu.memory_space<semaphore_mem>>
          %dma_start3A = arith.constant 0 : i32
          %dma_start3A_52 = tpu.memref_slice %arg6[%multiple_of3A, %dma_start3A] : memref<50000x32xf32, #tpu.memory_space<hbm>> -> memref<400x32xf32, #tpu.memory_space<hbm>>
          %dma_start3A_53 = arith.constant 0 : i32
          %dma_start3A_54 = tpu.memref_slice %arg12[%multiple_of3A, %dma_start3A_53] : memref<50000x32xf32, #tpu.memory_space<vmem_shared>> -> memref<400x32xf32, #tpu.memory_space<vmem_shared>>
          tpu.enqueue_dma source(%dma_start3A_54 : memref<400x32xf32, #tpu.memory_space<vmem_shared>>) target(%dma_start3A_52 : memref<400x32xf32, #tpu.memory_space<hbm>>) target_semaphore(%run_scoped3A : memref<!tpu.dma_semaphore, #tpu.memory_space<semaphore_mem>>)
          %dma_wait3A = arith.constant 0 : i32
          %dma_wait3A_55 = tpu.memref_slice %arg6[%multiple_of3A, %dma_wait3A] : memref<50000x32xf32, #tpu.memory_space<hbm>> -> memref<400x32xf32, #tpu.memory_space<hbm>>
          %dma_wait3A_56 = arith.constant 0 : i32
          %dma_wait3A_57 = tpu.memref_slice %arg12[%multiple_of3A, %dma_wait3A_56] : memref<50000x32xf32, #tpu.memory_space<vmem_shared>> -> memref<400x32xf32, #tpu.memory_space<vmem_shared>>
          tpu.wait_dma2 semaphore(%run_scoped3A : memref<!tpu.dma_semaphore, #tpu.memory_space<semaphore_mem>>) src(%dma_wait3A_57 : memref<400x32xf32, #tpu.memory_space<vmem_shared>>) dst(%dma_wait3A_55 : memref<400x32xf32, #tpu.memory_space<hbm>>)
          tpu.yield
        }) : () -> ()
        %while3A_51 = arith.constant 0 : i32
        scf.yield %while3A_51 : i32
      }
      %while3A_44 = arith.constant 1 : i32
      %while3A_45 = scf.for %while3A_46 = %while3A_41 to %while3A_37 step %while3A_44 iter_args(%while3A_47 = %while3A_43) -> (i32)  : i32 {
        %mul3A = arith.constant 16 : i32
        %mul3A_48 = arith.muli %while3A_46, %mul3A : i32
        %add3A = arith.addi %mul3A_48, %arg1 : i32
        %mul3A_49 = arith.constant 400 : i32
        %mul3A_50 = arith.muli %add3A, %mul3A_49 : i32
        %multiple_of3A = tpu.assume_multiple %mul3A_50, 400 : i32
        "tpu.region"() ({
          %run_scoped3A = tpu.sem_alloc : memref<!tpu.dma_semaphore, #tpu.memory_space<semaphore_mem>>
          %dma_start3A = arith.constant 0 : i32
          %dma_start3A_52 = tpu.memref_slice %arg6[%multiple_of3A, %dma_start3A] : memref<50000x32xf32, #tpu.memory_space<hbm>> -> memref<400x32xf32, #tpu.memory_space<hbm>>
          %dma_start3A_53 = arith.constant 0 : i32
          %dma_start3A_54 = tpu.memref_slice %arg12[%multiple_of3A, %dma_start3A_53] : memref<50000x32xf32, #tpu.memory_space<vmem_shared>> -> memref<400x32xf32, #tpu.memory_space<vmem_shared>>
          tpu.enqueue_dma source(%dma_start3A_54 : memref<400x32xf32, #tpu.memory_space<vmem_shared>>) target(%dma_start3A_52 : memref<400x32xf32, #tpu.memory_space<hbm>>) target_semaphore(%run_scoped3A : memref<!tpu.dma_semaphore, #tpu.memory_space<semaphore_mem>>)
          %dma_wait3A = arith.constant 0 : i32
          %dma_wait3A_55 = tpu.memref_slice %arg6[%multiple_of3A, %dma_wait3A] : memref<50000x32xf32, #tpu.memory_space<hbm>> -> memref<400x32xf32, #tpu.memory_space<hbm>>
          %dma_wait3A_56 = arith.constant 0 : i32
          %dma_wait3A_57 = tpu.memref_slice %arg12[%multiple_of3A, %dma_wait3A_56] : memref<50000x32xf32, #tpu.memory_space<vmem_shared>> -> memref<400x32xf32, #tpu.memory_space<vmem_shared>>
          tpu.wait_dma2 semaphore(%run_scoped3A : memref<!tpu.dma_semaphore, #tpu.memory_space<semaphore_mem>>) src(%dma_wait3A_57 : memref<400x32xf32, #tpu.memory_space<vmem_shared>>) dst(%dma_wait3A_55 : memref<400x32xf32, #tpu.memory_space<hbm>>)
          tpu.yield
        }) : () -> ()
        %while3A_51 = arith.constant 0 : i32
        scf.yield %while3A_51 : i32
      }
    } else {
    }
    %eq3A_21 = arith.constant 1 : i32
    %eq3A_22 = arith.cmpi eq, %arg0, %eq3A_21 : i32
    %convert_element_type3A_23 = arith.extui %eq3A_22 : i1 to i32
    %cond3A_24 = arith.constant 0 : i32
    %cond3A_25 = arith.cmpi ne, %convert_element_type3A_23, %cond3A_24 : i32
    scf.if %cond3A_25 {
      %scan3A_26 = arith.constant 0 : i32
      %scan3A_27 = arith.constant 0 : i32
      %scan3A_28 = arith.constant 625 : i32
      %scan3A_29 = arith.addi %scan3A_27, %scan3A_28 : i32
      %scan3A_30 = arith.constant 1 : i32
      %scan3A_31 = scf.for %scan3A_46 = %scan3A_27 to %scan3A_29 step %scan3A_30 iter_args(%scan3A_47 = %scan3A_26) -> (i32)  : i32 {
        %mul3A = arith.constant 16 : i32
        %mul3A_48 = arith.muli %scan3A_46, %mul3A : i32
        %add3A = arith.addi %mul3A_48, %arg1 : i32
        %mul3A_49 = arith.constant 80 : i32
        %mul3A_50 = arith.muli %add3A, %mul3A_49 : i32
        %multiple_of3A = tpu.assume_multiple %mul3A_50, 80 : i32
        "tpu.region"() ({
          %run_scoped3A = tpu.sem_alloc : memref<!tpu.dma_semaphore, #tpu.memory_space<semaphore_mem>>
          %dma_start3A = tpu.memref_slice %arg2[%multiple_of3A] : memref<800000xi32, #tpu.memory_space<hbm>> -> memref<80xi32, #tpu.memory_space<hbm>>
          %dma_start3A_52 = tpu.memref_slice %arg2[%multiple_of3A] : memref<800000xi32, #tpu.memory_space<hbm>> -> memref<80xi32, #tpu.memory_space<hbm>>
          tpu.enqueue_dma source(%dma_start3A_52 : memref<80xi32, #tpu.memory_space<hbm>>) target(%arg8 : memref<80xi32, #tpu.memory_space<vmem>>) target_semaphore(%run_scoped3A : memref<!tpu.dma_semaphore, #tpu.memory_space<semaphore_mem>>)
          %dma_wait3A = tpu.memref_slice %arg2[%multiple_of3A] : memref<800000xi32, #tpu.memory_space<hbm>> -> memref<80xi32, #tpu.memory_space<hbm>>
          %dma_wait3A_53 = tpu.memref_slice %arg2[%multiple_of3A] : memref<800000xi32, #tpu.memory_space<hbm>> -> memref<80xi32, #tpu.memory_space<hbm>>
          tpu.wait_dma2 semaphore(%run_scoped3A : memref<!tpu.dma_semaphore, #tpu.memory_space<semaphore_mem>>) src(%dma_wait3A_53 : memref<80xi32, #tpu.memory_space<hbm>>) dst(%arg8 : memref<80xi32, #tpu.memory_space<vmem>>)
          tpu.yield
        }) : () -> ()
        "tpu.region"() ({
          %run_scoped3A = tpu.sem_alloc : memref<!tpu.dma_semaphore, #tpu.memory_space<semaphore_mem>>
          %dma_start3A = tpu.memref_slice %arg3[%multiple_of3A] : memref<800000xi32, #tpu.memory_space<hbm>> -> memref<80xi32, #tpu.memory_space<hbm>>
          %dma_start3A_52 = tpu.memref_slice %arg3[%multiple_of3A] : memref<800000xi32, #tpu.memory_space<hbm>> -> memref<80xi32, #tpu.memory_space<hbm>>
          tpu.enqueue_dma source(%dma_start3A_52 : memref<80xi32, #tpu.memory_space<hbm>>) target(%arg9 : memref<80xi32, #tpu.memory_space<vmem>>) target_semaphore(%run_scoped3A : memref<!tpu.dma_semaphore, #tpu.memory_space<semaphore_mem>>)
          %dma_wait3A = tpu.memref_slice %arg3[%multiple_of3A] : memref<800000xi32, #tpu.memory_space<hbm>> -> memref<80xi32, #tpu.memory_space<hbm>>
          %dma_wait3A_53 = tpu.memref_slice %arg3[%multiple_of3A] : memref<800000xi32, #tpu.memory_space<hbm>> -> memref<80xi32, #tpu.memory_space<hbm>>
          tpu.wait_dma2 semaphore(%run_scoped3A : memref<!tpu.dma_semaphore, #tpu.memory_space<semaphore_mem>>) src(%dma_wait3A_53 : memref<80xi32, #tpu.memory_space<hbm>>) dst(%arg9 : memref<80xi32, #tpu.memory_space<vmem>>)
          tpu.yield
        }) : () -> ()
        "tpu.region"() ({
          %run_scoped3A = tpu.sem_alloc : memref<!tpu.dma_semaphore, #tpu.memory_space<semaphore_mem>>
          %dma_start3A = arith.constant 0 : i32
          %dma_start3A_52 = arith.constant 0 : i32
          %dma_start3A_53 = tpu.memref_slice %arg5[%dma_start3A, %dma_start3A_52] : memref<50000x32xf32, #tpu.memory_space<hbm>> -> memref<50000x32xf32, #tpu.memory_space<hbm>>
          tpu.enqueue_indirect_dma source(%dma_start3A_53 : memref<50000x32xf32, #tpu.memory_space<hbm>>) target(%arg10 : memref<80x32xf32, #tpu.memory_space<vmem>>) offsets(%arg8 : memref<80xi32, #tpu.memory_space<vmem>>) semaphore(%run_scoped3A : memref<!tpu.dma_semaphore, #tpu.memory_space<semaphore_mem>>)
          %dma_wait3A = arith.constant 0 : i32
          %dma_wait3A_54 = arith.constant 0 : i32
          %dma_wait3A_55 = tpu.memref_slice %arg5[%dma_wait3A, %dma_wait3A_54] : memref<50000x32xf32, #tpu.memory_space<hbm>> -> memref<50000x32xf32, #tpu.memory_space<hbm>>
          tpu.wait_indirect_dma semaphore(%run_scoped3A : memref<!tpu.dma_semaphore, #tpu.memory_space<semaphore_mem>>) src(%dma_wait3A_55 : memref<50000x32xf32, #tpu.memory_space<hbm>>) dst(%arg10 : memref<80x32xf32, #tpu.memory_space<vmem>>)
          tpu.yield
        }) : () -> ()
        "tpu.region"() ({
          %run_scoped3A = tpu.sem_alloc : memref<!tpu.dma_semaphore, #tpu.memory_space<semaphore_mem>>
          %dma_start3A = arith.constant 0 : i32
          %dma_start3A_52 = arith.constant 0 : i32
          %dma_start3A_53 = tpu.memref_slice %arg12[%dma_start3A, %dma_start3A_52] : memref<50000x32xf32, #tpu.memory_space<vmem_shared>> -> memref<50000x32xf32, #tpu.memory_space<vmem_shared>>
          tpu.enqueue_indirect_dma source(%arg10 : memref<80x32xf32, #tpu.memory_space<vmem>>) target(%dma_start3A_53 : memref<50000x32xf32, #tpu.memory_space<vmem_shared>>) offsets(%arg9 : memref<80xi32, #tpu.memory_space<vmem>>) semaphore(%run_scoped3A : memref<!tpu.dma_semaphore, #tpu.memory_space<semaphore_mem>>) {add = true}
          %dma_wait3A = arith.constant 0 : i32
          %dma_wait3A_54 = arith.constant 0 : i32
          %dma_wait3A_55 = tpu.memref_slice %arg12[%dma_wait3A, %dma_wait3A_54] : memref<50000x32xf32, #tpu.memory_space<vmem_shared>> -> memref<50000x32xf32, #tpu.memory_space<vmem_shared>>
          tpu.wait_indirect_dma semaphore(%run_scoped3A : memref<!tpu.dma_semaphore, #tpu.memory_space<semaphore_mem>>) src(%arg10 : memref<80x32xf32, #tpu.memory_space<vmem>>) dst(%dma_wait3A_55 : memref<50000x32xf32, #tpu.memory_space<vmem_shared>>)
          tpu.yield
        }) : () -> ()
        %scan3A_51 = arith.constant 0 : i32
        scf.yield %scan3A_51 : i32
      }
      %scan3A_32 = arith.constant 625 : i32
      %barrier3A_33 = arith.constant 0 : index
      tpu.barrier barrier_id(%barrier3A_33)
      %while3A_34 = arith.constant 0 : i32
      %while3A_35 = arith.constant 0 : i32
      %while3A_36 = arith.subi %select_n3A, %while3A_34 : i32
      %while3A_37 = arith.addi %while3A_34, %while3A_36 : i32
      %while3A_38 = arith.constant 1 : i32
      %while3A_39 = arith.divsi %while3A_36, %while3A_38 : i32
      %while3A_40 = arith.muli %while3A_39, %while3A_38 : i32
      %while3A_41 = arith.addi %while3A_34, %while3A_40 : i32
      %while3A_42 = arith.constant 1 : i32
      %while3A_43 = scf.for %while3A_46 = %while3A_34 to %while3A_41 step %while3A_42 iter_args(%while3A_47 = %while3A_35) -> (i32)  : i32 {
        %mul3A = arith.constant 16 : i32
        %mul3A_48 = arith.muli %while3A_46, %mul3A : i32
        %add3A = arith.addi %mul3A_48, %arg1 : i32
        %mul3A_49 = arith.constant 400 : i32
        %mul3A_50 = arith.muli %add3A, %mul3A_49 : i32
        %multiple_of3A = tpu.assume_multiple %mul3A_50, 400 : i32
        "tpu.region"() ({
          %run_scoped3A = tpu.sem_alloc : memref<!tpu.dma_semaphore, #tpu.memory_space<semaphore_mem>>
          %dma_start3A = arith.constant 0 : i32
          %dma_start3A_52 = tpu.memref_slice %arg7[%multiple_of3A, %dma_start3A] : memref<50000x32xf32, #tpu.memory_space<hbm>> -> memref<400x32xf32, #tpu.memory_space<hbm>>
          %dma_start3A_53 = arith.constant 0 : i32
          %dma_start3A_54 = tpu.memref_slice %arg12[%multiple_of3A, %dma_start3A_53] : memref<50000x32xf32, #tpu.memory_space<vmem_shared>> -> memref<400x32xf32, #tpu.memory_space<vmem_shared>>
          tpu.enqueue_dma source(%dma_start3A_54 : memref<400x32xf32, #tpu.memory_space<vmem_shared>>) target(%dma_start3A_52 : memref<400x32xf32, #tpu.memory_space<hbm>>) target_semaphore(%run_scoped3A : memref<!tpu.dma_semaphore, #tpu.memory_space<semaphore_mem>>)
          %dma_wait3A = arith.constant 0 : i32
          %dma_wait3A_55 = tpu.memref_slice %arg7[%multiple_of3A, %dma_wait3A] : memref<50000x32xf32, #tpu.memory_space<hbm>> -> memref<400x32xf32, #tpu.memory_space<hbm>>
          %dma_wait3A_56 = arith.constant 0 : i32
          %dma_wait3A_57 = tpu.memref_slice %arg12[%multiple_of3A, %dma_wait3A_56] : memref<50000x32xf32, #tpu.memory_space<vmem_shared>> -> memref<400x32xf32, #tpu.memory_space<vmem_shared>>
          tpu.wait_dma2 semaphore(%run_scoped3A : memref<!tpu.dma_semaphore, #tpu.memory_space<semaphore_mem>>) src(%dma_wait3A_57 : memref<400x32xf32, #tpu.memory_space<vmem_shared>>) dst(%dma_wait3A_55 : memref<400x32xf32, #tpu.memory_space<hbm>>)
          tpu.yield
        }) : () -> ()
        %while3A_51 = arith.constant 0 : i32
        scf.yield %while3A_51 : i32
      }
      %while3A_44 = arith.constant 1 : i32
      %while3A_45 = scf.for %while3A_46 = %while3A_41 to %while3A_37 step %while3A_44 iter_args(%while3A_47 = %while3A_43) -> (i32)  : i32 {
        %mul3A = arith.constant 16 : i32
        %mul3A_48 = arith.muli %while3A_46, %mul3A : i32
        %add3A = arith.addi %mul3A_48, %arg1 : i32
        %mul3A_49 = arith.constant 400 : i32
        %mul3A_50 = arith.muli %add3A, %mul3A_49 : i32
        %multiple_of3A = tpu.assume_multiple %mul3A_50, 400 : i32
        "tpu.region"() ({
          %run_scoped3A = tpu.sem_alloc : memref<!tpu.dma_semaphore, #tpu.memory_space<semaphore_mem>>
          %dma_start3A = arith.constant 0 : i32
          %dma_start3A_52 = tpu.memref_slice %arg7[%multiple_of3A, %dma_start3A] : memref<50000x32xf32, #tpu.memory_space<hbm>> -> memref<400x32xf32, #tpu.memory_space<hbm>>
          %dma_start3A_53 = arith.constant 0 : i32
          %dma_start3A_54 = tpu.memref_slice %arg12[%multiple_of3A, %dma_start3A_53] : memref<50000x32xf32, #tpu.memory_space<vmem_shared>> -> memref<400x32xf32, #tpu.memory_space<vmem_shared>>
          tpu.enqueue_dma source(%dma_start3A_54 : memref<400x32xf32, #tpu.memory_space<vmem_shared>>) target(%dma_start3A_52 : memref<400x32xf32, #tpu.memory_space<hbm>>) target_semaphore(%run_scoped3A : memref<!tpu.dma_semaphore, #tpu.memory_space<semaphore_mem>>)
          %dma_wait3A = arith.constant 0 : i32
          %dma_wait3A_55 = tpu.memref_slice %arg7[%multiple_of3A, %dma_wait3A] : memref<50000x32xf32, #tpu.memory_space<hbm>> -> memref<400x32xf32, #tpu.memory_space<hbm>>
          %dma_wait3A_56 = arith.constant 0 : i32
          %dma_wait3A_57 = tpu.memref_slice %arg12[%multiple_of3A, %dma_wait3A_56] : memref<50000x32xf32, #tpu.memory_space<vmem_shared>> -> memref<400x32xf32, #tpu.memory_space<vmem_shared>>
          tpu.wait_dma2 semaphore(%run_scoped3A : memref<!tpu.dma_semaphore, #tpu.memory_space<semaphore_mem>>) src(%dma_wait3A_57 : memref<400x32xf32, #tpu.memory_space<vmem_shared>>) dst(%dma_wait3A_55 : memref<400x32xf32, #tpu.memory_space<hbm>>)
          tpu.yield
        }) : () -> ()
        %while3A_51 = arith.constant 0 : i32
        scf.yield %while3A_51 : i32
      }
    } else {
    }
    return
  }
}

#map = affine_map<(d0, d1) -> (0)>
#map1 = affine_map<(d0, d1) -> (0, 0)>
module attributes {stable_mosaic.version = 14 : i64} {
  func.func @k(%arg0: i32, %arg1: i32, %arg2: memref<800000xi32, #tpu.memory_space<hbm>>, %arg3: memref<50000x16xf32, #tpu.memory_space<hbm>>, %arg4: memref<80xi32, #tpu.memory_space<vmem>>, %arg5: memref<80x16xf32, #tpu.memory_space<vmem>>, %arg6: memref<400x16xf32, #tpu.memory_space<vmem>>, %arg7: memref<50000x16xf32, #tpu.memory_space<vmem_shared>>) attributes {dimension_semantics = [#tpu.dimension_semantics<core_parallel>, #tpu.dimension_semantics<subcore_parallel>], iteration_bounds = array<i64: 2, 16>, scalar_prefetch = 0 : i64, scratch_operands = 4 : i64, tpu.core_type = #tpu.core_type<sc_vector_subcore>, window_params = [{transform_indices = #map}, {transform_indices = #map1}]} {
    %eq3A = arith.constant 0 : i32
    %eq3A_0 = arith.cmpi eq, %arg0, %eq3A : i32
    %convert_element_type3A = arith.extui %eq3A_0 : i1 to i32
    %cond3A = arith.constant 0 : i32
    %cond3A_1 = arith.cmpi ne, %convert_element_type3A, %cond3A : i32
    scf.if %cond3A_1 {
      %broadcast_in_dim3A = arith.constant 1.000000e+00 : f32
      %broadcast_in_dim3A_2 = vector.broadcast %broadcast_in_dim3A : f32 to vector<16xf32>
      %scan3A = arith.constant 0 : i32
      %scan3A_3 = arith.constant 0 : i32
      %scan3A_4 = arith.constant 80 : i32
      %scan3A_5 = arith.addi %scan3A_3, %scan3A_4 : i32
      %scan3A_6 = arith.constant 1 : i32
      %scan3A_7 = scf.for %scan3A_49 = %scan3A_3 to %scan3A_5 step %scan3A_6 iter_args(%scan3A_50 = %scan3A) -> (i32)  : i32 {
        %swap3A = arith.index_cast %scan3A_49 : i32 to index
        %swap3A_51 = arith.constant 0 : index
        %swap3A_52 = tpu.vector_load %arg5[%swap3A, %swap3A_51] {strides = array<i32>} : memref<80x16xf32, #tpu.memory_space<vmem>>, vector<1x16xf32>,
        %swap3A_53 = vector.shape_cast %swap3A_52 : vector<1x16xf32> to vector<16xf32>
        %swap3A_54 = vector.shape_cast %broadcast_in_dim3A_2 : vector<16xf32> to vector<1x16xf32>
        tpu.vector_store %arg5[%swap3A, %swap3A_51], %swap3A_54 {strides = array<i32>} : memref<80x16xf32, #tpu.memory_space<vmem>>, vector<1x16xf32>,
        %scan3A_55 = arith.constant 0 : i32
        scf.yield %scan3A_55 : i32
      }
      %scan3A_8 = arith.constant 80 : i32
      %scan3A_9 = arith.constant 0 : i32
      %scan3A_10 = arith.constant 0 : i32
      %scan3A_11 = arith.constant 400 : i32
      %scan3A_12 = arith.addi %scan3A_10, %scan3A_11 : i32
      %scan3A_13 = arith.constant 1 : i32
      %scan3A_14 = scf.for %scan3A_49 = %scan3A_10 to %scan3A_12 step %scan3A_13 iter_args(%scan3A_50 = %scan3A_9) -> (i32)  : i32 {
        %broadcast_in_dim3A_51 = arith.constant 0.000000e+00 : f32
        %broadcast_in_dim3A_52 = vector.broadcast %broadcast_in_dim3A_51 : f32 to vector<16xf32>
        %swap3A = arith.index_cast %scan3A_49 : i32 to index
        %swap3A_53 = arith.constant 0 : index
        %swap3A_54 = tpu.vector_load %arg6[%swap3A, %swap3A_53] {strides = array<i32>} : memref<400x16xf32, #tpu.memory_space<vmem>>, vector<1x16xf32>,
        %swap3A_55 = vector.shape_cast %swap3A_54 : vector<1x16xf32> to vector<16xf32>
        %swap3A_56 = vector.shape_cast %broadcast_in_dim3A_52 : vector<16xf32> to vector<1x16xf32>
        tpu.vector_store %arg6[%swap3A, %swap3A_53], %swap3A_56 {strides = array<i32>} : memref<400x16xf32, #tpu.memory_space<vmem>>, vector<1x16xf32>,
        %scan3A_57 = arith.constant 0 : i32
        scf.yield %scan3A_57 : i32
      }
      %scan3A_15 = arith.constant 400 : i32
      %lt3A = arith.constant 13 : i32
      %lt3A_16 = arith.cmpi slt, %arg1, %lt3A : i32
      %jit3A = arith.constant 8 : i32
      %jit3A_17 = arith.constant 7 : i32
      %select_n3A = arith.select %lt3A_16, %jit3A, %jit3A_17 : i32
      %while3A = arith.constant 0 : i32
      %while3A_18 = arith.constant 0 : i32
      %while3A_19 = arith.subi %select_n3A, %while3A : i32
      %while3A_20 = arith.addi %while3A, %while3A_19 : i32
      %while3A_21 = arith.constant 1 : i32
      %while3A_22 = arith.divsi %while3A_19, %while3A_21 : i32
      %while3A_23 = arith.muli %while3A_22, %while3A_21 : i32
      %while3A_24 = arith.addi %while3A, %while3A_23 : i32
      %while3A_25 = arith.constant 1 : i32
      %while3A_26 = scf.for %while3A_49 = %while3A to %while3A_24 step %while3A_25 iter_args(%while3A_50 = %while3A_18) -> (i32)  : i32 {
        %mul3A = arith.constant 16 : i32
        %mul3A_51 = arith.muli %while3A_49, %mul3A : i32
        %add3A = arith.addi %mul3A_51, %arg1 : i32
        %mul3A_52 = arith.constant 400 : i32
        %mul3A_53 = arith.muli %add3A, %mul3A_52 : i32
        %multiple_of3A = tpu.assume_multiple %mul3A_53, 400 : i32
        "tpu.region"() ({
          %run_scoped3A = tpu.sem_alloc : memref<!tpu.dma_semaphore, #tpu.memory_space<semaphore_mem>>
          %dma_start3A = arith.constant 0 : i32
          %dma_start3A_55 = tpu.memref_slice %arg7[%multiple_of3A, %dma_start3A] : memref<50000x16xf32, #tpu.memory_space<vmem_shared>> -> memref<400x16xf32, #tpu.memory_space<vmem_shared>>
          %dma_start3A_56 = arith.constant 0 : i32
          %dma_start3A_57 = tpu.memref_slice %arg7[%multiple_of3A, %dma_start3A_56] : memref<50000x16xf32, #tpu.memory_space<vmem_shared>> -> memref<400x16xf32, #tpu.memory_space<vmem_shared>>
          tpu.enqueue_dma source(%arg6 : memref<400x16xf32, #tpu.memory_space<vmem>>) target(%dma_start3A_57 : memref<400x16xf32, #tpu.memory_space<vmem_shared>>) target_semaphore(%run_scoped3A : memref<!tpu.dma_semaphore, #tpu.memory_space<semaphore_mem>>)
          %dma_wait3A = arith.constant 0 : i32
          %dma_wait3A_58 = tpu.memref_slice %arg7[%multiple_of3A, %dma_wait3A] : memref<50000x16xf32, #tpu.memory_space<vmem_shared>> -> memref<400x16xf32, #tpu.memory_space<vmem_shared>>
          %dma_wait3A_59 = arith.constant 0 : i32
          %dma_wait3A_60 = tpu.memref_slice %arg7[%multiple_of3A, %dma_wait3A_59] : memref<50000x16xf32, #tpu.memory_space<vmem_shared>> -> memref<400x16xf32, #tpu.memory_space<vmem_shared>>
          tpu.wait_dma2 semaphore(%run_scoped3A : memref<!tpu.dma_semaphore, #tpu.memory_space<semaphore_mem>>) src(%arg6 : memref<400x16xf32, #tpu.memory_space<vmem>>) dst(%dma_wait3A_60 : memref<400x16xf32, #tpu.memory_space<vmem_shared>>)
          tpu.yield
        }) : () -> ()
        %while3A_54 = arith.constant 0 : i32
        scf.yield %while3A_54 : i32
      }
      %while3A_27 = arith.constant 1 : i32
      %while3A_28 = scf.for %while3A_49 = %while3A_24 to %while3A_20 step %while3A_27 iter_args(%while3A_50 = %while3A_26) -> (i32)  : i32 {
        %mul3A = arith.constant 16 : i32
        %mul3A_51 = arith.muli %while3A_49, %mul3A : i32
        %add3A = arith.addi %mul3A_51, %arg1 : i32
        %mul3A_52 = arith.constant 400 : i32
        %mul3A_53 = arith.muli %add3A, %mul3A_52 : i32
        %multiple_of3A = tpu.assume_multiple %mul3A_53, 400 : i32
        "tpu.region"() ({
          %run_scoped3A = tpu.sem_alloc : memref<!tpu.dma_semaphore, #tpu.memory_space<semaphore_mem>>
          %dma_start3A = arith.constant 0 : i32
          %dma_start3A_55 = tpu.memref_slice %arg7[%multiple_of3A, %dma_start3A] : memref<50000x16xf32, #tpu.memory_space<vmem_shared>> -> memref<400x16xf32, #tpu.memory_space<vmem_shared>>
          %dma_start3A_56 = arith.constant 0 : i32
          %dma_start3A_57 = tpu.memref_slice %arg7[%multiple_of3A, %dma_start3A_56] : memref<50000x16xf32, #tpu.memory_space<vmem_shared>> -> memref<400x16xf32, #tpu.memory_space<vmem_shared>>
          tpu.enqueue_dma source(%arg6 : memref<400x16xf32, #tpu.memory_space<vmem>>) target(%dma_start3A_57 : memref<400x16xf32, #tpu.memory_space<vmem_shared>>) target_semaphore(%run_scoped3A : memref<!tpu.dma_semaphore, #tpu.memory_space<semaphore_mem>>)
          %dma_wait3A = arith.constant 0 : i32
          %dma_wait3A_58 = tpu.memref_slice %arg7[%multiple_of3A, %dma_wait3A] : memref<50000x16xf32, #tpu.memory_space<vmem_shared>> -> memref<400x16xf32, #tpu.memory_space<vmem_shared>>
          %dma_wait3A_59 = arith.constant 0 : i32
          %dma_wait3A_60 = tpu.memref_slice %arg7[%multiple_of3A, %dma_wait3A_59] : memref<50000x16xf32, #tpu.memory_space<vmem_shared>> -> memref<400x16xf32, #tpu.memory_space<vmem_shared>>
          tpu.wait_dma2 semaphore(%run_scoped3A : memref<!tpu.dma_semaphore, #tpu.memory_space<semaphore_mem>>) src(%arg6 : memref<400x16xf32, #tpu.memory_space<vmem>>) dst(%dma_wait3A_60 : memref<400x16xf32, #tpu.memory_space<vmem_shared>>)
          tpu.yield
        }) : () -> ()
        %while3A_54 = arith.constant 0 : i32
        scf.yield %while3A_54 : i32
      }
      %barrier3A = arith.constant 0 : index
      tpu.barrier barrier_id(%barrier3A)
      %scan3A_29 = arith.constant 0 : i32
      %scan3A_30 = arith.constant 0 : i32
      %scan3A_31 = arith.constant 625 : i32
      %scan3A_32 = arith.addi %scan3A_30, %scan3A_31 : i32
      %scan3A_33 = arith.constant 1 : i32
      %scan3A_34 = scf.for %scan3A_49 = %scan3A_30 to %scan3A_32 step %scan3A_33 iter_args(%scan3A_50 = %scan3A_29) -> (i32)  : i32 {
        %mul3A = arith.constant 16 : i32
        %mul3A_51 = arith.muli %scan3A_49, %mul3A : i32
        %add3A = arith.addi %mul3A_51, %arg1 : i32
        %mul3A_52 = arith.constant 80 : i32
        %mul3A_53 = arith.muli %add3A, %mul3A_52 : i32
        %multiple_of3A = tpu.assume_multiple %mul3A_53, 80 : i32
        "tpu.region"() ({
          %run_scoped3A = tpu.sem_alloc : memref<!tpu.dma_semaphore, #tpu.memory_space<semaphore_mem>>
          %dma_start3A = tpu.memref_slice %arg2[%multiple_of3A] : memref<800000xi32, #tpu.memory_space<hbm>> -> memref<80xi32, #tpu.memory_space<hbm>>
          %dma_start3A_55 = tpu.memref_slice %arg2[%multiple_of3A] : memref<800000xi32, #tpu.memory_space<hbm>> -> memref<80xi32, #tpu.memory_space<hbm>>
          tpu.enqueue_dma source(%dma_start3A_55 : memref<80xi32, #tpu.memory_space<hbm>>) target(%arg4 : memref<80xi32, #tpu.memory_space<vmem>>) target_semaphore(%run_scoped3A : memref<!tpu.dma_semaphore, #tpu.memory_space<semaphore_mem>>)
          %dma_wait3A = tpu.memref_slice %arg2[%multiple_of3A] : memref<800000xi32, #tpu.memory_space<hbm>> -> memref<80xi32, #tpu.memory_space<hbm>>
          %dma_wait3A_56 = tpu.memref_slice %arg2[%multiple_of3A] : memref<800000xi32, #tpu.memory_space<hbm>> -> memref<80xi32, #tpu.memory_space<hbm>>
          tpu.wait_dma2 semaphore(%run_scoped3A : memref<!tpu.dma_semaphore, #tpu.memory_space<semaphore_mem>>) src(%dma_wait3A_56 : memref<80xi32, #tpu.memory_space<hbm>>) dst(%arg4 : memref<80xi32, #tpu.memory_space<vmem>>)
          tpu.yield
        }) : () -> ()
        "tpu.region"() ({
          %run_scoped3A = tpu.sem_alloc : memref<!tpu.dma_semaphore, #tpu.memory_space<semaphore_mem>>
          %dma_start3A = arith.constant 0 : i32
          %dma_start3A_55 = arith.constant 0 : i32
          %dma_start3A_56 = tpu.memref_slice %arg7[%dma_start3A, %dma_start3A_55] : memref<50000x16xf32, #tpu.memory_space<vmem_shared>> -> memref<50000x16xf32, #tpu.memory_space<vmem_shared>>
          tpu.enqueue_indirect_dma source(%arg5 : memref<80x16xf32, #tpu.memory_space<vmem>>) target(%dma_start3A_56 : memref<50000x16xf32, #tpu.memory_space<vmem_shared>>) offsets(%arg4 : memref<80xi32, #tpu.memory_space<vmem>>) semaphore(%run_scoped3A : memref<!tpu.dma_semaphore, #tpu.memory_space<semaphore_mem>>) {add = true}
          %dma_wait3A = arith.constant 0 : i32
          %dma_wait3A_57 = arith.constant 0 : i32
          %dma_wait3A_58 = tpu.memref_slice %arg7[%dma_wait3A, %dma_wait3A_57] : memref<50000x16xf32, #tpu.memory_space<vmem_shared>> -> memref<50000x16xf32, #tpu.memory_space<vmem_shared>>
          tpu.wait_indirect_dma semaphore(%run_scoped3A : memref<!tpu.dma_semaphore, #tpu.memory_space<semaphore_mem>>) src(%arg5 : memref<80x16xf32, #tpu.memory_space<vmem>>) dst(%dma_wait3A_58 : memref<50000x16xf32, #tpu.memory_space<vmem_shared>>)
          tpu.yield
        }) : () -> ()
        %scan3A_54 = arith.constant 0 : i32
        scf.yield %scan3A_54 : i32
      }
      %scan3A_35 = arith.constant 625 : i32
      %barrier3A_36 = arith.constant 0 : index
      tpu.barrier barrier_id(%barrier3A_36)
      %while3A_37 = arith.constant 0 : i32
      %while3A_38 = arith.constant 0 : i32
      %while3A_39 = arith.subi %select_n3A, %while3A_37 : i32
      %while3A_40 = arith.addi %while3A_37, %while3A_39 : i32
      %while3A_41 = arith.constant 1 : i32
      %while3A_42 = arith.divsi %while3A_39, %while3A_41 : i32
      %while3A_43 = arith.muli %while3A_42, %while3A_41 : i32
      %while3A_44 = arith.addi %while3A_37, %while3A_43 : i32
      %while3A_45 = arith.constant 1 : i32
      %while3A_46 = scf.for %while3A_49 = %while3A_37 to %while3A_44 step %while3A_45 iter_args(%while3A_50 = %while3A_38) -> (i32)  : i32 {
        %mul3A = arith.constant 16 : i32
        %mul3A_51 = arith.muli %while3A_49, %mul3A : i32
        %add3A = arith.addi %mul3A_51, %arg1 : i32
        %mul3A_52 = arith.constant 400 : i32
        %mul3A_53 = arith.muli %add3A, %mul3A_52 : i32
        %multiple_of3A = tpu.assume_multiple %mul3A_53, 400 : i32
        "tpu.region"() ({
          %run_scoped3A = tpu.sem_alloc : memref<!tpu.dma_semaphore, #tpu.memory_space<semaphore_mem>>
          %dma_start3A = arith.constant 0 : i32
          %dma_start3A_55 = tpu.memref_slice %arg3[%multiple_of3A, %dma_start3A] : memref<50000x16xf32, #tpu.memory_space<hbm>> -> memref<400x16xf32, #tpu.memory_space<hbm>>
          %dma_start3A_56 = arith.constant 0 : i32
          %dma_start3A_57 = tpu.memref_slice %arg7[%multiple_of3A, %dma_start3A_56] : memref<50000x16xf32, #tpu.memory_space<vmem_shared>> -> memref<400x16xf32, #tpu.memory_space<vmem_shared>>
          tpu.enqueue_dma source(%dma_start3A_57 : memref<400x16xf32, #tpu.memory_space<vmem_shared>>) target(%dma_start3A_55 : memref<400x16xf32, #tpu.memory_space<hbm>>) target_semaphore(%run_scoped3A : memref<!tpu.dma_semaphore, #tpu.memory_space<semaphore_mem>>)
          %dma_wait3A = arith.constant 0 : i32
          %dma_wait3A_58 = tpu.memref_slice %arg3[%multiple_of3A, %dma_wait3A] : memref<50000x16xf32, #tpu.memory_space<hbm>> -> memref<400x16xf32, #tpu.memory_space<hbm>>
          %dma_wait3A_59 = arith.constant 0 : i32
          %dma_wait3A_60 = tpu.memref_slice %arg7[%multiple_of3A, %dma_wait3A_59] : memref<50000x16xf32, #tpu.memory_space<vmem_shared>> -> memref<400x16xf32, #tpu.memory_space<vmem_shared>>
          tpu.wait_dma2 semaphore(%run_scoped3A : memref<!tpu.dma_semaphore, #tpu.memory_space<semaphore_mem>>) src(%dma_wait3A_60 : memref<400x16xf32, #tpu.memory_space<vmem_shared>>) dst(%dma_wait3A_58 : memref<400x16xf32, #tpu.memory_space<hbm>>)
          tpu.yield
        }) : () -> ()
        %while3A_54 = arith.constant 0 : i32
        scf.yield %while3A_54 : i32
      }
      %while3A_47 = arith.constant 1 : i32
      %while3A_48 = scf.for %while3A_49 = %while3A_44 to %while3A_40 step %while3A_47 iter_args(%while3A_50 = %while3A_46) -> (i32)  : i32 {
        %mul3A = arith.constant 16 : i32
        %mul3A_51 = arith.muli %while3A_49, %mul3A : i32
        %add3A = arith.addi %mul3A_51, %arg1 : i32
        %mul3A_52 = arith.constant 400 : i32
        %mul3A_53 = arith.muli %add3A, %mul3A_52 : i32
        %multiple_of3A = tpu.assume_multiple %mul3A_53, 400 : i32
        "tpu.region"() ({
          %run_scoped3A = tpu.sem_alloc : memref<!tpu.dma_semaphore, #tpu.memory_space<semaphore_mem>>
          %dma_start3A = arith.constant 0 : i32
          %dma_start3A_55 = tpu.memref_slice %arg3[%multiple_of3A, %dma_start3A] : memref<50000x16xf32, #tpu.memory_space<hbm>> -> memref<400x16xf32, #tpu.memory_space<hbm>>
          %dma_start3A_56 = arith.constant 0 : i32
          %dma_start3A_57 = tpu.memref_slice %arg7[%multiple_of3A, %dma_start3A_56] : memref<50000x16xf32, #tpu.memory_space<vmem_shared>> -> memref<400x16xf32, #tpu.memory_space<vmem_shared>>
          tpu.enqueue_dma source(%dma_start3A_57 : memref<400x16xf32, #tpu.memory_space<vmem_shared>>) target(%dma_start3A_55 : memref<400x16xf32, #tpu.memory_space<hbm>>) target_semaphore(%run_scoped3A : memref<!tpu.dma_semaphore, #tpu.memory_space<semaphore_mem>>)
          %dma_wait3A = arith.constant 0 : i32
          %dma_wait3A_58 = tpu.memref_slice %arg3[%multiple_of3A, %dma_wait3A] : memref<50000x16xf32, #tpu.memory_space<hbm>> -> memref<400x16xf32, #tpu.memory_space<hbm>>
          %dma_wait3A_59 = arith.constant 0 : i32
          %dma_wait3A_60 = tpu.memref_slice %arg7[%multiple_of3A, %dma_wait3A_59] : memref<50000x16xf32, #tpu.memory_space<vmem_shared>> -> memref<400x16xf32, #tpu.memory_space<vmem_shared>>
          tpu.wait_dma2 semaphore(%run_scoped3A : memref<!tpu.dma_semaphore, #tpu.memory_space<semaphore_mem>>) src(%dma_wait3A_60 : memref<400x16xf32, #tpu.memory_space<vmem_shared>>) dst(%dma_wait3A_58 : memref<400x16xf32, #tpu.memory_space<hbm>>)
          tpu.yield
        }) : () -> ()
        %while3A_54 = arith.constant 0 : i32
        scf.yield %while3A_54 : i32
      }
    } else {
    }
    return
  }
}

module attributes {stable_mosaic.version = 14 : i64} {
  func.func @body(%arg0: i32, %arg1: memref<2000x8xf32, #tpu.memory_space<vmem>>, %arg2: memref<8x64xf32, #tpu.memory_space<vmem>>, %arg3: memref<1x64xf32, #tpu.memory_space<vmem>>, %arg4: memref<2000x64xf32, #tpu.memory_space<vmem>>) attributes {dimension_semantics = [#tpu.dimension_semantics<arbitrary>], iteration_bounds = array<i64: 25>, scalar_prefetch = 0 : i64, scratch_operands = 0 : i64, tpu.core_type = #tpu.core_type<tc>, window_params = [{transform_indices = @transform_0, window_bounds = array<i64: 2000, 8>}, {pipeline_mode = #tpu.pipeline_mode<synchronous>, transform_indices = @transform_1, window_bounds = array<i64: 8, 64>}, {pipeline_mode = #tpu.pipeline_mode<synchronous>, transform_indices = @transform_2, window_bounds = array<i64: 1, 64>}, {transform_indices = @transform_3, window_bounds = array<i64: 2000, 64>}]} {
    %get3A = arith.constant 0 : index
    %get3A_0 = arith.constant 0 : index
    %get3A_1 = vector.load %arg1[%get3A, %get3A_0] : memref<2000x8xf32, #tpu.memory_space<vmem>>, vector<2000x8xf32>
    %get3A_2 = arith.constant 0 : index
    %get3A_3 = arith.constant 0 : index
    %get3A_4 = vector.load %arg2[%get3A_2, %get3A_3] : memref<8x64xf32, #tpu.memory_space<vmem>>, vector<8x64xf32>
    %convert_element_type3A = arith.truncf %get3A_1 : vector<2000x8xf32> to vector<2000x8xbf16>
    %convert_element_type3A_5 = arith.truncf %get3A_4 : vector<8x64xf32> to vector<8x64xbf16>
    %dot_general3A = arith.constant dense<0.000000e+00> : vector<2000x64xf32>
    %dot_general3A_6 = tpu.matmul %convert_element_type3A, %convert_element_type3A_5, %dot_general3A {dimension_numbers = #tpu.dot_dimension_numbers<[1], [0], [0], [1], [0, 0, 1, 1], [], []>, transpose_lhs_hint = false} : vector<2000x8xbf16>, vector<8x64xbf16>, vector<2000x64xf32> -> vector<2000x64xf32>
    %get3A_7 = arith.constant 0 : index
    %get3A_8 = arith.constant 0 : index
    %get3A_9 = vector.load %arg3[%get3A_7, %get3A_8] : memref<1x64xf32, #tpu.memory_space<vmem>>, vector<1x64xf32>
    %add3A = vector.broadcast %get3A_9 : vector<1x64xf32> to vector<2000x64xf32>
    %add3A_10 = arith.addf %dot_general3A_6, %add3A : vector<2000x64xf32>
    %swap3A = arith.constant 0 : index
    %swap3A_11 = arith.constant 0 : index
    %swap3A_12 = vector.load %arg4[%swap3A, %swap3A_11] : memref<2000x64xf32, #tpu.memory_space<vmem>>, vector<2000x64xf32>
    tpu.vector_store %arg4[%swap3A, %swap3A_11], %add3A_10 {strides = array<i32>} : memref<2000x64xf32, #tpu.memory_space<vmem>>, vector<2000x64xf32>,
    return
  }
  func.func @transform_0(%arg0: i32) -> (i32, i32) {
    %c0_i32 = arith.constant 0 : i32
    %c0_i32_0 = arith.constant 0 : i32
    return %arg0, %c0_i32 : i32, i32
  }
  func.func @transform_1(%arg0: i32) -> (i32, i32) {
    %c0_i32 = arith.constant 0 : i32
    %c0_i32_0 = arith.constant 0 : i32
    %c0_i32_1 = arith.constant 0 : i32
    return %c0_i32, %c0_i32_0 : i32, i32
  }
  func.func @transform_2(%arg0: i32) -> (i32, i32) {
    %c0_i32 = arith.constant 0 : i32
    %c0_i32_0 = arith.constant 0 : i32
    %c0_i32_1 = arith.constant 0 : i32
    return %c0_i32, %c0_i32_0 : i32, i32
  }
  func.func @transform_3(%arg0: i32) -> (i32, i32) {
    %c0_i32 = arith.constant 0 : i32
    %c0_i32_0 = arith.constant 0 : i32
    return %arg0, %c0_i32 : i32, i32
  }
}

module attributes {stable_mosaic.version = 14 : i64} {
  func.func @body(%arg0: i32, %arg1: memref<2000x64xf32, #tpu.memory_space<vmem>>, %arg2: memref<1x64xf32, #tpu.memory_space<vmem>>, %arg3: memref<1x64xf32, #tpu.memory_space<vmem>>) attributes {dimension_semantics = [#tpu.dimension_semantics<arbitrary>], iteration_bounds = array<i64: 25>, scalar_prefetch = 0 : i64, scratch_operands = 1 : i64, tpu.core_type = #tpu.core_type<tc>, window_params = [{transform_indices = @transform_0, window_bounds = array<i64: 2000, 64>}, {pipeline_mode = #tpu.pipeline_mode<synchronous>, transform_indices = @transform_1, window_bounds = array<i64: 1, 64>}]} {
    %get3A = arith.constant 0 : index
    %get3A_0 = arith.constant 0 : index
    %get3A_1 = vector.load %arg1[%get3A, %get3A_0] : memref<2000x64xf32, #tpu.memory_space<vmem>>, vector<2000x64xf32>
    %reduce_sum3A = arith.constant dense<0.000000e+00> : vector<64xf32>
    %reduce_sum3A_2 = vector.multi_reduction <add>, %get3A_1, %reduce_sum3A [0] : vector<2000x64xf32> to vector<64xf32>
    %broadcast_in_dim3A = vector.shape_cast %reduce_sum3A_2 : vector<64xf32> to vector<1x64xf32>
    %eq3A = arith.constant 0 : i32
    %eq3A_3 = arith.cmpi eq, %arg0, %eq3A : i32
    %convert_element_type3A = arith.extui %eq3A_3 : i1 to i32
    %cond3A = arith.constant 0 : i32
    %cond3A_4 = arith.cmpi ne, %convert_element_type3A, %cond3A : i32
    scf.if %cond3A_4 {
      %swap3A = arith.constant 0 : index
      %swap3A_14 = arith.constant 0 : index
      %swap3A_15 = vector.load %arg3[%swap3A, %swap3A_14] : memref<1x64xf32, #tpu.memory_space<vmem>>, vector<1x64xf32>
      tpu.vector_store %arg3[%swap3A, %swap3A_14], %broadcast_in_dim3A {strides = array<i32>} : memref<1x64xf32, #tpu.memory_space<vmem>>, vector<1x64xf32>,
    } else {
    }
    %gt3A = arith.constant 0 : i32
    %gt3A_5 = arith.cmpi sgt, %arg0, %gt3A : i32
    %convert_element_type3A_6 = arith.extui %gt3A_5 : i1 to i32
    %cond3A_7 = arith.constant 0 : i32
    %cond3A_8 = arith.cmpi ne, %convert_element_type3A_6, %cond3A_7 : i32
    scf.if %cond3A_8 {
      %get3A_14 = arith.constant 0 : index
      %get3A_15 = arith.constant 0 : index
      %get3A_16 = vector.load %arg3[%get3A_14, %get3A_15] : memref<1x64xf32, #tpu.memory_space<vmem>>, vector<1x64xf32>
      %add3A = arith.addf %get3A_16, %broadcast_in_dim3A : vector<1x64xf32>
      %swap3A = arith.constant 0 : index
      %swap3A_17 = arith.constant 0 : index
      %swap3A_18 = vector.load %arg3[%swap3A, %swap3A_17] : memref<1x64xf32, #tpu.memory_space<vmem>>, vector<1x64xf32>
      tpu.vector_store %arg3[%swap3A, %swap3A_17], %add3A {strides = array<i32>} : memref<1x64xf32, #tpu.memory_space<vmem>>, vector<1x64xf32>,
    } else {
    }
    %eq3A_9 = arith.constant 24 : i32
    %eq3A_10 = arith.cmpi eq, %arg0, %eq3A_9 : i32
    %convert_element_type3A_11 = arith.extui %eq3A_10 : i1 to i32
    %cond3A_12 = arith.constant 0 : i32
    %cond3A_13 = arith.cmpi ne, %convert_element_type3A_11, %cond3A_12 : i32
    scf.if %cond3A_13 {
      %get3A_14 = arith.constant 0 : index
      %get3A_15 = arith.constant 0 : index
      %get3A_16 = vector.load %arg3[%get3A_14, %get3A_15] : memref<1x64xf32, #tpu.memory_space<vmem>>, vector<1x64xf32>
      %swap3A = arith.constant 0 : index
      %swap3A_17 = arith.constant 0 : index
      %swap3A_18 = vector.load %arg2[%swap3A, %swap3A_17] : memref<1x64xf32, #tpu.memory_space<vmem>>, vector<1x64xf32>
      tpu.vector_store %arg2[%swap3A, %swap3A_17], %get3A_16 {strides = array<i32>} : memref<1x64xf32, #tpu.memory_space<vmem>>, vector<1x64xf32>,
    } else {
    }
    return
  }
  func.func @transform_0(%arg0: i32) -> (i32, i32) {
    %c0_i32 = arith.constant 0 : i32
    %c0_i32_0 = arith.constant 0 : i32
    return %arg0, %c0_i32 : i32, i32
  }
  func.func @transform_1(%arg0: i32) -> (i32, i32) {
    %c0_i32 = arith.constant 0 : i32
    %c0_i32_0 = arith.constant 0 : i32
    %c0_i32_1 = arith.constant 0 : i32
    return %c0_i32, %c0_i32_0 : i32, i32
  }
}

module attributes {stable_mosaic.version = 14 : i64} {
  func.func @body(%arg0: i32, %arg1: memref<2000x64xf32, #tpu.memory_space<vmem>>, %arg2: memref<1x64xf32, #tpu.memory_space<vmem>>, %arg3: memref<1x64xf32, #tpu.memory_space<vmem>>, %arg4: memref<1x64xf32, #tpu.memory_space<vmem>>) attributes {dimension_semantics = [#tpu.dimension_semantics<arbitrary>], iteration_bounds = array<i64: 25>, scalar_prefetch = 0 : i64, scratch_operands = 1 : i64, tpu.core_type = #tpu.core_type<tc>, window_params = [{transform_indices = @transform_0, window_bounds = array<i64: 2000, 64>}, {pipeline_mode = #tpu.pipeline_mode<synchronous>, transform_indices = @transform_1, window_bounds = array<i64: 1, 64>}, {pipeline_mode = #tpu.pipeline_mode<synchronous>, transform_indices = @transform_2, window_bounds = array<i64: 1, 64>}]} {
    %get3A = arith.constant 0 : index
    %get3A_0 = arith.constant 0 : index
    %get3A_1 = vector.load %arg1[%get3A, %get3A_0] : memref<2000x64xf32, #tpu.memory_space<vmem>>, vector<2000x64xf32>
    %get3A_2 = arith.constant 0 : index
    %get3A_3 = arith.constant 0 : index
    %get3A_4 = vector.load %arg2[%get3A_2, %get3A_3] : memref<1x64xf32, #tpu.memory_space<vmem>>, vector<1x64xf32>
    %div3A = arith.constant 5.000000e+04 : f32
    %div3A_5 = vector.broadcast %div3A : f32 to vector<1x64xf32>
    %div3A_6 = arith.divf %get3A_4, %div3A_5 : vector<1x64xf32>
    %sub3A = vector.broadcast %div3A_6 : vector<1x64xf32> to vector<2000x64xf32>
    %sub3A_7 = arith.subf %get3A_1, %sub3A : vector<2000x64xf32>
    %mul3A = arith.mulf %sub3A_7, %sub3A_7 : vector<2000x64xf32>
    %reduce_sum3A = arith.constant dense<0.000000e+00> : vector<64xf32>
    %reduce_sum3A_8 = vector.multi_reduction <add>, %mul3A, %reduce_sum3A [0] : vector<2000x64xf32> to vector<64xf32>
    %broadcast_in_dim3A = vector.shape_cast %reduce_sum3A_8 : vector<64xf32> to vector<1x64xf32>
    %eq3A = arith.constant 0 : i32
    %eq3A_9 = arith.cmpi eq, %arg0, %eq3A : i32
    %convert_element_type3A = arith.extui %eq3A_9 : i1 to i32
    %cond3A = arith.constant 0 : i32
    %cond3A_10 = arith.cmpi ne, %convert_element_type3A, %cond3A : i32
    scf.if %cond3A_10 {
      %swap3A = arith.constant 0 : index
      %swap3A_20 = arith.constant 0 : index
      %swap3A_21 = vector.load %arg4[%swap3A, %swap3A_20] : memref<1x64xf32, #tpu.memory_space<vmem>>, vector<1x64xf32>
      tpu.vector_store %arg4[%swap3A, %swap3A_20], %broadcast_in_dim3A {strides = array<i32>} : memref<1x64xf32, #tpu.memory_space<vmem>>, vector<1x64xf32>,
    } else {
    }
    %gt3A = arith.constant 0 : i32
    %gt3A_11 = arith.cmpi sgt, %arg0, %gt3A : i32
    %convert_element_type3A_12 = arith.extui %gt3A_11 : i1 to i32
    %cond3A_13 = arith.constant 0 : i32
    %cond3A_14 = arith.cmpi ne, %convert_element_type3A_12, %cond3A_13 : i32
    scf.if %cond3A_14 {
      %get3A_20 = arith.constant 0 : index
      %get3A_21 = arith.constant 0 : index
      %get3A_22 = vector.load %arg4[%get3A_20, %get3A_21] : memref<1x64xf32, #tpu.memory_space<vmem>>, vector<1x64xf32>
      %add3A = arith.addf %get3A_22, %broadcast_in_dim3A : vector<1x64xf32>
      %swap3A = arith.constant 0 : index
      %swap3A_23 = arith.constant 0 : index
      %swap3A_24 = vector.load %arg4[%swap3A, %swap3A_23] : memref<1x64xf32, #tpu.memory_space<vmem>>, vector<1x64xf32>
      tpu.vector_store %arg4[%swap3A, %swap3A_23], %add3A {strides = array<i32>} : memref<1x64xf32, #tpu.memory_space<vmem>>, vector<1x64xf32>,
    } else {
    }
    %eq3A_15 = arith.constant 24 : i32
    %eq3A_16 = arith.cmpi eq, %arg0, %eq3A_15 : i32
    %convert_element_type3A_17 = arith.extui %eq3A_16 : i1 to i32
    %cond3A_18 = arith.constant 0 : i32
    %cond3A_19 = arith.cmpi ne, %convert_element_type3A_17, %cond3A_18 : i32
    scf.if %cond3A_19 {
      %get3A_20 = arith.constant 0 : index
      %get3A_21 = arith.constant 0 : index
      %get3A_22 = vector.load %arg4[%get3A_20, %get3A_21] : memref<1x64xf32, #tpu.memory_space<vmem>>, vector<1x64xf32>
      %swap3A = arith.constant 0 : index
      %swap3A_23 = arith.constant 0 : index
      %swap3A_24 = vector.load %arg3[%swap3A, %swap3A_23] : memref<1x64xf32, #tpu.memory_space<vmem>>, vector<1x64xf32>
      tpu.vector_store %arg3[%swap3A, %swap3A_23], %get3A_22 {strides = array<i32>} : memref<1x64xf32, #tpu.memory_space<vmem>>, vector<1x64xf32>,
    } else {
    }
    return
  }
  func.func @transform_0(%arg0: i32) -> (i32, i32) {
    %c0_i32 = arith.constant 0 : i32
    %c0_i32_0 = arith.constant 0 : i32
    return %arg0, %c0_i32 : i32, i32
  }
  func.func @transform_1(%arg0: i32) -> (i32, i32) {
    %c0_i32 = arith.constant 0 : i32
    %c0_i32_0 = arith.constant 0 : i32
    %c0_i32_1 = arith.constant 0 : i32
    return %c0_i32, %c0_i32_0 : i32, i32
  }
  func.func @transform_2(%arg0: i32) -> (i32, i32) {
    %c0_i32 = arith.constant 0 : i32
    %c0_i32_0 = arith.constant 0 : i32
    %c0_i32_1 = arith.constant 0 : i32
    return %c0_i32, %c0_i32_0 : i32, i32
  }
}

module attributes {stable_mosaic.version = 14 : i64} {
  func.func @body(%arg0: i32, %arg1: memref<2000x64xf32, #tpu.memory_space<vmem>>, %arg2: memref<1x64xf32, #tpu.memory_space<vmem>>, %arg3: memref<1x64xf32, #tpu.memory_space<vmem>>, %arg4: memref<1x64xf32, #tpu.memory_space<vmem>>, %arg5: memref<1x64xf32, #tpu.memory_space<vmem>>, %arg6: memref<64x32xf32, #tpu.memory_space<vmem>>, %arg7: memref<1x32xf32, #tpu.memory_space<vmem>>, %arg8: memref<64x32xf32, #tpu.memory_space<vmem>>, %arg9: memref<1x32xf32, #tpu.memory_space<vmem>>, %arg10: memref<2000x32xf32, #tpu.memory_space<vmem>>, %arg11: memref<2000x32xf32, #tpu.memory_space<vmem>>) attributes {dimension_semantics = [#tpu.dimension_semantics<arbitrary>], iteration_bounds = array<i64: 25>, scalar_prefetch = 0 : i64, scratch_operands = 0 : i64, tpu.core_type = #tpu.core_type<tc>, window_params = [{transform_indices = @transform_0, window_bounds = array<i64: 2000, 64>}, {pipeline_mode = #tpu.pipeline_mode<synchronous>, transform_indices = @transform_1, window_bounds = array<i64: 1, 64>}, {pipeline_mode = #tpu.pipeline_mode<synchronous>, transform_indices = @transform_2, window_bounds = array<i64: 1, 64>}, {pipeline_mode = #tpu.pipeline_mode<synchronous>, transform_indices = @transform_3, window_bounds = array<i64: 1, 64>}, {pipeline_mode = #tpu.pipeline_mode<synchronous>, transform_indices = @transform_4, window_bounds = array<i64: 1, 64>}, {pipeline_mode = #tpu.pipeline_mode<synchronous>, transform_indices = @transform_5, window_bounds = array<i64: 64, 32>}, {pipeline_mode = #tpu.pipeline_mode<synchronous>, transform_indices = @transform_6, window_bounds = array<i64: 1, 32>}, {pipeline_mode = #tpu.pipeline_mode<synchronous>, transform_indices = @transform_7, window_bounds = array<i64: 64, 32>}, {pipeline_mode = #tpu.pipeline_mode<synchronous>, transform_indices = @transform_8, window_bounds = array<i64: 1, 32>}, {transform_indices = @transform_9, window_bounds = array<i64: 2000, 32>}, {transform_indices = @transform_10, window_bounds = array<i64: 2000, 32>}]} {
    %get3A = arith.constant 0 : index
    %get3A_0 = arith.constant 0 : index
    %get3A_1 = vector.load %arg2[%get3A, %get3A_0] : memref<1x64xf32, #tpu.memory_space<vmem>>, vector<1x64xf32>
    %div3A = arith.constant 5.000000e+04 : f32
    %div3A_2 = vector.broadcast %div3A : f32 to vector<1x64xf32>
    %div3A_3 = arith.divf %get3A_1, %div3A_2 : vector<1x64xf32>
    %get3A_4 = arith.constant 0 : index
    %get3A_5 = arith.constant 0 : index
    %get3A_6 = vector.load %arg3[%get3A_4, %get3A_5] : memref<1x64xf32, #tpu.memory_space<vmem>>, vector<1x64xf32>
    %div3A_7 = arith.constant 5.000000e+04 : f32
    %div3A_8 = vector.broadcast %div3A_7 : f32 to vector<1x64xf32>
    %div3A_9 = arith.divf %get3A_6, %div3A_8 : vector<1x64xf32>
    %get3A_10 = arith.constant 0 : index
    %get3A_11 = arith.constant 0 : index
    %get3A_12 = vector.load %arg1[%get3A_10, %get3A_11] : memref<2000x64xf32, #tpu.memory_space<vmem>>, vector<2000x64xf32>
    %sub3A = vector.broadcast %div3A_3 : vector<1x64xf32> to vector<2000x64xf32>
    %sub3A_13 = arith.subf %get3A_12, %sub3A : vector<2000x64xf32>
    %add3A = arith.constant 9.99999974E-6 : f32
    %add3A_14 = vector.broadcast %add3A : f32 to vector<1x64xf32>
    %add3A_15 = arith.addf %div3A_9, %add3A_14 : vector<1x64xf32>
    %sqrt3A = math.sqrt %add3A_15 : vector<1x64xf32>
    %div3A_16 = vector.broadcast %sqrt3A : vector<1x64xf32> to vector<2000x64xf32>
    %div3A_17 = arith.divf %sub3A_13, %div3A_16 : vector<2000x64xf32>
    %get3A_18 = arith.constant 0 : index
    %get3A_19 = arith.constant 0 : index
    %get3A_20 = vector.load %arg4[%get3A_18, %get3A_19] : memref<1x64xf32, #tpu.memory_space<vmem>>, vector<1x64xf32>
    %mul3A = vector.broadcast %get3A_20 : vector<1x64xf32> to vector<2000x64xf32>
    %mul3A_21 = arith.mulf %div3A_17, %mul3A : vector<2000x64xf32>
    %get3A_22 = arith.constant 0 : index
    %get3A_23 = arith.constant 0 : index
    %get3A_24 = vector.load %arg5[%get3A_22, %get3A_23] : memref<1x64xf32, #tpu.memory_space<vmem>>, vector<1x64xf32>
    %add3A_25 = vector.broadcast %get3A_24 : vector<1x64xf32> to vector<2000x64xf32>
    %add3A_26 = arith.addf %mul3A_21, %add3A_25 : vector<2000x64xf32>
    %max3A = arith.constant 0.000000e+00 : f32
    %max3A_27 = vector.broadcast %max3A : f32 to vector<2000x64xf32>
    %max3A_28 = arith.maximumf %add3A_26, %max3A_27 : vector<2000x64xf32>
    %get3A_29 = arith.constant 0 : index
    %get3A_30 = arith.constant 0 : index
    %get3A_31 = vector.load %arg6[%get3A_29, %get3A_30] : memref<64x32xf32, #tpu.memory_space<vmem>>, vector<64x32xf32>
    %convert_element_type3A = arith.truncf %max3A_28 : vector<2000x64xf32> to vector<2000x64xbf16>
    %convert_element_type3A_32 = arith.truncf %get3A_31 : vector<64x32xf32> to vector<64x32xbf16>
    %dot_general3A = arith.constant dense<0.000000e+00> : vector<2000x32xf32>
    %dot_general3A_33 = tpu.matmul %convert_element_type3A, %convert_element_type3A_32, %dot_general3A {dimension_numbers = #tpu.dot_dimension_numbers<[1], [0], [0], [1], [0, 0, 1, 1], [], []>, transpose_lhs_hint = false} : vector<2000x64xbf16>, vector<64x32xbf16>, vector<2000x32xf32> -> vector<2000x32xf32>
    %get3A_34 = arith.constant 0 : index
    %get3A_35 = arith.constant 0 : index
    %get3A_36 = vector.load %arg7[%get3A_34, %get3A_35] : memref<1x32xf32, #tpu.memory_space<vmem>>, vector<1x32xf32>
    %add3A_37 = vector.broadcast %get3A_36 : vector<1x32xf32> to vector<2000x32xf32>
    %add3A_38 = arith.addf %dot_general3A_33, %add3A_37 : vector<2000x32xf32>
    %swap3A = arith.constant 0 : index
    %swap3A_39 = arith.constant 0 : index
    %swap3A_40 = vector.load %arg10[%swap3A, %swap3A_39] : memref<2000x32xf32, #tpu.memory_space<vmem>>, vector<2000x32xf32>
    tpu.vector_store %arg10[%swap3A, %swap3A_39], %add3A_38 {strides = array<i32>} : memref<2000x32xf32, #tpu.memory_space<vmem>>, vector<2000x32xf32>,
    %get3A_41 = arith.constant 0 : index
    %get3A_42 = arith.constant 0 : index
    %get3A_43 = vector.load %arg8[%get3A_41, %get3A_42] : memref<64x32xf32, #tpu.memory_space<vmem>>, vector<64x32xf32>
    %convert_element_type3A_44 = arith.truncf %max3A_28 : vector<2000x64xf32> to vector<2000x64xbf16>
    %convert_element_type3A_45 = arith.truncf %get3A_43 : vector<64x32xf32> to vector<64x32xbf16>
    %dot_general3A_46 = arith.constant dense<0.000000e+00> : vector<2000x32xf32>
    %dot_general3A_47 = tpu.matmul %convert_element_type3A_44, %convert_element_type3A_45, %dot_general3A_46 {dimension_numbers = #tpu.dot_dimension_numbers<[1], [0], [0], [1], [0, 0, 1, 1], [], []>, transpose_lhs_hint = false} : vector<2000x64xbf16>, vector<64x32xbf16>, vector<2000x32xf32> -> vector<2000x32xf32>
    %get3A_48 = arith.constant 0 : index
    %get3A_49 = arith.constant 0 : index
    %get3A_50 = vector.load %arg9[%get3A_48, %get3A_49] : memref<1x32xf32, #tpu.memory_space<vmem>>, vector<1x32xf32>
    %add3A_51 = vector.broadcast %get3A_50 : vector<1x32xf32> to vector<2000x32xf32>
    %add3A_52 = arith.addf %dot_general3A_47, %add3A_51 : vector<2000x32xf32>
    %swap3A_53 = arith.constant 0 : index
    %swap3A_54 = arith.constant 0 : index
    %swap3A_55 = vector.load %arg11[%swap3A_53, %swap3A_54] : memref<2000x32xf32, #tpu.memory_space<vmem>>, vector<2000x32xf32>
    tpu.vector_store %arg11[%swap3A_53, %swap3A_54], %add3A_52 {strides = array<i32>} : memref<2000x32xf32, #tpu.memory_space<vmem>>, vector<2000x32xf32>,
    return
  }
  func.func @transform_0(%arg0: i32) -> (i32, i32) {
    %c0_i32 = arith.constant 0 : i32
    %c0_i32_0 = arith.constant 0 : i32
    return %arg0, %c0_i32 : i32, i32
  }
  func.func @transform_1(%arg0: i32) -> (i32, i32) {
    %c0_i32 = arith.constant 0 : i32
    %c0_i32_0 = arith.constant 0 : i32
    %c0_i32_1 = arith.constant 0 : i32
    return %c0_i32, %c0_i32_0 : i32, i32
  }
  func.func @transform_2(%arg0: i32) -> (i32, i32) {
    %c0_i32 = arith.constant 0 : i32
    %c0_i32_0 = arith.constant 0 : i32
    %c0_i32_1 = arith.constant 0 : i32
    return %c0_i32, %c0_i32_0 : i32, i32
  }
  func.func @transform_3(%arg0: i32) -> (i32, i32) {
    %c0_i32 = arith.constant 0 : i32
    %c0_i32_0 = arith.constant 0 : i32
    %c0_i32_1 = arith.constant 0 : i32
    return %c0_i32, %c0_i32_0 : i32, i32
  }
  func.func @transform_4(%arg0: i32) -> (i32, i32) {
    %c0_i32 = arith.constant 0 : i32
    %c0_i32_0 = arith.constant 0 : i32
    %c0_i32_1 = arith.constant 0 : i32
    return %c0_i32, %c0_i32_0 : i32, i32
  }
  func.func @transform_5(%arg0: i32) -> (i32, i32) {
    %c0_i32 = arith.constant 0 : i32
    %c0_i32_0 = arith.constant 0 : i32
    %c0_i32_1 = arith.constant 0 : i32
    return %c0_i32, %c0_i32_0 : i32, i32
  }
  func.func @transform_6(%arg0: i32) -> (i32, i32) {
    %c0_i32 = arith.constant 0 : i32
    %c0_i32_0 = arith.constant 0 : i32
    %c0_i32_1 = arith.constant 0 : i32
    return %c0_i32, %c0_i32_0 : i32, i32
  }
  func.func @transform_7(%arg0: i32) -> (i32, i32) {
    %c0_i32 = arith.constant 0 : i32
    %c0_i32_0 = arith.constant 0 : i32
    %c0_i32_1 = arith.constant 0 : i32
    return %c0_i32, %c0_i32_0 : i32, i32
  }
  func.func @transform_8(%arg0: i32) -> (i32, i32) {
    %c0_i32 = arith.constant 0 : i32
    %c0_i32_0 = arith.constant 0 : i32
    %c0_i32_1 = arith.constant 0 : i32
    return %c0_i32, %c0_i32_0 : i32, i32
  }
  func.func @transform_9(%arg0: i32) -> (i32, i32) {
    %c0_i32 = arith.constant 0 : i32
    %c0_i32_0 = arith.constant 0 : i32
    return %arg0, %c0_i32 : i32, i32
  }
  func.func @transform_10(%arg0: i32) -> (i32, i32) {
    %c0_i32 = arith.constant 0 : i32
    %c0_i32_0 = arith.constant 0 : i32
    return %arg0, %c0_i32 : i32, i32
  }
}

module attributes {stable_mosaic.version = 14 : i64} {
  func.func @body(%arg0: i32, %arg1: memref<2000x32xf32, #tpu.memory_space<vmem>>, %arg2: memref<2000x32xf32, #tpu.memory_space<vmem>>, %arg3: memref<2000x32xf32, #tpu.memory_space<vmem>>, %arg4: memref<2000x32xf32, #tpu.memory_space<vmem>>, %arg5: memref<2000x1xf32, #tpu.memory_space<vmem>>, %arg6: memref<64x64xf32, #tpu.memory_space<vmem>>, %arg7: memref<1x64xf32, #tpu.memory_space<vmem>>, %arg8: memref<64x32xf32, #tpu.memory_space<vmem>>, %arg9: memref<1x32xf32, #tpu.memory_space<vmem>>, %arg10: memref<64x32xf32, #tpu.memory_space<vmem>>, %arg11: memref<1x32xf32, #tpu.memory_space<vmem>>, %arg12: memref<2000x32xf32, #tpu.memory_space<vmem>>, %arg13: memref<2000x32xf32, #tpu.memory_space<vmem>>) attributes {dimension_semantics = [#tpu.dimension_semantics<arbitrary>], iteration_bounds = array<i64: 25>, scalar_prefetch = 0 : i64, scratch_operands = 0 : i64, tpu.core_type = #tpu.core_type<tc>, window_params = [{transform_indices = @transform_0, window_bounds = array<i64: 2000, 32>}, {transform_indices = @transform_1, window_bounds = array<i64: 2000, 32>}, {transform_indices = @transform_2, window_bounds = array<i64: 2000, 32>}, {transform_indices = @transform_3, window_bounds = array<i64: 2000, 32>}, {transform_indices = @transform_4, window_bounds = array<i64: 2000, 1>}, {pipeline_mode = #tpu.pipeline_mode<synchronous>, transform_indices = @transform_5, window_bounds = array<i64: 64, 64>}, {pipeline_mode = #tpu.pipeline_mode<synchronous>, transform_indices = @transform_6, window_bounds = array<i64: 1, 64>}, {pipeline_mode = #tpu.pipeline_mode<synchronous>, transform_indices = @transform_7, window_bounds = array<i64: 64, 32>}, {pipeline_mode = #tpu.pipeline_mode<synchronous>, transform_indices = @transform_8, window_bounds = array<i64: 1, 32>}, {pipeline_mode = #tpu.pipeline_mode<synchronous>, transform_indices = @transform_9, window_bounds = array<i64: 64, 32>}, {pipeline_mode = #tpu.pipeline_mode<synchronous>, transform_indices = @transform_10, window_bounds = array<i64: 1, 32>}, {transform_indices = @transform_11, window_bounds = array<i64: 2000, 32>}, {transform_indices = @transform_12, window_bounds = array<i64: 2000, 32>}]} {
    %get3A = arith.constant 0 : index
    %get3A_0 = arith.constant 0 : index
    %get3A_1 = vector.load %arg5[%get3A, %get3A_0] : memref<2000x1xf32, #tpu.memory_space<vmem>>, vector<2000x1xf32>
    %max3A = arith.constant 1.000000e+00 : f32
    %max3A_2 = vector.broadcast %max3A : f32 to vector<2000x1xf32>
    %max3A_3 = arith.maximumf %get3A_1, %max3A_2 : vector<2000x1xf32>
    %get3A_4 = arith.constant 0 : index
    %get3A_5 = arith.constant 0 : index
    %get3A_6 = vector.load %arg1[%get3A_4, %get3A_5] : memref<2000x32xf32, #tpu.memory_space<vmem>>, vector<2000x32xf32>
    %get3A_7 = arith.constant 0 : index
    %get3A_8 = arith.constant 0 : index
    %get3A_9 = vector.load %arg3[%get3A_7, %get3A_8] : memref<2000x32xf32, #tpu.memory_space<vmem>>, vector<2000x32xf32>
    %div3A = vector.broadcast %max3A_3 : vector<2000x1xf32> to vector<2000x32xf32>
    %div3A_10 = arith.divf %get3A_9, %div3A : vector<2000x32xf32>
    %add3A = arith.addf %get3A_6, %div3A_10 : vector<2000x32xf32>
    %get3A_11 = arith.constant 0 : index
    %get3A_12 = arith.constant 0 : index
    %get3A_13 = vector.load %arg2[%get3A_11, %get3A_12] : memref<2000x32xf32, #tpu.memory_space<vmem>>, vector<2000x32xf32>
    %get3A_14 = arith.constant 0 : index
    %get3A_15 = arith.constant 0 : index
    %get3A_16 = vector.load %arg4[%get3A_14, %get3A_15] : memref<2000x32xf32, #tpu.memory_space<vmem>>, vector<2000x32xf32>
    %div3A_17 = vector.broadcast %max3A_3 : vector<2000x1xf32> to vector<2000x32xf32>
    %div3A_18 = arith.divf %get3A_16, %div3A_17 : vector<2000x32xf32>
    %add3A_19 = arith.addf %get3A_13, %div3A_18 : vector<2000x32xf32>
    %concatenate3A = tpu.concatenate %add3A, %add3A_19 in 1 : vector<2000x32xf32>, vector<2000x32xf32> -> vector<2000x64xf32>
    %get3A_20 = arith.constant 0 : index
    %get3A_21 = arith.constant 0 : index
    %get3A_22 = vector.load %arg6[%get3A_20, %get3A_21] : memref<64x64xf32, #tpu.memory_space<vmem>>, vector<64x64xf32>
    %convert_element_type3A = arith.truncf %concatenate3A : vector<2000x64xf32> to vector<2000x64xbf16>
    %convert_element_type3A_23 = arith.truncf %get3A_22 : vector<64x64xf32> to vector<64x64xbf16>
    %dot_general3A = arith.constant dense<0.000000e+00> : vector<2000x64xf32>
    %dot_general3A_24 = tpu.matmul %convert_element_type3A, %convert_element_type3A_23, %dot_general3A {dimension_numbers = #tpu.dot_dimension_numbers<[1], [0], [0], [1], [0, 0, 1, 1], [], []>, transpose_lhs_hint = false} : vector<2000x64xbf16>, vector<64x64xbf16>, vector<2000x64xf32> -> vector<2000x64xf32>
    %get3A_25 = arith.constant 0 : index
    %get3A_26 = arith.constant 0 : index
    %get3A_27 = vector.load %arg7[%get3A_25, %get3A_26] : memref<1x64xf32, #tpu.memory_space<vmem>>, vector<1x64xf32>
    %add3A_28 = vector.broadcast %get3A_27 : vector<1x64xf32> to vector<2000x64xf32>
    %add3A_29 = arith.addf %dot_general3A_24, %add3A_28 : vector<2000x64xf32>
    %max3A_30 = arith.constant 0.000000e+00 : f32
    %max3A_31 = vector.broadcast %max3A_30 : f32 to vector<2000x64xf32>
    %max3A_32 = arith.maximumf %add3A_29, %max3A_31 : vector<2000x64xf32>
    %get3A_33 = arith.constant 0 : index
    %get3A_34 = arith.constant 0 : index
    %get3A_35 = vector.load %arg8[%get3A_33, %get3A_34] : memref<64x32xf32, #tpu.memory_space<vmem>>, vector<64x32xf32>
    %convert_element_type3A_36 = arith.truncf %max3A_32 : vector<2000x64xf32> to vector<2000x64xbf16>
    %convert_element_type3A_37 = arith.truncf %get3A_35 : vector<64x32xf32> to vector<64x32xbf16>
    %dot_general3A_38 = arith.constant dense<0.000000e+00> : vector<2000x32xf32>
    %dot_general3A_39 = tpu.matmul %convert_element_type3A_36, %convert_element_type3A_37, %dot_general3A_38 {dimension_numbers = #tpu.dot_dimension_numbers<[1], [0], [0], [1], [0, 0, 1, 1], [], []>, transpose_lhs_hint = false} : vector<2000x64xbf16>, vector<64x32xbf16>, vector<2000x32xf32> -> vector<2000x32xf32>
    %get3A_40 = arith.constant 0 : index
    %get3A_41 = arith.constant 0 : index
    %get3A_42 = vector.load %arg9[%get3A_40, %get3A_41] : memref<1x32xf32, #tpu.memory_space<vmem>>, vector<1x32xf32>
    %add3A_43 = vector.broadcast %get3A_42 : vector<1x32xf32> to vector<2000x32xf32>
    %add3A_44 = arith.addf %dot_general3A_39, %add3A_43 : vector<2000x32xf32>
    %swap3A = arith.constant 0 : index
    %swap3A_45 = arith.constant 0 : index
    %swap3A_46 = vector.load %arg12[%swap3A, %swap3A_45] : memref<2000x32xf32, #tpu.memory_space<vmem>>, vector<2000x32xf32>
    tpu.vector_store %arg12[%swap3A, %swap3A_45], %add3A_44 {strides = array<i32>} : memref<2000x32xf32, #tpu.memory_space<vmem>>, vector<2000x32xf32>,
    %get3A_47 = arith.constant 0 : index
    %get3A_48 = arith.constant 0 : index
    %get3A_49 = vector.load %arg10[%get3A_47, %get3A_48] : memref<64x32xf32, #tpu.memory_space<vmem>>, vector<64x32xf32>
    %convert_element_type3A_50 = arith.truncf %max3A_32 : vector<2000x64xf32> to vector<2000x64xbf16>
    %convert_element_type3A_51 = arith.truncf %get3A_49 : vector<64x32xf32> to vector<64x32xbf16>
    %dot_general3A_52 = arith.constant dense<0.000000e+00> : vector<2000x32xf32>
    %dot_general3A_53 = tpu.matmul %convert_element_type3A_50, %convert_element_type3A_51, %dot_general3A_52 {dimension_numbers = #tpu.dot_dimension_numbers<[1], [0], [0], [1], [0, 0, 1, 1], [], []>, transpose_lhs_hint = false} : vector<2000x64xbf16>, vector<64x32xbf16>, vector<2000x32xf32> -> vector<2000x32xf32>
    %get3A_54 = arith.constant 0 : index
    %get3A_55 = arith.constant 0 : index
    %get3A_56 = vector.load %arg11[%get3A_54, %get3A_55] : memref<1x32xf32, #tpu.memory_space<vmem>>, vector<1x32xf32>
    %add3A_57 = vector.broadcast %get3A_56 : vector<1x32xf32> to vector<2000x32xf32>
    %add3A_58 = arith.addf %dot_general3A_53, %add3A_57 : vector<2000x32xf32>
    %swap3A_59 = arith.constant 0 : index
    %swap3A_60 = arith.constant 0 : index
    %swap3A_61 = vector.load %arg13[%swap3A_59, %swap3A_60] : memref<2000x32xf32, #tpu.memory_space<vmem>>, vector<2000x32xf32>
    tpu.vector_store %arg13[%swap3A_59, %swap3A_60], %add3A_58 {strides = array<i32>} : memref<2000x32xf32, #tpu.memory_space<vmem>>, vector<2000x32xf32>,
    return
  }
  func.func @transform_0(%arg0: i32) -> (i32, i32) {
    %c0_i32 = arith.constant 0 : i32
    %c0_i32_0 = arith.constant 0 : i32
    return %arg0, %c0_i32 : i32, i32
  }
  func.func @transform_1(%arg0: i32) -> (i32, i32) {
    %c0_i32 = arith.constant 0 : i32
    %c0_i32_0 = arith.constant 0 : i32
    return %arg0, %c0_i32 : i32, i32
  }
  func.func @transform_2(%arg0: i32) -> (i32, i32) {
    %c0_i32 = arith.constant 0 : i32
    %c0_i32_0 = arith.constant 0 : i32
    return %arg0, %c0_i32 : i32, i32
  }
  func.func @transform_3(%arg0: i32) -> (i32, i32) {
    %c0_i32 = arith.constant 0 : i32
    %c0_i32_0 = arith.constant 0 : i32
    return %arg0, %c0_i32 : i32, i32
  }
  func.func @transform_4(%arg0: i32) -> (i32, i32) {
    %c0_i32 = arith.constant 0 : i32
    %c0_i32_0 = arith.constant 0 : i32
    return %arg0, %c0_i32 : i32, i32
  }
  func.func @transform_5(%arg0: i32) -> (i32, i32) {
    %c0_i32 = arith.constant 0 : i32
    %c0_i32_0 = arith.constant 0 : i32
    %c0_i32_1 = arith.constant 0 : i32
    return %c0_i32, %c0_i32_0 : i32, i32
  }
  func.func @transform_6(%arg0: i32) -> (i32, i32) {
    %c0_i32 = arith.constant 0 : i32
    %c0_i32_0 = arith.constant 0 : i32
    %c0_i32_1 = arith.constant 0 : i32
    return %c0_i32, %c0_i32_0 : i32, i32
  }
  func.func @transform_7(%arg0: i32) -> (i32, i32) {
    %c0_i32 = arith.constant 0 : i32
    %c0_i32_0 = arith.constant 0 : i32
    %c0_i32_1 = arith.constant 0 : i32
    return %c0_i32, %c0_i32_0 : i32, i32
  }
  func.func @transform_8(%arg0: i32) -> (i32, i32) {
    %c0_i32 = arith.constant 0 : i32
    %c0_i32_0 = arith.constant 0 : i32
    %c0_i32_1 = arith.constant 0 : i32
    return %c0_i32, %c0_i32_0 : i32, i32
  }
  func.func @transform_9(%arg0: i32) -> (i32, i32) {
    %c0_i32 = arith.constant 0 : i32
    %c0_i32_0 = arith.constant 0 : i32
    %c0_i32_1 = arith.constant 0 : i32
    return %c0_i32, %c0_i32_0 : i32, i32
  }
  func.func @transform_10(%arg0: i32) -> (i32, i32) {
    %c0_i32 = arith.constant 0 : i32
    %c0_i32_0 = arith.constant 0 : i32
    %c0_i32_1 = arith.constant 0 : i32
    return %c0_i32, %c0_i32_0 : i32, i32
  }
  func.func @transform_11(%arg0: i32) -> (i32, i32) {
    %c0_i32 = arith.constant 0 : i32
    %c0_i32_0 = arith.constant 0 : i32
    return %arg0, %c0_i32 : i32, i32
  }
  func.func @transform_12(%arg0: i32) -> (i32, i32) {
    %c0_i32 = arith.constant 0 : i32
    %c0_i32_0 = arith.constant 0 : i32
    return %arg0, %c0_i32 : i32, i32
  }
}

module attributes {stable_mosaic.version = 14 : i64} {
  func.func @body(%arg0: i32, %arg1: memref<2000x32xf32, #tpu.memory_space<vmem>>, %arg2: memref<1x32xf32, #tpu.memory_space<vmem>>, %arg3: memref<1x32xf32, #tpu.memory_space<vmem>>) attributes {dimension_semantics = [#tpu.dimension_semantics<arbitrary>], iteration_bounds = array<i64: 25>, scalar_prefetch = 0 : i64, scratch_operands = 1 : i64, tpu.core_type = #tpu.core_type<tc>, window_params = [{transform_indices = @transform_0, window_bounds = array<i64: 2000, 32>}, {pipeline_mode = #tpu.pipeline_mode<synchronous>, transform_indices = @transform_1, window_bounds = array<i64: 1, 32>}]} {
    %get3A = arith.constant 0 : index
    %get3A_0 = arith.constant 0 : index
    %get3A_1 = vector.load %arg1[%get3A, %get3A_0] : memref<2000x32xf32, #tpu.memory_space<vmem>>, vector<2000x32xf32>
    %reduce_sum3A = arith.constant dense<0.000000e+00> : vector<32xf32>
    %reduce_sum3A_2 = vector.multi_reduction <add>, %get3A_1, %reduce_sum3A [0] : vector<2000x32xf32> to vector<32xf32>
    %broadcast_in_dim3A = vector.shape_cast %reduce_sum3A_2 : vector<32xf32> to vector<1x32xf32>
    %eq3A = arith.constant 0 : i32
    %eq3A_3 = arith.cmpi eq, %arg0, %eq3A : i32
    %convert_element_type3A = arith.extui %eq3A_3 : i1 to i32
    %cond3A = arith.constant 0 : i32
    %cond3A_4 = arith.cmpi ne, %convert_element_type3A, %cond3A : i32
    scf.if %cond3A_4 {
      %swap3A = arith.constant 0 : index
      %swap3A_14 = arith.constant 0 : index
      %swap3A_15 = vector.load %arg3[%swap3A, %swap3A_14] : memref<1x32xf32, #tpu.memory_space<vmem>>, vector<1x32xf32>
      tpu.vector_store %arg3[%swap3A, %swap3A_14], %broadcast_in_dim3A {strides = array<i32>} : memref<1x32xf32, #tpu.memory_space<vmem>>, vector<1x32xf32>,
    } else {
    }
    %gt3A = arith.constant 0 : i32
    %gt3A_5 = arith.cmpi sgt, %arg0, %gt3A : i32
    %convert_element_type3A_6 = arith.extui %gt3A_5 : i1 to i32
    %cond3A_7 = arith.constant 0 : i32
    %cond3A_8 = arith.cmpi ne, %convert_element_type3A_6, %cond3A_7 : i32
    scf.if %cond3A_8 {
      %get3A_14 = arith.constant 0 : index
      %get3A_15 = arith.constant 0 : index
      %get3A_16 = vector.load %arg3[%get3A_14, %get3A_15] : memref<1x32xf32, #tpu.memory_space<vmem>>, vector<1x32xf32>
      %add3A = arith.addf %get3A_16, %broadcast_in_dim3A : vector<1x32xf32>
      %swap3A = arith.constant 0 : index
      %swap3A_17 = arith.constant 0 : index
      %swap3A_18 = vector.load %arg3[%swap3A, %swap3A_17] : memref<1x32xf32, #tpu.memory_space<vmem>>, vector<1x32xf32>
      tpu.vector_store %arg3[%swap3A, %swap3A_17], %add3A {strides = array<i32>} : memref<1x32xf32, #tpu.memory_space<vmem>>, vector<1x32xf32>,
    } else {
    }
    %eq3A_9 = arith.constant 24 : i32
    %eq3A_10 = arith.cmpi eq, %arg0, %eq3A_9 : i32
    %convert_element_type3A_11 = arith.extui %eq3A_10 : i1 to i32
    %cond3A_12 = arith.constant 0 : i32
    %cond3A_13 = arith.cmpi ne, %convert_element_type3A_11, %cond3A_12 : i32
    scf.if %cond3A_13 {
      %get3A_14 = arith.constant 0 : index
      %get3A_15 = arith.constant 0 : index
      %get3A_16 = vector.load %arg3[%get3A_14, %get3A_15] : memref<1x32xf32, #tpu.memory_space<vmem>>, vector<1x32xf32>
      %swap3A = arith.constant 0 : index
      %swap3A_17 = arith.constant 0 : index
      %swap3A_18 = vector.load %arg2[%swap3A, %swap3A_17] : memref<1x32xf32, #tpu.memory_space<vmem>>, vector<1x32xf32>
      tpu.vector_store %arg2[%swap3A, %swap3A_17], %get3A_16 {strides = array<i32>} : memref<1x32xf32, #tpu.memory_space<vmem>>, vector<1x32xf32>,
    } else {
    }
    return
  }
  func.func @transform_0(%arg0: i32) -> (i32, i32) {
    %c0_i32 = arith.constant 0 : i32
    %c0_i32_0 = arith.constant 0 : i32
    return %arg0, %c0_i32 : i32, i32
  }
  func.func @transform_1(%arg0: i32) -> (i32, i32) {
    %c0_i32 = arith.constant 0 : i32
    %c0_i32_0 = arith.constant 0 : i32
    %c0_i32_1 = arith.constant 0 : i32
    return %c0_i32, %c0_i32_0 : i32, i32
  }
}

module attributes {stable_mosaic.version = 14 : i64} {
  func.func @body(%arg0: i32, %arg1: memref<2000x32xf32, #tpu.memory_space<vmem>>, %arg2: memref<1x32xf32, #tpu.memory_space<vmem>>, %arg3: memref<1x32xf32, #tpu.memory_space<vmem>>, %arg4: memref<1x32xf32, #tpu.memory_space<vmem>>) attributes {dimension_semantics = [#tpu.dimension_semantics<arbitrary>], iteration_bounds = array<i64: 25>, scalar_prefetch = 0 : i64, scratch_operands = 1 : i64, tpu.core_type = #tpu.core_type<tc>, window_params = [{transform_indices = @transform_0, window_bounds = array<i64: 2000, 32>}, {pipeline_mode = #tpu.pipeline_mode<synchronous>, transform_indices = @transform_1, window_bounds = array<i64: 1, 32>}, {pipeline_mode = #tpu.pipeline_mode<synchronous>, transform_indices = @transform_2, window_bounds = array<i64: 1, 32>}]} {
    %get3A = arith.constant 0 : index
    %get3A_0 = arith.constant 0 : index
    %get3A_1 = vector.load %arg1[%get3A, %get3A_0] : memref<2000x32xf32, #tpu.memory_space<vmem>>, vector<2000x32xf32>
    %get3A_2 = arith.constant 0 : index
    %get3A_3 = arith.constant 0 : index
    %get3A_4 = vector.load %arg2[%get3A_2, %get3A_3] : memref<1x32xf32, #tpu.memory_space<vmem>>, vector<1x32xf32>
    %div3A = arith.constant 5.000000e+04 : f32
    %div3A_5 = vector.broadcast %div3A : f32 to vector<1x32xf32>
    %div3A_6 = arith.divf %get3A_4, %div3A_5 : vector<1x32xf32>
    %sub3A = vector.broadcast %div3A_6 : vector<1x32xf32> to vector<2000x32xf32>
    %sub3A_7 = arith.subf %get3A_1, %sub3A : vector<2000x32xf32>
    %mul3A = arith.mulf %sub3A_7, %sub3A_7 : vector<2000x32xf32>
    %reduce_sum3A = arith.constant dense<0.000000e+00> : vector<32xf32>
    %reduce_sum3A_8 = vector.multi_reduction <add>, %mul3A, %reduce_sum3A [0] : vector<2000x32xf32> to vector<32xf32>
    %broadcast_in_dim3A = vector.shape_cast %reduce_sum3A_8 : vector<32xf32> to vector<1x32xf32>
    %eq3A = arith.constant 0 : i32
    %eq3A_9 = arith.cmpi eq, %arg0, %eq3A : i32
    %convert_element_type3A = arith.extui %eq3A_9 : i1 to i32
    %cond3A = arith.constant 0 : i32
    %cond3A_10 = arith.cmpi ne, %convert_element_type3A, %cond3A : i32
    scf.if %cond3A_10 {
      %swap3A = arith.constant 0 : index
      %swap3A_20 = arith.constant 0 : index
      %swap3A_21 = vector.load %arg4[%swap3A, %swap3A_20] : memref<1x32xf32, #tpu.memory_space<vmem>>, vector<1x32xf32>
      tpu.vector_store %arg4[%swap3A, %swap3A_20], %broadcast_in_dim3A {strides = array<i32>} : memref<1x32xf32, #tpu.memory_space<vmem>>, vector<1x32xf32>,
    } else {
    }
    %gt3A = arith.constant 0 : i32
    %gt3A_11 = arith.cmpi sgt, %arg0, %gt3A : i32
    %convert_element_type3A_12 = arith.extui %gt3A_11 : i1 to i32
    %cond3A_13 = arith.constant 0 : i32
    %cond3A_14 = arith.cmpi ne, %convert_element_type3A_12, %cond3A_13 : i32
    scf.if %cond3A_14 {
      %get3A_20 = arith.constant 0 : index
      %get3A_21 = arith.constant 0 : index
      %get3A_22 = vector.load %arg4[%get3A_20, %get3A_21] : memref<1x32xf32, #tpu.memory_space<vmem>>, vector<1x32xf32>
      %add3A = arith.addf %get3A_22, %broadcast_in_dim3A : vector<1x32xf32>
      %swap3A = arith.constant 0 : index
      %swap3A_23 = arith.constant 0 : index
      %swap3A_24 = vector.load %arg4[%swap3A, %swap3A_23] : memref<1x32xf32, #tpu.memory_space<vmem>>, vector<1x32xf32>
      tpu.vector_store %arg4[%swap3A, %swap3A_23], %add3A {strides = array<i32>} : memref<1x32xf32, #tpu.memory_space<vmem>>, vector<1x32xf32>,
    } else {
    }
    %eq3A_15 = arith.constant 24 : i32
    %eq3A_16 = arith.cmpi eq, %arg0, %eq3A_15 : i32
    %convert_element_type3A_17 = arith.extui %eq3A_16 : i1 to i32
    %cond3A_18 = arith.constant 0 : i32
    %cond3A_19 = arith.cmpi ne, %convert_element_type3A_17, %cond3A_18 : i32
    scf.if %cond3A_19 {
      %get3A_20 = arith.constant 0 : index
      %get3A_21 = arith.constant 0 : index
      %get3A_22 = vector.load %arg4[%get3A_20, %get3A_21] : memref<1x32xf32, #tpu.memory_space<vmem>>, vector<1x32xf32>
      %swap3A = arith.constant 0 : index
      %swap3A_23 = arith.constant 0 : index
      %swap3A_24 = vector.load %arg3[%swap3A, %swap3A_23] : memref<1x32xf32, #tpu.memory_space<vmem>>, vector<1x32xf32>
      tpu.vector_store %arg3[%swap3A, %swap3A_23], %get3A_22 {strides = array<i32>} : memref<1x32xf32, #tpu.memory_space<vmem>>, vector<1x32xf32>,
    } else {
    }
    return
  }
  func.func @transform_0(%arg0: i32) -> (i32, i32) {
    %c0_i32 = arith.constant 0 : i32
    %c0_i32_0 = arith.constant 0 : i32
    return %arg0, %c0_i32 : i32, i32
  }
  func.func @transform_1(%arg0: i32) -> (i32, i32) {
    %c0_i32 = arith.constant 0 : i32
    %c0_i32_0 = arith.constant 0 : i32
    %c0_i32_1 = arith.constant 0 : i32
    return %c0_i32, %c0_i32_0 : i32, i32
  }
  func.func @transform_2(%arg0: i32) -> (i32, i32) {
    %c0_i32 = arith.constant 0 : i32
    %c0_i32_0 = arith.constant 0 : i32
    %c0_i32_1 = arith.constant 0 : i32
    return %c0_i32, %c0_i32_0 : i32, i32
  }
}

module attributes {stable_mosaic.version = 14 : i64} {
  func.func @body(%arg0: i32, %arg1: memref<2000x32xf32, #tpu.memory_space<vmem>>, %arg2: memref<2000x32xf32, #tpu.memory_space<vmem>>, %arg3: memref<1x32xf32, #tpu.memory_space<vmem>>, %arg4: memref<1x32xf32, #tpu.memory_space<vmem>>, %arg5: memref<1x32xf32, #tpu.memory_space<vmem>>, %arg6: memref<1x32xf32, #tpu.memory_space<vmem>>, %arg7: memref<1x32xf32, #tpu.memory_space<vmem>>, %arg8: memref<1x32xf32, #tpu.memory_space<vmem>>, %arg9: memref<1x32xf32, #tpu.memory_space<vmem>>, %arg10: memref<1x32xf32, #tpu.memory_space<vmem>>, %arg11: memref<2000x32xf32, #tpu.memory_space<vmem>>, %arg12: memref<2000x32xf32, #tpu.memory_space<vmem>>, %arg13: memref<2000x32xf32, #tpu.memory_space<vmem>>, %arg14: memref<2000x32xf32, #tpu.memory_space<vmem>>, %arg15: memref<2000x32xf32, #tpu.memory_space<vmem>>, %arg16: memref<2000x32xf32, #tpu.memory_space<vmem>>) attributes {dimension_semantics = [#tpu.dimension_semantics<arbitrary>], iteration_bounds = array<i64: 25>, scalar_prefetch = 0 : i64, scratch_operands = 0 : i64, tpu.core_type = #tpu.core_type<tc>, window_params = [{transform_indices = @transform_0, window_bounds = array<i64: 2000, 32>}, {transform_indices = @transform_1, window_bounds = array<i64: 2000, 32>}, {pipeline_mode = #tpu.pipeline_mode<synchronous>, transform_indices = @transform_2, window_bounds = array<i64: 1, 32>}, {pipeline_mode = #tpu.pipeline_mode<synchronous>, transform_indices = @transform_3, window_bounds = array<i64: 1, 32>}, {pipeline_mode = #tpu.pipeline_mode<synchronous>, transform_indices = @transform_4, window_bounds = array<i64: 1, 32>}, {pipeline_mode = #tpu.pipeline_mode<synchronous>, transform_indices = @transform_5, window_bounds = array<i64: 1, 32>}, {pipeline_mode = #tpu.pipeline_mode<synchronous>, transform_indices = @transform_6, window_bounds = array<i64: 1, 32>}, {pipeline_mode = #tpu.pipeline_mode<synchronous>, transform_indices = @transform_7, window_bounds = array<i64: 1, 32>}, {pipeline_mode = #tpu.pipeline_mode<synchronous>, transform_indices = @transform_8, window_bounds = array<i64: 1, 32>}, {pipeline_mode = #tpu.pipeline_mode<synchronous>, transform_indices = @transform_9, window_bounds = array<i64: 1, 32>}, {transform_indices = @transform_10, window_bounds = array<i64: 2000, 32>}, {transform_indices = @transform_11, window_bounds = array<i64: 2000, 32>}, {transform_indices = @transform_12, window_bounds = array<i64: 2000, 32>}, {transform_indices = @transform_13, window_bounds = array<i64: 2000, 32>}, {transform_indices = @transform_14, window_bounds = array<i64: 2000, 32>}, {transform_indices = @transform_15, window_bounds = array<i64: 2000, 32>}]} {
    %get3A = arith.constant 0 : index
    %get3A_0 = arith.constant 0 : index
    %get3A_1 = vector.load %arg3[%get3A, %get3A_0] : memref<1x32xf32, #tpu.memory_space<vmem>>, vector<1x32xf32>
    %div3A = arith.constant 5.000000e+04 : f32
    %div3A_2 = vector.broadcast %div3A : f32 to vector<1x32xf32>
    %div3A_3 = arith.divf %get3A_1, %div3A_2 : vector<1x32xf32>
    %get3A_4 = arith.constant 0 : index
    %get3A_5 = arith.constant 0 : index
    %get3A_6 = vector.load %arg4[%get3A_4, %get3A_5] : memref<1x32xf32, #tpu.memory_space<vmem>>, vector<1x32xf32>
    %div3A_7 = arith.constant 5.000000e+04 : f32
    %div3A_8 = vector.broadcast %div3A_7 : f32 to vector<1x32xf32>
    %div3A_9 = arith.divf %get3A_6, %div3A_8 : vector<1x32xf32>
    %get3A_10 = arith.constant 0 : index
    %get3A_11 = arith.constant 0 : index
    %get3A_12 = vector.load %arg1[%get3A_10, %get3A_11] : memref<2000x32xf32, #tpu.memory_space<vmem>>, vector<2000x32xf32>
    %sub3A = vector.broadcast %div3A_3 : vector<1x32xf32> to vector<2000x32xf32>
    %sub3A_13 = arith.subf %get3A_12, %sub3A : vector<2000x32xf32>
    %add3A = arith.constant 9.99999974E-6 : f32
    %add3A_14 = vector.broadcast %add3A : f32 to vector<1x32xf32>
    %add3A_15 = arith.addf %div3A_9, %add3A_14 : vector<1x32xf32>
    %sqrt3A = math.sqrt %add3A_15 : vector<1x32xf32>
    %div3A_16 = vector.broadcast %sqrt3A : vector<1x32xf32> to vector<2000x32xf32>
    %div3A_17 = arith.divf %sub3A_13, %div3A_16 : vector<2000x32xf32>
    %get3A_18 = arith.constant 0 : index
    %get3A_19 = arith.constant 0 : index
    %get3A_20 = vector.load %arg7[%get3A_18, %get3A_19] : memref<1x32xf32, #tpu.memory_space<vmem>>, vector<1x32xf32>
    %mul3A = vector.broadcast %get3A_20 : vector<1x32xf32> to vector<2000x32xf32>
    %mul3A_21 = arith.mulf %div3A_17, %mul3A : vector<2000x32xf32>
    %get3A_22 = arith.constant 0 : index
    %get3A_23 = arith.constant 0 : index
    %get3A_24 = vector.load %arg8[%get3A_22, %get3A_23] : memref<1x32xf32, #tpu.memory_space<vmem>>, vector<1x32xf32>
    %add3A_25 = vector.broadcast %get3A_24 : vector<1x32xf32> to vector<2000x32xf32>
    %add3A_26 = arith.addf %mul3A_21, %add3A_25 : vector<2000x32xf32>
    %max3A = arith.constant 0.000000e+00 : f32
    %max3A_27 = vector.broadcast %max3A : f32 to vector<2000x32xf32>
    %max3A_28 = arith.maximumf %add3A_26, %max3A_27 : vector<2000x32xf32>
    %get3A_29 = arith.constant 0 : index
    %get3A_30 = arith.constant 0 : index
    %get3A_31 = vector.load %arg5[%get3A_29, %get3A_30] : memref<1x32xf32, #tpu.memory_space<vmem>>, vector<1x32xf32>
    %div3A_32 = arith.constant 5.000000e+04 : f32
    %div3A_33 = vector.broadcast %div3A_32 : f32 to vector<1x32xf32>
    %div3A_34 = arith.divf %get3A_31, %div3A_33 : vector<1x32xf32>
    %get3A_35 = arith.constant 0 : index
    %get3A_36 = arith.constant 0 : index
    %get3A_37 = vector.load %arg6[%get3A_35, %get3A_36] : memref<1x32xf32, #tpu.memory_space<vmem>>, vector<1x32xf32>
    %div3A_38 = arith.constant 5.000000e+04 : f32
    %div3A_39 = vector.broadcast %div3A_38 : f32 to vector<1x32xf32>
    %div3A_40 = arith.divf %get3A_37, %div3A_39 : vector<1x32xf32>
    %get3A_41 = arith.constant 0 : index
    %get3A_42 = arith.constant 0 : index
    %get3A_43 = vector.load %arg2[%get3A_41, %get3A_42] : memref<2000x32xf32, #tpu.memory_space<vmem>>, vector<2000x32xf32>
    %sub3A_44 = vector.broadcast %div3A_34 : vector<1x32xf32> to vector<2000x32xf32>
    %sub3A_45 = arith.subf %get3A_43, %sub3A_44 : vector<2000x32xf32>
    %add3A_46 = arith.constant 9.99999974E-6 : f32
    %add3A_47 = vector.broadcast %add3A_46 : f32 to vector<1x32xf32>
    %add3A_48 = arith.addf %div3A_40, %add3A_47 : vector<1x32xf32>
    %sqrt3A_49 = math.sqrt %add3A_48 : vector<1x32xf32>
    %div3A_50 = vector.broadcast %sqrt3A_49 : vector<1x32xf32> to vector<2000x32xf32>
    %div3A_51 = arith.divf %sub3A_45, %div3A_50 : vector<2000x32xf32>
    %get3A_52 = arith.constant 0 : index
    %get3A_53 = arith.constant 0 : index
    %get3A_54 = vector.load %arg9[%get3A_52, %get3A_53] : memref<1x32xf32, #tpu.memory_space<vmem>>, vector<1x32xf32>
    %mul3A_55 = vector.broadcast %get3A_54 : vector<1x32xf32> to vector<2000x32xf32>
    %mul3A_56 = arith.mulf %div3A_51, %mul3A_55 : vector<2000x32xf32>
    %get3A_57 = arith.constant 0 : index
    %get3A_58 = arith.constant 0 : index
    %get3A_59 = vector.load %arg10[%get3A_57, %get3A_58] : memref<1x32xf32, #tpu.memory_space<vmem>>, vector<1x32xf32>
    %add3A_60 = vector.broadcast %get3A_59 : vector<1x32xf32> to vector<2000x32xf32>
    %add3A_61 = arith.addf %mul3A_56, %add3A_60 : vector<2000x32xf32>
    %max3A_62 = arith.constant 0.000000e+00 : f32
    %max3A_63 = vector.broadcast %max3A_62 : f32 to vector<2000x32xf32>
    %max3A_64 = arith.maximumf %add3A_61, %max3A_63 : vector<2000x32xf32>
    %swap3A = arith.constant 0 : index
    %swap3A_65 = arith.constant 0 : index
    %swap3A_66 = vector.load %arg13[%swap3A, %swap3A_65] : memref<2000x32xf32, #tpu.memory_space<vmem>>, vector<2000x32xf32>
    tpu.vector_store %arg13[%swap3A, %swap3A_65], %max3A_28 {strides = array<i32>} : memref<2000x32xf32, #tpu.memory_space<vmem>>, vector<2000x32xf32>,
    %swap3A_67 = arith.constant 0 : index
    %swap3A_68 = arith.constant 0 : index
    %swap3A_69 = vector.load %arg14[%swap3A_67, %swap3A_68] : memref<2000x32xf32, #tpu.memory_space<vmem>>, vector<2000x32xf32>
    tpu.vector_store %arg14[%swap3A_67, %swap3A_68], %max3A_64 {strides = array<i32>} : memref<2000x32xf32, #tpu.memory_space<vmem>>, vector<2000x32xf32>,
    %get3A_70 = arith.constant 0 : index
    %get3A_71 = arith.constant 0 : index
    %get3A_72 = vector.load %arg11[%get3A_70, %get3A_71] : memref<2000x32xf32, #tpu.memory_space<vmem>>, vector<2000x32xf32>
    %add3A_73 = arith.addf %get3A_72, %max3A_28 : vector<2000x32xf32>
    %swap3A_74 = arith.constant 0 : index
    %swap3A_75 = arith.constant 0 : index
    %swap3A_76 = vector.load %arg15[%swap3A_74, %swap3A_75] : memref<2000x32xf32, #tpu.memory_space<vmem>>, vector<2000x32xf32>
    tpu.vector_store %arg15[%swap3A_74, %swap3A_75], %add3A_73 {strides = array<i32>} : memref<2000x32xf32, #tpu.memory_space<vmem>>, vector<2000x32xf32>,
    %get3A_77 = arith.constant 0 : index
    %get3A_78 = arith.constant 0 : index
    %get3A_79 = vector.load %arg12[%get3A_77, %get3A_78] : memref<2000x32xf32, #tpu.memory_space<vmem>>, vector<2000x32xf32>
    %add3A_80 = arith.addf %get3A_79, %max3A_64 : vector<2000x32xf32>
    %swap3A_81 = arith.constant 0 : index
    %swap3A_82 = arith.constant 0 : index
    %swap3A_83 = vector.load %arg16[%swap3A_81, %swap3A_82] : memref<2000x32xf32, #tpu.memory_space<vmem>>, vector<2000x32xf32>
    tpu.vector_store %arg16[%swap3A_81, %swap3A_82], %add3A_80 {strides = array<i32>} : memref<2000x32xf32, #tpu.memory_space<vmem>>, vector<2000x32xf32>,
    return
  }
  func.func @transform_0(%arg0: i32) -> (i32, i32) {
    %c0_i32 = arith.constant 0 : i32
    %c0_i32_0 = arith.constant 0 : i32
    return %arg0, %c0_i32 : i32, i32
  }
  func.func @transform_1(%arg0: i32) -> (i32, i32) {
    %c0_i32 = arith.constant 0 : i32
    %c0_i32_0 = arith.constant 0 : i32
    return %arg0, %c0_i32 : i32, i32
  }
  func.func @transform_2(%arg0: i32) -> (i32, i32) {
    %c0_i32 = arith.constant 0 : i32
    %c0_i32_0 = arith.constant 0 : i32
    %c0_i32_1 = arith.constant 0 : i32
    return %c0_i32, %c0_i32_0 : i32, i32
  }
  func.func @transform_3(%arg0: i32) -> (i32, i32) {
    %c0_i32 = arith.constant 0 : i32
    %c0_i32_0 = arith.constant 0 : i32
    %c0_i32_1 = arith.constant 0 : i32
    return %c0_i32, %c0_i32_0 : i32, i32
  }
  func.func @transform_4(%arg0: i32) -> (i32, i32) {
    %c0_i32 = arith.constant 0 : i32
    %c0_i32_0 = arith.constant 0 : i32
    %c0_i32_1 = arith.constant 0 : i32
    return %c0_i32, %c0_i32_0 : i32, i32
  }
  func.func @transform_5(%arg0: i32) -> (i32, i32) {
    %c0_i32 = arith.constant 0 : i32
    %c0_i32_0 = arith.constant 0 : i32
    %c0_i32_1 = arith.constant 0 : i32
    return %c0_i32, %c0_i32_0 : i32, i32
  }
  func.func @transform_6(%arg0: i32) -> (i32, i32) {
    %c0_i32 = arith.constant 0 : i32
    %c0_i32_0 = arith.constant 0 : i32
    %c0_i32_1 = arith.constant 0 : i32
    return %c0_i32, %c0_i32_0 : i32, i32
  }
  func.func @transform_7(%arg0: i32) -> (i32, i32) {
    %c0_i32 = arith.constant 0 : i32
    %c0_i32_0 = arith.constant 0 : i32
    %c0_i32_1 = arith.constant 0 : i32
    return %c0_i32, %c0_i32_0 : i32, i32
  }
  func.func @transform_8(%arg0: i32) -> (i32, i32) {
    %c0_i32 = arith.constant 0 : i32
    %c0_i32_0 = arith.constant 0 : i32
    %c0_i32_1 = arith.constant 0 : i32
    return %c0_i32, %c0_i32_0 : i32, i32
  }
  func.func @transform_9(%arg0: i32) -> (i32, i32) {
    %c0_i32 = arith.constant 0 : i32
    %c0_i32_0 = arith.constant 0 : i32
    %c0_i32_1 = arith.constant 0 : i32
    return %c0_i32, %c0_i32_0 : i32, i32
  }
  func.func @transform_10(%arg0: i32) -> (i32, i32) {
    %c0_i32 = arith.constant 0 : i32
    %c0_i32_0 = arith.constant 0 : i32
    return %arg0, %c0_i32 : i32, i32
  }
  func.func @transform_11(%arg0: i32) -> (i32, i32) {
    %c0_i32 = arith.constant 0 : i32
    %c0_i32_0 = arith.constant 0 : i32
    return %arg0, %c0_i32 : i32, i32
  }
  func.func @transform_12(%arg0: i32) -> (i32, i32) {
    %c0_i32 = arith.constant 0 : i32
    %c0_i32_0 = arith.constant 0 : i32
    return %arg0, %c0_i32 : i32, i32
  }
  func.func @transform_13(%arg0: i32) -> (i32, i32) {
    %c0_i32 = arith.constant 0 : i32
    %c0_i32_0 = arith.constant 0 : i32
    return %arg0, %c0_i32 : i32, i32
  }
  func.func @transform_14(%arg0: i32) -> (i32, i32) {
    %c0_i32 = arith.constant 0 : i32
    %c0_i32_0 = arith.constant 0 : i32
    return %arg0, %c0_i32 : i32, i32
  }
  func.func @transform_15(%arg0: i32) -> (i32, i32) {
    %c0_i32 = arith.constant 0 : i32
    %c0_i32_0 = arith.constant 0 : i32
    return %arg0, %c0_i32 : i32, i32
  }
}

module attributes {stable_mosaic.version = 14 : i64} {
  func.func @body(%arg0: i32, %arg1: memref<2000x32xf32, #tpu.memory_space<vmem>>, %arg2: memref<2000x32xf32, #tpu.memory_space<vmem>>, %arg3: memref<1x32xf32, #tpu.memory_space<vmem>>, %arg4: memref<1x32xf32, #tpu.memory_space<vmem>>, %arg5: memref<1x32xf32, #tpu.memory_space<vmem>>, %arg6: memref<1x32xf32, #tpu.memory_space<vmem>>, %arg7: memref<1x32xf32, #tpu.memory_space<vmem>>, %arg8: memref<1x32xf32, #tpu.memory_space<vmem>>, %arg9: memref<1x32xf32, #tpu.memory_space<vmem>>, %arg10: memref<1x32xf32, #tpu.memory_space<vmem>>, %arg11: memref<2000x32xf32, #tpu.memory_space<vmem>>, %arg12: memref<2000x32xf32, #tpu.memory_space<vmem>>, %arg13: memref<2000x1xi32, #tpu.memory_space<vmem>>, %arg14: memref<64x64xf32, #tpu.memory_space<vmem>>, %arg15: memref<1x64xf32, #tpu.memory_space<vmem>>, %arg16: memref<1x64xf32, #tpu.memory_space<vmem>>, %arg17: memref<1x64xf32, #tpu.memory_space<vmem>>, %arg18: memref<2000x32xf32, #tpu.memory_space<vmem>>, %arg19: memref<2000x32xf32, #tpu.memory_space<vmem>>, %arg20: memref<64x64xf32, #tpu.memory_space<vmem>>, %arg21: memref<64x32xf32, #tpu.memory_space<vmem>>, %arg22: memref<64x32xf32, #tpu.memory_space<vmem>>, %arg23: memref<64x1xf32, #tpu.memory_space<vmem>>) attributes {dimension_semantics = [#tpu.dimension_semantics<arbitrary>], iteration_bounds = array<i64: 25>, scalar_prefetch = 0 : i64, scratch_operands = 3 : i64, tpu.core_type = #tpu.core_type<tc>, window_params = [{transform_indices = @transform_0, window_bounds = array<i64: 2000, 32>}, {transform_indices = @transform_1, window_bounds = array<i64: 2000, 32>}, {pipeline_mode = #tpu.pipeline_mode<synchronous>, transform_indices = @transform_2, window_bounds = array<i64: 1, 32>}, {pipeline_mode = #tpu.pipeline_mode<synchronous>, transform_indices = @transform_3, window_bounds = array<i64: 1, 32>}, {pipeline_mode = #tpu.pipeline_mode<synchronous>, transform_indices = @transform_4, window_bounds = array<i64: 1, 32>}, {pipeline_mode = #tpu.pipeline_mode<synchronous>, transform_indices = @transform_5, window_bounds = array<i64: 1, 32>}, {pipeline_mode = #tpu.pipeline_mode<synchronous>, transform_indices = @transform_6, window_bounds = array<i64: 1, 32>}, {pipeline_mode = #tpu.pipeline_mode<synchronous>, transform_indices = @transform_7, window_bounds = array<i64: 1, 32>}, {pipeline_mode = #tpu.pipeline_mode<synchronous>, transform_indices = @transform_8, window_bounds = array<i64: 1, 32>}, {pipeline_mode = #tpu.pipeline_mode<synchronous>, transform_indices = @transform_9, window_bounds = array<i64: 1, 32>}, {transform_indices = @transform_10, window_bounds = array<i64: 2000, 32>}, {transform_indices = @transform_11, window_bounds = array<i64: 2000, 32>}, {transform_indices = @transform_12, window_bounds = array<i64: 2000, 1>}, {pipeline_mode = #tpu.pipeline_mode<synchronous>, transform_indices = @transform_13, window_bounds = array<i64: 64, 64>}, {pipeline_mode = #tpu.pipeline_mode<synchronous>, transform_indices = @transform_14, window_bounds = array<i64: 1, 64>}, {pipeline_mode = #tpu.pipeline_mode<synchronous>, transform_indices = @transform_15, window_bounds = array<i64: 1, 64>}, {pipeline_mode = #tpu.pipeline_mode<synchronous>, transform_indices = @transform_16, window_bounds = array<i64: 1, 64>}, {transform_indices = @transform_17, window_bounds = array<i64: 2000, 32>}, {transform_indices = @transform_18, window_bounds = array<i64: 2000, 32>}, {pipeline_mode = #tpu.pipeline_mode<synchronous>, transform_indices = @transform_19, window_bounds = array<i64: 64, 64>}]} {
    %get3A = arith.constant 0 : index
    %get3A_0 = arith.constant 0 : index
    %get3A_1 = vector.load %arg3[%get3A, %get3A_0] : memref<1x32xf32, #tpu.memory_space<vmem>>, vector<1x32xf32>
    %div3A = arith.constant 5.000000e+04 : f32
    %div3A_2 = vector.broadcast %div3A : f32 to vector<1x32xf32>
    %div3A_3 = arith.divf %get3A_1, %div3A_2 : vector<1x32xf32>
    %get3A_4 = arith.constant 0 : index
    %get3A_5 = arith.constant 0 : index
    %get3A_6 = vector.load %arg4[%get3A_4, %get3A_5] : memref<1x32xf32, #tpu.memory_space<vmem>>, vector<1x32xf32>
    %div3A_7 = arith.constant 5.000000e+04 : f32
    %div3A_8 = vector.broadcast %div3A_7 : f32 to vector<1x32xf32>
    %div3A_9 = arith.divf %get3A_6, %div3A_8 : vector<1x32xf32>
    %get3A_10 = arith.constant 0 : index
    %get3A_11 = arith.constant 0 : index
    %get3A_12 = vector.load %arg1[%get3A_10, %get3A_11] : memref<2000x32xf32, #tpu.memory_space<vmem>>, vector<2000x32xf32>
    %sub3A = vector.broadcast %div3A_3 : vector<1x32xf32> to vector<2000x32xf32>
    %sub3A_13 = arith.subf %get3A_12, %sub3A : vector<2000x32xf32>
    %add3A = arith.constant 9.99999974E-6 : f32
    %add3A_14 = vector.broadcast %add3A : f32 to vector<1x32xf32>
    %add3A_15 = arith.addf %div3A_9, %add3A_14 : vector<1x32xf32>
    %sqrt3A = math.sqrt %add3A_15 : vector<1x32xf32>
    %div3A_16 = vector.broadcast %sqrt3A : vector<1x32xf32> to vector<2000x32xf32>
    %div3A_17 = arith.divf %sub3A_13, %div3A_16 : vector<2000x32xf32>
    %get3A_18 = arith.constant 0 : index
    %get3A_19 = arith.constant 0 : index
    %get3A_20 = vector.load %arg7[%get3A_18, %get3A_19] : memref<1x32xf32, #tpu.memory_space<vmem>>, vector<1x32xf32>
    %mul3A = vector.broadcast %get3A_20 : vector<1x32xf32> to vector<2000x32xf32>
    %mul3A_21 = arith.mulf %div3A_17, %mul3A : vector<2000x32xf32>
    %get3A_22 = arith.constant 0 : index
    %get3A_23 = arith.constant 0 : index
    %get3A_24 = vector.load %arg8[%get3A_22, %get3A_23] : memref<1x32xf32, #tpu.memory_space<vmem>>, vector<1x32xf32>
    %add3A_25 = vector.broadcast %get3A_24 : vector<1x32xf32> to vector<2000x32xf32>
    %add3A_26 = arith.addf %mul3A_21, %add3A_25 : vector<2000x32xf32>
    %max3A = arith.constant 0.000000e+00 : f32
    %max3A_27 = vector.broadcast %max3A : f32 to vector<2000x32xf32>
    %max3A_28 = arith.maximumf %add3A_26, %max3A_27 : vector<2000x32xf32>
    %get3A_29 = arith.constant 0 : index
    %get3A_30 = arith.constant 0 : index
    %get3A_31 = vector.load %arg5[%get3A_29, %get3A_30] : memref<1x32xf32, #tpu.memory_space<vmem>>, vector<1x32xf32>
    %div3A_32 = arith.constant 5.000000e+04 : f32
    %div3A_33 = vector.broadcast %div3A_32 : f32 to vector<1x32xf32>
    %div3A_34 = arith.divf %get3A_31, %div3A_33 : vector<1x32xf32>
    %get3A_35 = arith.constant 0 : index
    %get3A_36 = arith.constant 0 : index
    %get3A_37 = vector.load %arg6[%get3A_35, %get3A_36] : memref<1x32xf32, #tpu.memory_space<vmem>>, vector<1x32xf32>
    %div3A_38 = arith.constant 5.000000e+04 : f32
    %div3A_39 = vector.broadcast %div3A_38 : f32 to vector<1x32xf32>
    %div3A_40 = arith.divf %get3A_37, %div3A_39 : vector<1x32xf32>
    %get3A_41 = arith.constant 0 : index
    %get3A_42 = arith.constant 0 : index
    %get3A_43 = vector.load %arg2[%get3A_41, %get3A_42] : memref<2000x32xf32, #tpu.memory_space<vmem>>, vector<2000x32xf32>
    %sub3A_44 = vector.broadcast %div3A_34 : vector<1x32xf32> to vector<2000x32xf32>
    %sub3A_45 = arith.subf %get3A_43, %sub3A_44 : vector<2000x32xf32>
    %add3A_46 = arith.constant 9.99999974E-6 : f32
    %add3A_47 = vector.broadcast %add3A_46 : f32 to vector<1x32xf32>
    %add3A_48 = arith.addf %div3A_40, %add3A_47 : vector<1x32xf32>
    %sqrt3A_49 = math.sqrt %add3A_48 : vector<1x32xf32>
    %div3A_50 = vector.broadcast %sqrt3A_49 : vector<1x32xf32> to vector<2000x32xf32>
    %div3A_51 = arith.divf %sub3A_45, %div3A_50 : vector<2000x32xf32>
    %get3A_52 = arith.constant 0 : index
    %get3A_53 = arith.constant 0 : index
    %get3A_54 = vector.load %arg9[%get3A_52, %get3A_53] : memref<1x32xf32, #tpu.memory_space<vmem>>, vector<1x32xf32>
    %mul3A_55 = vector.broadcast %get3A_54 : vector<1x32xf32> to vector<2000x32xf32>
    %mul3A_56 = arith.mulf %div3A_51, %mul3A_55 : vector<2000x32xf32>
    %get3A_57 = arith.constant 0 : index
    %get3A_58 = arith.constant 0 : index
    %get3A_59 = vector.load %arg10[%get3A_57, %get3A_58] : memref<1x32xf32, #tpu.memory_space<vmem>>, vector<1x32xf32>
    %add3A_60 = vector.broadcast %get3A_59 : vector<1x32xf32> to vector<2000x32xf32>
    %add3A_61 = arith.addf %mul3A_56, %add3A_60 : vector<2000x32xf32>
    %max3A_62 = arith.constant 0.000000e+00 : f32
    %max3A_63 = vector.broadcast %max3A_62 : f32 to vector<2000x32xf32>
    %max3A_64 = arith.maximumf %add3A_61, %max3A_63 : vector<2000x32xf32>
    %get3A_65 = arith.constant 0 : index
    %get3A_66 = arith.constant 0 : index
    %get3A_67 = vector.load %arg11[%get3A_65, %get3A_66] : memref<2000x32xf32, #tpu.memory_space<vmem>>, vector<2000x32xf32>
    %add3A_68 = arith.addf %get3A_67, %max3A_28 : vector<2000x32xf32>
    %get3A_69 = arith.constant 0 : index
    %get3A_70 = arith.constant 0 : index
    %get3A_71 = vector.load %arg12[%get3A_69, %get3A_70] : memref<2000x32xf32, #tpu.memory_space<vmem>>, vector<2000x32xf32>
    %add3A_72 = arith.addf %get3A_71, %max3A_64 : vector<2000x32xf32>
    %swap3A = arith.constant 0 : index
    %swap3A_73 = arith.constant 0 : index
    %swap3A_74 = vector.load %arg18[%swap3A, %swap3A_73] : memref<2000x32xf32, #tpu.memory_space<vmem>>, vector<2000x32xf32>
    tpu.vector_store %arg18[%swap3A, %swap3A_73], %add3A_68 {strides = array<i32>} : memref<2000x32xf32, #tpu.memory_space<vmem>>, vector<2000x32xf32>,
    %swap3A_75 = arith.constant 0 : index
    %swap3A_76 = arith.constant 0 : index
    %swap3A_77 = vector.load %arg19[%swap3A_75, %swap3A_76] : memref<2000x32xf32, #tpu.memory_space<vmem>>, vector<2000x32xf32>
    tpu.vector_store %arg19[%swap3A_75, %swap3A_76], %add3A_72 {strides = array<i32>} : memref<2000x32xf32, #tpu.memory_space<vmem>>, vector<2000x32xf32>,
    %iota3A = tpu.iota {dimensions = array<i32: 1>} : vector<1x64xi32>
    %get3A_78 = arith.constant 0 : index
    %get3A_79 = arith.constant 0 : index
    %get3A_80 = vector.load %arg13[%get3A_78, %get3A_79] : memref<2000x1xi32, #tpu.memory_space<vmem>>, vector<2000x1xi32>
    %eq3A = vector.broadcast %get3A_80 : vector<2000x1xi32> to vector<2000x64xi32>
    %eq3A_81 = vector.broadcast %iota3A : vector<1x64xi32> to vector<2000x64xi32>
    %eq3A_82 = arith.cmpi eq, %eq3A, %eq3A_81 : vector<2000x64xi32>
    %convert_element_type3A = arith.extui %eq3A_82 : vector<2000x64xi1> to vector<2000x64xi32>
    %convert_element_type3A_83 = arith.sitofp %convert_element_type3A : vector<2000x64xi32> to vector<2000x64xf32>
    %dot_general3A = arith.constant dense<0.000000e+00> : vector<64x32xf32>
    %dot_general3A_84 = tpu.matmul %convert_element_type3A_83, %add3A_68, %dot_general3A {dimension_numbers = #tpu.dot_dimension_numbers<[0], [0], [1], [1], [0, 1, 1, 1], [], []>, precision = #tpu.contract_precision<fp32>, transpose_lhs_hint = false} : vector<2000x64xf32>, vector<2000x32xf32>, vector<64x32xf32> -> vector<64x32xf32>
    %eq3A_85 = arith.constant 0 : i32
    %eq3A_86 = arith.cmpi eq, %arg0, %eq3A_85 : i32
    %convert_element_type3A_87 = arith.extui %eq3A_86 : i1 to i32
    %cond3A = arith.constant 0 : i32
    %cond3A_88 = arith.cmpi ne, %convert_element_type3A_87, %cond3A : i32
    scf.if %cond3A_88 {
      %swap3A_123 = arith.constant 0 : index
      %swap3A_124 = arith.constant 0 : index
      %swap3A_125 = vector.load %arg21[%swap3A_123, %swap3A_124] : memref<64x32xf32, #tpu.memory_space<vmem>>, vector<64x32xf32>
      tpu.vector_store %arg21[%swap3A_123, %swap3A_124], %dot_general3A_84 {strides = array<i32>} : memref<64x32xf32, #tpu.memory_space<vmem>>, vector<64x32xf32>,
    } else {
    }
    %gt3A = arith.constant 0 : i32
    %gt3A_89 = arith.cmpi sgt, %arg0, %gt3A : i32
    %convert_element_type3A_90 = arith.extui %gt3A_89 : i1 to i32
    %cond3A_91 = arith.constant 0 : i32
    %cond3A_92 = arith.cmpi ne, %convert_element_type3A_90, %cond3A_91 : i32
    scf.if %cond3A_92 {
      %get3A_123 = arith.constant 0 : index
      %get3A_124 = arith.constant 0 : index
      %get3A_125 = vector.load %arg21[%get3A_123, %get3A_124] : memref<64x32xf32, #tpu.memory_space<vmem>>, vector<64x32xf32>
      %add3A_126 = arith.addf %get3A_125, %dot_general3A_84 : vector<64x32xf32>
      %swap3A_127 = arith.constant 0 : index
      %swap3A_128 = arith.constant 0 : index
      %swap3A_129 = vector.load %arg21[%swap3A_127, %swap3A_128] : memref<64x32xf32, #tpu.memory_space<vmem>>, vector<64x32xf32>
      tpu.vector_store %arg21[%swap3A_127, %swap3A_128], %add3A_126 {strides = array<i32>} : memref<64x32xf32, #tpu.memory_space<vmem>>, vector<64x32xf32>,
    } else {
    }
    %dot_general3A_93 = arith.constant dense<0.000000e+00> : vector<64x32xf32>
    %dot_general3A_94 = tpu.matmul %convert_element_type3A_83, %add3A_72, %dot_general3A_93 {dimension_numbers = #tpu.dot_dimension_numbers<[0], [0], [1], [1], [0, 1, 1, 1], [], []>, precision = #tpu.contract_precision<fp32>, transpose_lhs_hint = false} : vector<2000x64xf32>, vector<2000x32xf32>, vector<64x32xf32> -> vector<64x32xf32>
    %eq3A_95 = arith.constant 0 : i32
    %eq3A_96 = arith.cmpi eq, %arg0, %eq3A_95 : i32
    %convert_element_type3A_97 = arith.extui %eq3A_96 : i1 to i32
    %cond3A_98 = arith.constant 0 : i32
    %cond3A_99 = arith.cmpi ne, %convert_element_type3A_97, %cond3A_98 : i32
    scf.if %cond3A_99 {
      %swap3A_123 = arith.constant 0 : index
      %swap3A_124 = arith.constant 0 : index
      %swap3A_125 = vector.load %arg22[%swap3A_123, %swap3A_124] : memref<64x32xf32, #tpu.memory_space<vmem>>, vector<64x32xf32>
      tpu.vector_store %arg22[%swap3A_123, %swap3A_124], %dot_general3A_94 {strides = array<i32>} : memref<64x32xf32, #tpu.memory_space<vmem>>, vector<64x32xf32>,
    } else {
    }
    %gt3A_100 = arith.constant 0 : i32
    %gt3A_101 = arith.cmpi sgt, %arg0, %gt3A_100 : i32
    %convert_element_type3A_102 = arith.extui %gt3A_101 : i1 to i32
    %cond3A_103 = arith.constant 0 : i32
    %cond3A_104 = arith.cmpi ne, %convert_element_type3A_102, %cond3A_103 : i32
    scf.if %cond3A_104 {
      %get3A_123 = arith.constant 0 : index
      %get3A_124 = arith.constant 0 : index
      %get3A_125 = vector.load %arg22[%get3A_123, %get3A_124] : memref<64x32xf32, #tpu.memory_space<vmem>>, vector<64x32xf32>
      %add3A_126 = arith.addf %get3A_125, %dot_general3A_94 : vector<64x32xf32>
      %swap3A_127 = arith.constant 0 : index
      %swap3A_128 = arith.constant 0 : index
      %swap3A_129 = vector.load %arg22[%swap3A_127, %swap3A_128] : memref<64x32xf32, #tpu.memory_space<vmem>>, vector<64x32xf32>
      tpu.vector_store %arg22[%swap3A_127, %swap3A_128], %add3A_126 {strides = array<i32>} : memref<64x32xf32, #tpu.memory_space<vmem>>, vector<64x32xf32>,
    } else {
    }
    %broadcast_in_dim3A = arith.constant 1.000000e+00 : f32
    %broadcast_in_dim3A_105 = vector.broadcast %broadcast_in_dim3A : f32 to vector<2000x1xf32>
    %dot_general3A_106 = arith.constant dense<0.000000e+00> : vector<64x1xf32>
    %dot_general3A_107 = tpu.matmul %convert_element_type3A_83, %broadcast_in_dim3A_105, %dot_general3A_106 {dimension_numbers = #tpu.dot_dimension_numbers<[0], [0], [1], [1], [0, 1, 1, 1], [], []>, precision = #tpu.contract_precision<fp32>, transpose_lhs_hint = false} : vector<2000x64xf32>, vector<2000x1xf32>, vector<64x1xf32> -> vector<64x1xf32>
    %eq3A_108 = arith.constant 0 : i32
    %eq3A_109 = arith.cmpi eq, %arg0, %eq3A_108 : i32
    %convert_element_type3A_110 = arith.extui %eq3A_109 : i1 to i32
    %cond3A_111 = arith.constant 0 : i32
    %cond3A_112 = arith.cmpi ne, %convert_element_type3A_110, %cond3A_111 : i32
    scf.if %cond3A_112 {
      %swap3A_123 = arith.constant 0 : index
      %swap3A_124 = arith.constant 0 : index
      %swap3A_125 = vector.load %arg23[%swap3A_123, %swap3A_124] : memref<64x1xf32, #tpu.memory_space<vmem>>, vector<64x1xf32>
      tpu.vector_store %arg23[%swap3A_123, %swap3A_124], %dot_general3A_107 {strides = array<i32>} : memref<64x1xf32, #tpu.memory_space<vmem>>, vector<64x1xf32>,
    } else {
    }
    %gt3A_113 = arith.constant 0 : i32
    %gt3A_114 = arith.cmpi sgt, %arg0, %gt3A_113 : i32
    %convert_element_type3A_115 = arith.extui %gt3A_114 : i1 to i32
    %cond3A_116 = arith.constant 0 : i32
    %cond3A_117 = arith.cmpi ne, %convert_element_type3A_115, %cond3A_116 : i32
    scf.if %cond3A_117 {
      %get3A_123 = arith.constant 0 : index
      %get3A_124 = arith.constant 0 : index
      %get3A_125 = vector.load %arg23[%get3A_123, %get3A_124] : memref<64x1xf32, #tpu.memory_space<vmem>>, vector<64x1xf32>
      %add3A_126 = arith.addf %get3A_125, %dot_general3A_107 : vector<64x1xf32>
      %swap3A_127 = arith.constant 0 : index
      %swap3A_128 = arith.constant 0 : index
      %swap3A_129 = vector.load %arg23[%swap3A_127, %swap3A_128] : memref<64x1xf32, #tpu.memory_space<vmem>>, vector<64x1xf32>
      tpu.vector_store %arg23[%swap3A_127, %swap3A_128], %add3A_126 {strides = array<i32>} : memref<64x1xf32, #tpu.memory_space<vmem>>, vector<64x1xf32>,
    } else {
    }
    %eq3A_118 = arith.constant 24 : i32
    %eq3A_119 = arith.cmpi eq, %arg0, %eq3A_118 : i32
    %convert_element_type3A_120 = arith.extui %eq3A_119 : i1 to i32
    %cond3A_121 = arith.constant 0 : i32
    %cond3A_122 = arith.cmpi ne, %convert_element_type3A_120, %cond3A_121 : i32
    scf.if %cond3A_122 {
      %get3A_123 = arith.constant 0 : index
      %get3A_124 = arith.constant 0 : index
      %get3A_125 = vector.load %arg23[%get3A_123, %get3A_124] : memref<64x1xf32, #tpu.memory_space<vmem>>, vector<64x1xf32>
      %max3A_126 = arith.constant 1.000000e+00 : f32
      %max3A_127 = vector.broadcast %max3A_126 : f32 to vector<64x1xf32>
      %max3A_128 = arith.maximumf %get3A_125, %max3A_127 : vector<64x1xf32>
      %get3A_129 = arith.constant 0 : index
      %get3A_130 = arith.constant 0 : index
      %get3A_131 = vector.load %arg21[%get3A_129, %get3A_130] : memref<64x32xf32, #tpu.memory_space<vmem>>, vector<64x32xf32>
      %div3A_132 = vector.broadcast %max3A_128 : vector<64x1xf32> to vector<64x32xf32>
      %div3A_133 = arith.divf %get3A_131, %div3A_132 : vector<64x32xf32>
      %get3A_134 = arith.constant 0 : index
      %get3A_135 = arith.constant 0 : index
      %get3A_136 = vector.load %arg22[%get3A_134, %get3A_135] : memref<64x32xf32, #tpu.memory_space<vmem>>, vector<64x32xf32>
      %div3A_137 = vector.broadcast %max3A_128 : vector<64x1xf32> to vector<64x32xf32>
      %div3A_138 = arith.divf %get3A_136, %div3A_137 : vector<64x32xf32>
      %concatenate3A = tpu.concatenate %div3A_133, %div3A_138 in 1 : vector<64x32xf32>, vector<64x32xf32> -> vector<64x64xf32>
      %get3A_139 = arith.constant 0 : index
      %get3A_140 = arith.constant 0 : index
      %get3A_141 = vector.load %arg14[%get3A_139, %get3A_140] : memref<64x64xf32, #tpu.memory_space<vmem>>, vector<64x64xf32>
      %convert_element_type3A_142 = arith.truncf %concatenate3A : vector<64x64xf32> to vector<64x64xbf16>
      %convert_element_type3A_143 = arith.truncf %get3A_141 : vector<64x64xf32> to vector<64x64xbf16>
      %dot_general3A_144 = arith.constant dense<0.000000e+00> : vector<64x64xf32>
      %dot_general3A_145 = tpu.matmul %convert_element_type3A_142, %convert_element_type3A_143, %dot_general3A_144 {dimension_numbers = #tpu.dot_dimension_numbers<[1], [0], [0], [1], [0, 0, 1, 1], [], []>, transpose_lhs_hint = false} : vector<64x64xbf16>, vector<64x64xbf16>, vector<64x64xf32> -> vector<64x64xf32>
      %get3A_146 = arith.constant 0 : index
      %get3A_147 = arith.constant 0 : index
      %get3A_148 = vector.load %arg15[%get3A_146, %get3A_147] : memref<1x64xf32, #tpu.memory_space<vmem>>, vector<1x64xf32>
      %add3A_149 = vector.broadcast %get3A_148 : vector<1x64xf32> to vector<64x64xf32>
      %add3A_150 = arith.addf %dot_general3A_145, %add3A_149 : vector<64x64xf32>
      %reduce_sum3A = arith.constant dense<0.000000e+00> : vector<64xf32>
      %reduce_sum3A_151 = vector.multi_reduction <add>, %add3A_150, %reduce_sum3A [0] : vector<64x64xf32> to vector<64xf32>
      %broadcast_in_dim3A_152 = vector.shape_cast %reduce_sum3A_151 : vector<64xf32> to vector<1x64xf32>
      %div3A_153 = arith.constant 6.400000e+01 : f32
      %div3A_154 = vector.broadcast %div3A_153 : f32 to vector<1x64xf32>
      %div3A_155 = arith.divf %broadcast_in_dim3A_152, %div3A_154 : vector<1x64xf32>
      %sub3A_156 = vector.broadcast %div3A_155 : vector<1x64xf32> to vector<64x64xf32>
      %sub3A_157 = arith.subf %add3A_150, %sub3A_156 : vector<64x64xf32>
      %mul3A_158 = arith.mulf %sub3A_157, %sub3A_157 : vector<64x64xf32>
      %reduce_sum3A_159 = arith.constant dense<0.000000e+00> : vector<64xf32>
      %reduce_sum3A_160 = vector.multi_reduction <add>, %mul3A_158, %reduce_sum3A_159 [0] : vector<64x64xf32> to vector<64xf32>
      %broadcast_in_dim3A_161 = vector.shape_cast %reduce_sum3A_160 : vector<64xf32> to vector<1x64xf32>
      %div3A_162 = arith.constant 6.400000e+01 : f32
      %div3A_163 = vector.broadcast %div3A_162 : f32 to vector<1x64xf32>
      %div3A_164 = arith.divf %broadcast_in_dim3A_161, %div3A_163 : vector<1x64xf32>
      %add3A_165 = arith.constant 9.99999974E-6 : f32
      %add3A_166 = vector.broadcast %add3A_165 : f32 to vector<1x64xf32>
      %add3A_167 = arith.addf %div3A_164, %add3A_166 : vector<1x64xf32>
      %sqrt3A_168 = math.sqrt %add3A_167 : vector<1x64xf32>
      %div3A_169 = vector.broadcast %sqrt3A_168 : vector<1x64xf32> to vector<64x64xf32>
      %div3A_170 = arith.divf %sub3A_157, %div3A_169 : vector<64x64xf32>
      %get3A_171 = arith.constant 0 : index
      %get3A_172 = arith.constant 0 : index
      %get3A_173 = vector.load %arg16[%get3A_171, %get3A_172] : memref<1x64xf32, #tpu.memory_space<vmem>>, vector<1x64xf32>
      %mul3A_174 = vector.broadcast %get3A_173 : vector<1x64xf32> to vector<64x64xf32>
      %mul3A_175 = arith.mulf %div3A_170, %mul3A_174 : vector<64x64xf32>
      %get3A_176 = arith.constant 0 : index
      %get3A_177 = arith.constant 0 : index
      %get3A_178 = vector.load %arg17[%get3A_176, %get3A_177] : memref<1x64xf32, #tpu.memory_space<vmem>>, vector<1x64xf32>
      %add3A_179 = vector.broadcast %get3A_178 : vector<1x64xf32> to vector<64x64xf32>
      %add3A_180 = arith.addf %mul3A_175, %add3A_179 : vector<64x64xf32>
      %swap3A_181 = arith.constant 0 : index
      %swap3A_182 = arith.constant 0 : index
      %swap3A_183 = vector.load %arg20[%swap3A_181, %swap3A_182] : memref<64x64xf32, #tpu.memory_space<vmem>>, vector<64x64xf32>
      tpu.vector_store %arg20[%swap3A_181, %swap3A_182], %add3A_180 {strides = array<i32>} : memref<64x64xf32, #tpu.memory_space<vmem>>, vector<64x64xf32>,
    } else {
    }
    return
  }
  func.func @transform_0(%arg0: i32) -> (i32, i32) {
    %c0_i32 = arith.constant 0 : i32
    %c0_i32_0 = arith.constant 0 : i32
    return %arg0, %c0_i32 : i32, i32
  }
  func.func @transform_1(%arg0: i32) -> (i32, i32) {
    %c0_i32 = arith.constant 0 : i32
    %c0_i32_0 = arith.constant 0 : i32
    return %arg0, %c0_i32 : i32, i32
  }
  func.func @transform_2(%arg0: i32) -> (i32, i32) {
    %c0_i32 = arith.constant 0 : i32
    %c0_i32_0 = arith.constant 0 : i32
    %c0_i32_1 = arith.constant 0 : i32
    return %c0_i32, %c0_i32_0 : i32, i32
  }
  func.func @transform_3(%arg0: i32) -> (i32, i32) {
    %c0_i32 = arith.constant 0 : i32
    %c0_i32_0 = arith.constant 0 : i32
    %c0_i32_1 = arith.constant 0 : i32
    return %c0_i32, %c0_i32_0 : i32, i32
  }
  func.func @transform_4(%arg0: i32) -> (i32, i32) {
    %c0_i32 = arith.constant 0 : i32
    %c0_i32_0 = arith.constant 0 : i32
    %c0_i32_1 = arith.constant 0 : i32
    return %c0_i32, %c0_i32_0 : i32, i32
  }
  func.func @transform_5(%arg0: i32) -> (i32, i32) {
    %c0_i32 = arith.constant 0 : i32
    %c0_i32_0 = arith.constant 0 : i32
    %c0_i32_1 = arith.constant 0 : i32
    return %c0_i32, %c0_i32_0 : i32, i32
  }
  func.func @transform_6(%arg0: i32) -> (i32, i32) {
    %c0_i32 = arith.constant 0 : i32
    %c0_i32_0 = arith.constant 0 : i32
    %c0_i32_1 = arith.constant 0 : i32
    return %c0_i32, %c0_i32_0 : i32, i32
  }
  func.func @transform_7(%arg0: i32) -> (i32, i32) {
    %c0_i32 = arith.constant 0 : i32
    %c0_i32_0 = arith.constant 0 : i32
    %c0_i32_1 = arith.constant 0 : i32
    return %c0_i32, %c0_i32_0 : i32, i32
  }
  func.func @transform_8(%arg0: i32) -> (i32, i32) {
    %c0_i32 = arith.constant 0 : i32
    %c0_i32_0 = arith.constant 0 : i32
    %c0_i32_1 = arith.constant 0 : i32
    return %c0_i32, %c0_i32_0 : i32, i32
  }
  func.func @transform_9(%arg0: i32) -> (i32, i32) {
    %c0_i32 = arith.constant 0 : i32
    %c0_i32_0 = arith.constant 0 : i32
    %c0_i32_1 = arith.constant 0 : i32
    return %c0_i32, %c0_i32_0 : i32, i32
  }
  func.func @transform_10(%arg0: i32) -> (i32, i32) {
    %c0_i32 = arith.constant 0 : i32
    %c0_i32_0 = arith.constant 0 : i32
    return %arg0, %c0_i32 : i32, i32
  }
  func.func @transform_11(%arg0: i32) -> (i32, i32) {
    %c0_i32 = arith.constant 0 : i32
    %c0_i32_0 = arith.constant 0 : i32
    return %arg0, %c0_i32 : i32, i32
  }
  func.func @transform_12(%arg0: i32) -> (i32, i32) {
    %c0_i32 = arith.constant 0 : i32
    %c0_i32_0 = arith.constant 0 : i32
    return %arg0, %c0_i32 : i32, i32
  }
  func.func @transform_13(%arg0: i32) -> (i32, i32) {
    %c0_i32 = arith.constant 0 : i32
    %c0_i32_0 = arith.constant 0 : i32
    %c0_i32_1 = arith.constant 0 : i32
    return %c0_i32, %c0_i32_0 : i32, i32
  }
  func.func @transform_14(%arg0: i32) -> (i32, i32) {
    %c0_i32 = arith.constant 0 : i32
    %c0_i32_0 = arith.constant 0 : i32
    %c0_i32_1 = arith.constant 0 : i32
    return %c0_i32, %c0_i32_0 : i32, i32
  }
  func.func @transform_15(%arg0: i32) -> (i32, i32) {
    %c0_i32 = arith.constant 0 : i32
    %c0_i32_0 = arith.constant 0 : i32
    %c0_i32_1 = arith.constant 0 : i32
    return %c0_i32, %c0_i32_0 : i32, i32
  }
  func.func @transform_16(%arg0: i32) -> (i32, i32) {
    %c0_i32 = arith.constant 0 : i32
    %c0_i32_0 = arith.constant 0 : i32
    %c0_i32_1 = arith.constant 0 : i32
    return %c0_i32, %c0_i32_0 : i32, i32
  }
  func.func @transform_17(%arg0: i32) -> (i32, i32) {
    %c0_i32 = arith.constant 0 : i32
    %c0_i32_0 = arith.constant 0 : i32
    return %arg0, %c0_i32 : i32, i32
  }
  func.func @transform_18(%arg0: i32) -> (i32, i32) {
    %c0_i32 = arith.constant 0 : i32
    %c0_i32_0 = arith.constant 0 : i32
    return %arg0, %c0_i32 : i32, i32
  }
  func.func @transform_19(%arg0: i32) -> (i32, i32) {
    %c0_i32 = arith.constant 0 : i32
    %c0_i32_0 = arith.constant 0 : i32
    %c0_i32_1 = arith.constant 0 : i32
    return %c0_i32, %c0_i32_0 : i32, i32
  }
}

</mosaic_0001>

<sc_bundles>
// kernel: kernel.28.cloned.1.call-start
scs
__scs_entry_jumppad:
0x0: {  	(pc) =	sbr.rel $0x88, $3  }
0x1: {  	(tag) =	ssettag $0x0;
	lr =	simm.s32 $0x1  }
0x2: {  	[smem:$0x3F8D] =	sst lr;
	_ =	strace $0xD0000000  }
0x3: {  	_ = 	snop  }
0x4: {  	_ = 	snop  }
0x5: {  	_ = 	snop  }
0x6: {  	_ = 	snop  }
0x7: {  	_ = 	snop  }
__scs_overlays_trampoline_lowered:
0x8: {  	[smem:$0x3F9C] =	sst s0  }
0x9: {  	[smem:$0x3F9D] =	sst s1  }
0xa: {  	[smem:$0x3F9E] =	sst s2  }
0xb: {  	[smem:$0x3F9F] =	sst s3  }
0xc: {  	[smem:$0x3FA0] =	sst s4  }
0xd: {  	[smem:$0x3FA1] =	sst s5  }
0xe: {  	[smem:$0x3FA2] =	sst s6  }
0xf: {  	[smem:$0x3FA3] =	sst s7  }
0x10: {  	[smem:$0x3FA4] =	sst s8  }
0x11: {  	[smem:$0x3FA5] =	sst s9;
	s0 =	simm.s32 @!p0 $0x0  }
0x12: {  	s1 =	sld [smem:$0x3F8B];
	s0 =	simm.s32 @p0 $0x1  }
0x13: {  	[smem:$0x3FA6] =	sst s0;
	s0 =	simm.s32 @!p1 $0x0  }
0x14: {  	s2 =	sld [smem:$0x3F8A];
	s0 =	simm.s32 @p1 $0x1  }
0x15: {  	[smem:$0x3FA7] =	sst s0;
	s0 =	simm.s32 @!p2 $0x0  }
0x16: {  	s3 =	sld [smem:$0x3FDB];
	s0 =	simm.s32 @p2 $0x1  }
0x17: {  	s4 =	simm.s32 $0x1BF5;
	[smem:$0x3FA9] =	sst s0  }
0x18: {  	s0 =	sld [smem:$0x3F8C];
	_ =	swait.ge [sflag:s4], $0x0  }
0x19: {  	s7 =	sld [smem:$0x3F8D]  }
0x1a: {  	s8 =	sadd.s32 $0xFFFFE003, lr  }
0x1b: {  	s9 =	sadd.s32 $0xFFFFFEF7, lr;
	s5 =	simm.s32 $0xFFFFFFFF;
	p2 =	slt.u32 s8, $0xFFFFF086  }
0x1c: {  	p1 =	slt.u32 s9, $0xF7A;
	s5 =	simm.s32 @!p2 $0x0  }
0x1d: {  	s5 =	simm.s32 @p1 $0x1;
	p0 =	seq.s32 s7, s2  }
0x1e: {  	s7 =	smul.u32 @!p0 $0xF7A, s2;
	p2 =	seq.s32 @!p0 s5, $0x0  }
0x1f: {  	s9 =	smul.u32 $0xF7A, s1;
	s8 =	simm.s32 @!p0 $0x1BF5;
	p2 =	por !p2, p0  }
0x20: {  	[sflag:s8] =	ssyncset.s32 @!p0 $0xFFFFF086;
	s6 =	sadd.s32 @!p0 s3, s7;
	s7 =	simm.s32 @!p0 $0x108  }
0x21: {  	s3 =	sadd.s32 s3, s9;
	s6 =	sadd.s32 @!p0 $0x88, s6;
	s7 =	simm.s32 @p2 $0x1082  }
0x22: {  	[simem:s7], [sflag:s8] =	dma.local @!p0 [hbm:s6], $0xF7A  }
0x23: {  	s9 =	sor.u32 $0xD0000000, s2;
	s6 =	simm.s32 $0x108;
	_ =	swait.ge @!p0 [sflag:s8], $0x0  }
0x24: {  	s3 =	sadd.s32 $0x88, s3;
	s6 =	simm.s32 @!p1 $0x1082;
	[sflag:s4] =	ssyncset.s32 $0xFFFFF086  }
0x25: {  	[simem:s6], [sflag:s4] =	dma.local [hbm:s3], $0xF7A  }
0x26: {  	[smem:$0x3F8D] =	sst s1;
	(tag) =	ssettag s2;
	_ =	strace s9  }
0x27: {  	s1 =	sld [smem:$0x3F9D]  }
0x28: {  	s2 =	sld [smem:$0x3F9E]  }
0x29: {  	s4 =	sld [smem:$0x3FA0]  }
0x2a: {  	p0 =	seq.s32 s5, $0x0;
	s5 =	sld [smem:$0x3FA1]  }
0x2b: {  	s6 =	sld [smem:$0x3FA2]  }
0x2c: {  	s7 =	sld [smem:$0x3FA3]  }
0x2d: {  	s3 =	simm.s32 $0x108;
	s8 =	sld [smem:$0x3FA4]  }
0x2e: {  	s3 =	simm.s32 @!p0 $0x1082;
	s9 =	sld [smem:$0x3FA5]  }
0x2f: {  	lr =	sadd.s32 s0, s3;
	s0 =	sld [smem:$0x3F9C]  }
0x30: {  	s3 =	sld [smem:$0x3F9F]  }
0x31: {  	[smem:$0x3FA8] =	sst s10  }
0x32: {  	s10 =	sld [smem:$0x3FA6];
	_ =	sdelay $0x3  }
0x33: {  	p0 =	seq.s32 s10, $0x1;
	s10 =	sld [smem:$0x3FA8];
	_ =	sdelay $0x3  }
0x34: {  	[smem:$0x3FA8] =	sst s10  }
0x35: {  	s10 =	sld [smem:$0x3FA7];
	_ =	sdelay $0x3  }
0x36: {  	p1 =	seq.s32 s10, $0x1;
	s10 =	sld [smem:$0x3FA8];
	_ =	sdelay $0x3  }
0x37: {  	[smem:$0x3FA8] =	sst s10  }
0x38: {  	s10 =	sld [smem:$0x3FA9]  }
0x39: {  	_ = 	snop;
	(pc) =	sbr.ind lr, $3  }
0x3a: {  	_ = 	snop  }
0x3b: {  	_ = 	snop  }
0x3c: {  	p2 =	seq.s32 s10, $0x1;
	s10 =	sld [smem:$0x3FA8]  }
0x3d: {  	_ =	shalt  }
0x3e: {  	_ =	shalt  }
0x3f: {  	_ =	shalt  }
0x40: {  	_ =	shalt  }
0x41: {  	_ =	shalt  }
0x42: {  	_ =	shalt  }
0x43: {  	_ =	shalt  }
0x44: {  	_ =	shalt  }
0x45: {  	_ =	shalt  }
0x46: {  	_ =	shalt  }
0x47: {  	_ =	shalt  }
0x48: {  	_ =	shalt  }
0x49: {  	_ =	shalt  }
0x4a: {  	_ =	shalt  }
0x4b: {  	_ =	shalt  }
0x4c: {  	_ =	shalt  }
0x4d: {  	_ =	shalt  }
0x4e: {  	_ =	shalt  }
0x4f: {  	_ =	shalt  }
0x50: {  	_ =	shalt  }
0x51: {  	_ =	shalt  }
0x52: {  	_ =	shalt  }
0x53: {  	_ =	shalt  }
0x54: {  	_ =	shalt  }
0x55: {  	_ =	shalt  }
0x56: {  	_ =	shalt  }
0x57: {  	_ =	shalt  }
0x58: {  	_ =	shalt  }
0x59: {  	_ =	shalt  }
0x5a: {  	_ =	shalt  }
0x5b: {  	_ =	shalt  }
0x5c: {  	_ =	shalt  }
0x5d: {  	_ =	shalt  }
0x5e: {  	_ =	shalt  }
0x5f: {  	_ =	shalt  }
0x60: {  	_ =	shalt  }
0x61: {  	_ =	shalt  }
0x62: {  	_ =	shalt  }
0x63: {  	_ =	shalt  }
0x64: {  	_ =	shalt  }
0x65: {  	_ =	shalt  }
0x66: {  	_ =	shalt  }
0x67: {  	_ =	shalt  }
0x68: {  	_ =	shalt  }
0x69: {  	_ =	shalt  }
0x6a: {  	_ =	shalt  }
0x6b: {  	_ =	shalt  }
0x6c: {  	_ =	shalt  }
0x6d: {  	_ =	shalt  }
0x6e: {  	_ =	shalt  }
0x6f: {  	_ =	shalt  }
0x70: {  	_ =	shalt  }
0x71: {  	_ =	shalt  }
0x72: {  	_ =	shalt  }
0x73: {  	_ =	shalt  }
0x74: {  	_ =	shalt  }
0x75: {  	_ =	shalt  }
0x76: {  	_ =	shalt  }
0x77: {  	_ =	shalt  }
0x78: {  	_ =	shalt  }
0x79: {  	_ =	shalt  }
0x7a: {  	_ =	shalt  }
0x7b: {  	_ =	shalt  }
0x7c: {  	_ =	shalt  }
0x7d: {  	_ =	shalt  }
0x7e: {  	_ =	shalt  }
0x7f: {  	_ =	shalt  }
0x80: {  	_ =	shalt  }
0x81: {  	_ =	shalt  }
0x82: {  	_ =	shalt  }
0x83: {  	_ =	shalt  }
0x84: {  	_ =	shalt  }
0x85: {  	_ =	shalt  }
0x86: {  	_ =	shalt  }
0x87: {  	_ =	shalt  }
.Lfunc_end0:
.L_simem_size_0:
called_computation_lowered:
.L_overlay_start_0:
0x88: {  	s2 =	sld [smem:$0x3FD9]  }
0x89: {  	s3 =	sld [smem:$0x3FFE];
	_ =	sdelay $0x1  }
0x8a: {  	s1 =	srdreg.scid  }
0x8b: {  	s0 =	sand.u32 $0x1, s1  }
0x8c: {  	s17 =	sshll.u32 s0, $0xA;
	s2 =	sadd.s32 s3, s2  }
0x8d: {  	s2 =	sadd.s32 s2, s17  }
0x8e: {  	[smem:$0x3FB4] =	sst s2  }
0x8f: {  	_ = 	snop  }
0x90: {  	(tm) =	ssettm $0x1  }
0x91: {  	s18 =	sld [smem:$0x3FFB];
	_ =	sdelay $0x3  }
0x92: {  	_ =	strace s18  }
0x93: {  	s2 =	sld [smem:$0x3FFC];
	_ =	sdelay $0x3  }
0x94: {  	_ =	strace s2  }
0x95: {  	s2 =	sld [smem:$0x3FFD];
	_ =	sdelay $0x3  }
0x96: {  	_ =	strace s2  }
0x97: {  	_ =	strace $0x8FFFFFFF  }
0x98: {  	s19 =	sld [smem:$0x3FDB];
	_ =	sdelay $0x1  }
0x99: {  	s20 =	simm.s32 $_scs_section_size  }
0x9a: {  	s4 =	simm.s32 $_size__tile_overlayer_lowered;
	s5 =	simm.s32 $_tile_overlayer_lowered  }
0x9b: {  	s6 =	simm.s32 $0x1BFF;
	s21 =	sshll.u32 s5, $0x1;
	s3 =	sadd.s32 s20, s19  }
0x9c: {  	s22 =	simm.s32 $0x0;
	s4 =	sshll.u32 s4, $0x1;
	s5 =	sadd.s32 s21, s3  }
0x9d: {  	[timem:s22], [sflag:s6] =	dma.local [hbm:s5], s4  }
0x9e: {  	_ =	swait.ge [sflag:s6], s4  }
0x9f: {  	s4 =	ssub.s32 $0x0, s4;
	[sflag:s6] =	ssyncset.done $0x0  }
0xa0: {  	[sflag:s6] =	ssyncadd.s32 s4;
	_ =	sdelay $0x1  }
0xa1: {  	s23 =	simm.s32 $0x1B8B  }
0xa2: {  	_ =	swait.ge [sflag:s23], $0x1  }
0xa3: {  	[sflag:s23] =	ssyncset.done $0x0  }
0xa4: {  	[sflag:s23] =	ssyncadd.s32 $0xFFFFFFFF  }
0xa5: {  	s4 =	sld [smem:$0x0]  }
0xa6: {  	s5 =	sand.u32 $0xFFFFFFFE, s1  }
0xa7: {  	p0 =	sne.s32 s1, s5  }
0xa8: {  	s5 =	sshll.u32 @p0 s5, $0xE  }
0xa9: {  	s5 =	sadd.s32 @p0 $0x11B8D, s5;
	s6 =	sshll.u32 @p0 s4, $0x11  }
0xaa: {  	s5 =	sor.u32 @p0 s6, s5  }
0xab: {  	[sflag:s5] =	ssyncadd.remote.s32 @p0 $0x1;
	_ =	sdelay $0x1  }
0xac: {  	s5 =	simm.s32 @p0 $0x1B8D  }
0xad: {  	_ =	swait.eq @p0 [sflag:s5], $0x1  }
0xae: {  	[sflag:s5] =	ssyncadd.s32 @p0 $0xFFFFFFFF  }
0xaf: {  	s6 =	sshll.u32 @!p0 s1, $0xE  }
0xb0: {  	s6 =	sor.u32 @!p0 $0x4000, s6;
	s5 =	simm.s32 @!p0 $0x1B8D  }
0xb1: {  	s4 =	sshll.u32 @!p0 s4, $0x11;
	s6 =	sadd.s32 @!p0 $0x11B8D, s6;
	_ =	swait.eq @!p0 [sflag:s5], $0x1  }
0xb2: {  	s4 =	sor.u32 @!p0 s4, s6;
	[sflag:s5] =	ssyncadd.s32 @!p0 $0xFFFFFFFF  }
0xb3: {  	s25 =	simm.s32 $0x1B8E;
	s24 =	sld [smem:$0x3FFE];
	[sflag:s4] =	ssyncadd.remote.s32 @!p0 $0x1  }
0xb4: {  	s26 =	simm.s32 $execute0_lowered;
	[smem:$0x3FD2] =	sst s25  }
0xb5: {  	s5 =	sshll.u32 s26, $0x1;
	_ =	strace $0x80000049;
	[dreg:$0x1] =	wrdreg $0xFFFFFFFF  }
0xb6: {  	s28 =	simm.s32 $_size_execute0_lowered;
	s3 =	sadd.s32 s3, s5;
	[dreg:$0x0] =	wrdreg $0x0  }
0xb7: {  	s5 =	sshll.u32 s28, $0x1;
	[dreg:$0x2] =	wrdreg s3  }
0xb8: {  	[dreg:$0x3] =	wrdreg s5  }
0xb9: {  	[dreg:$0x4] =	wrdreg $0xC0  }
0xba: {  	_ =	task [dreg:s22], $0x5FFFF  }
0xbb: {  	[dreg:$0x1] =	wrdreg $0xFFFFFFFF  }
0xbc: {  	[dreg:$0x0] =	wrdreg $0x60  }
0xbd: {  	[dreg:$0x2] =	wrdreg s24  }
0xbe: {  	[dreg:$0x3] =	wrdreg $0x1E500  }
0xbf: {  	[dreg:$0x4] =	wrdreg $0x9  }
0xc0: {  	_ =	task.clear_ibuf [dreg:s22], $0x5FFFF;
	_ =	strace $0x90000049  }
0xc1: {  	s29 =	simm.s32 $0x9;
	_ =	strace $0x8000004B  }
0xc2: {  	_ =	swait.ge [sflag:s29], $0x1  }
0xc3: {  	[sflag:s29] =	ssyncadd.s32 $0xFFFFFFFF  }
0xc4: {  	_ =	strace $0x9000004B  }
0xc5: {  	_ =	sfence  }
0xc6: {  	s30 =	sld [smem:$0x0];
	_ =	sdelay $0x2  }
0xc7: {  	s31 =	sshll.u32 s1, $0xD;
	s1 =	sshrl.u32 s1, $0x2  }
0xc8: {  	s4 =	sand.u32 $0x4000, s31;
	s1 =	sadd.s32 s1, s30  }
0xc9: {  	s0 =	sor.u32 s4, s0;
	s1 =	sshll.u32 s1, $0x11  }
0xca: {  	s0 =	sor.u32 s1, s0  }
0xcb: {  	s0 =	sadd.s32 $0x8F2B, s0  }
0xcc: {  	[sflag:s0] =	ssyncadd.remote.s32 $0x1  }
0xcd: {  	_ =	sfence.sel $0xFFFF  }
0xce: {  	[dreg:$0x0] =	wrdreg $0xFFFFFFFF;
	(pc) =	sbr.abs _section_cstart, $3  }
0xcf: {  	[dreg:$0x1] =	wrdreg $0xFFFFFFFF  }
0xd0: {  	_ =	task.clear_ibuf [dreg:s22], $0x2FFFF;
	_ =	strace $0x9FFFFFFF  }
0xd1: {  	(tm) =	ssettm $0x7FFFFFFF  }
tec
execute0_lowered:
.L_overlay_start_1:
0x0: {  	(tag) =	ssettag $0x1  }
0x1: {  	s1 =	srdreg.scid  }
0x2: {  	s1 =	sand.u32 $0x1, s1  }
0x3: {  	p0 =	seq.s32 s1, $0x1  }
.Ltmp0:
0x4: {  	_ = 	snop;
	(pc) =	sbr.rel @p0 .LBB2_12-.Ltmp0, $4  }
0x5: {  	s2 =	rddreg [dreg:$0x0]  }
0x6: {  	s3 =	rddreg [dreg:$0x1];
	s5 =	simm.s32 $0x0  }
0x7: {  	[smem:$0x7FF] =	sst s5  }
0x8: {  	s0 =	rddreg [dreg:$0x2];
	_ =	strace $0x8000004A;
	s1 =	stileid.u32  }
0x9: {  	p0 =	slt.u32 s1, $0xD;
	s4 =	simm.s32 $0x8  }
0xa: {  	s7 =	sadd.s32 $0xFEA00, s2;
	s2 =	sadd.s32 $0x160800, s2;
	v0 =	vimm.f32 $1.000000000e+00;
	s4 =	simm.s32 @!p0 $0x7  }
.LBB2_2:
0xb: {  	p0 =	sne.s32 s5, $0x13C0  }
.Ltmp1:
0xc: {  	_ = 	snop;
	(pc) =	sbr.rel @p0 .LBB2_2-.Ltmp1, $3  }
0xd: {  	_ =	sdelay $0x1  }
0xe: {  	s6 =	sshra.s32 s5, $0x2  }
0xf: {  	s5 =	sadd.s32 $0x40, s5;
	[tilespmem:s6+$0x50] =	vst v0  }
0x10: {  	v0 =	vimm.f32 $0.0e+00;
	s5 =	simm.s32 $0x40;
	s6 =	simm.s32 $0x0  }
.LBB2_4:
0x11: {  	p0 =	sne.s32 s5, $0x63C0;
	[tilespmem:s6+$0x550] =	vst v0;
	s6 =	smov.u32 s5;
	s5 =	sadd.s32 $0x40, s5  }
.Ltmp2:
0x12: {  	(pc) =	sbr.rel @p0 .LBB2_4-.Ltmp2, $2  }
0x13: {  	_ =	sdelay $0x2  }
0x14: {  	s6 =	sshra.s32 s6, $0x2  }
0x15: {  	s5 =	smul.u32 $0x6400, s1  }
0x16: {  	p0 =	sne.s32 s4, $0x1  }
.Ltmp3:
0x17: {  	s5 =	sshrl.u32 s5, $0x2;
	(pc) =	sbr.rel @!p0 .LBB2_7-.Ltmp3, $4  }
0x18: {  	[tilespmem:s6+$0x550] =	vst v0;
	s9 =	simm.s32 $0x550;
	s6 =	simm.s32 $0x1;
	s8 =	sadd.s32 s5, s3  }
0x19: {  	[spmem:s8] =	stream.linear.scatter [tilespmem:s9], [sflag:$0x1], $0x1900, $0x38;
	[tilespmem:$0xE1A0] =	vst v63  }
0x1a: {  	_ =	swait.ge [sflag:s6], $0x1900  }
0x1b: {  	s10 =	sadd.s32 $0xFFFFFFFF, s4;
	[sflag:s6] =	ssyncset.done $0x0  }
.LBB2_6:
0x1c: {  	p1 =	sne.s32 s10, $0x1;
	[sflag:s6] =	ssyncadd.s32 $0xFFFFE700;
	s8 =	sadd.s32 $0x19000, s8  }
.Ltmp4:
0x1d: {  	s10 =	sadd.s32 $0xFFFFFFFF, s10;
	(pc) =	sbr.rel @p1 .LBB2_6-.Ltmp4, $4  }
0x1e: {  	_ = 	snop  }
0x1f: {  	[spmem:s8] =	stream.linear.scatter [tilespmem:s9], [sflag:$0x1], $0x1900, $0x38;
	[tilespmem:$0xE1A0] =	vst v63  }
0x20: {  	_ =	swait.ge [sflag:s6], $0x1900  }
0x21: {  	[sflag:s6] =	ssyncset.done $0x0  }
.LBB2_7:
0x22: {  	s8 =	smul.u32 $0xA, s1;
	_ =	sdelay $0x1  }
0x23: {  	[sflag:s6] =	ssyncadd.s32 $0xFFFFE700;
	s8 =	sadd.s32 s8, s7  }
0x24: {  	[bflag:$0x0] =	sbarrier.arrive $0xFFFF;
	s7 =	simm.s32 $0x0;
	s9 =	sadd.s32 $0x0, s8  }
0x25: {  	[tilespmem:s7], [sflag:$0x1] =	stream.linear.gather [hbm4b:s9+s7], $0x50, $0x38;
	[tilespmem:$0xE1A0] =	vst v63  }
0x26: {  	_ =	swait.ge [sflag:s6], $0x50  }
0x27: {  	[sflag:s6] =	ssyncset.done $0x0  }
0x28: {  	s9 =	simm.s32 $0x50;
	[sflag:s6] =	ssyncadd.s32 $0xFFFFFFB0  }
0x29: {  	[spmem:s3] =	stream.indirect.scatter.add.f32 [tilespmem:s9], [sflag:$0x1], $0x10, s7, s9, $0xb8;
	[tilespmem:$0xE1A0] =	vst v63  }
0x2a: {  	_ =	swait.ge [sflag:s6], $0x500  }
0x2b: {  	s10 =	simm.s32 $0xA0;
	s11 =	simm.s32 $0x140;
	[sflag:s6] =	ssyncset.done $0x0  }
.LBB2_8:
0x2c: {  	s12 =	sadd.s32 s10, s8  }
0x2d: {  	[sflag:s6] =	ssyncadd.s32 $0xFFFFFB00;
	s10 =	smov.u32 s11;
	s13 =	sadd.s32 $0xA0, s11  }
0x2e: {  	[tilespmem:s7], [sflag:$0x1] =	stream.linear.gather [hbm4b:s12+s7], $0x50, $0x38;
	[tilespmem:$0xE1A0] =	vst v63  }
0x2f: {  	p1 =	sne.s32 s11, $0x18600;
	_ =	swait.ge [sflag:s6], $0x50  }
.Ltmp5:
0x30: {  	[sflag:s6] =	ssyncset.done $0x0;
	(pc) =	sbr.rel @p1 .LBB2_8-.Ltmp5, $4  }
0x31: {  	[sflag:s6] =	ssyncadd.s32 $0xFFFFFFB0  }
0x32: {  	[spmem:s3] =	stream.indirect.scatter.add.f32 [tilespmem:s9], [sflag:$0x1], $0x10, s7, s9, $0xb8;
	[tilespmem:$0xE1A0] =	vst v63  }
0x33: {  	_ =	swait.ge [sflag:s6], $0x500  }
0x34: {  	s11 =	smov.u32 s13;
	[sflag:s6] =	ssyncset.done $0x0  }
0x35: {  	s8 =	sadd.s32 s10, s8;
	[sflag:s6] =	ssyncadd.s32 $0xFFFFFB00  }
0x36: {  	[tilespmem:s7], [sflag:$0x1] =	stream.linear.gather [hbm4b:s8+s7], $0x50, $0x38;
	[tilespmem:$0xE1A0] =	vst v63  }
0x37: {  	_ =	swait.ge [sflag:s6], $0x50  }
0x38: {  	[sflag:s6] =	ssyncset.done $0x0  }
0x39: {  	s28 =	smul.u32 $0x1900, s1;
	[sflag:s6] =	ssyncadd.s32 $0xFFFFFFB0  }
0x3a: {  	[spmem:s3] =	stream.indirect.scatter.add.f32 [tilespmem:s9], [sflag:$0x1], $0x10, s7, s9, $0xb8;
	[tilespmem:$0xE1A0] =	vst v63  }
0x3b: {  	s29 =	sshll.u32 s1, $0x6;
	_ =	swait.ge [sflag:s6], $0x500  }
0x3c: {  	s30 =	sshrl.u32 s28, $0x3;
	s3 =	sadd.s32 s5, s3;
	[sflag:s6] =	ssyncset.done $0x0  }
.Ltmp6:
0x3d: {  	s5 =	sor.u32 $0x1C01, s29;
	[sflag:s6] =	ssyncadd.s32 $0xFFFFFB00;
	(pc) =	sbr.rel @!p0 .LBB2_11-.Ltmp6, $4  }
0x3e: {  	s31 =	sshrl.u32 s3, $0x3;
	s6 =	sadd.s32 s2, s30;
	[bflag:$0x0] =	sbarrier.arrive $0xFFFF  }
0x3f: {  	[hbm:s6], [sflag:s5] =	dma.local [spmem:s31], $0x320  }
0x40: {  	s6 =	simm.s32 $0x1  }
0x41: {  	s4 =	sadd.s32 $0xFFFFFFFF, s4;
	s7 =	sadd.s32 $0x19000, s28;
	_ =	swait.ge [sflag:s6], $0x320  }
.LBB2_10:
0x42: {  	s8 =	sshrl.u32 s7, $0x3;
	[sflag:s6] =	ssyncset.done $0x0  }
0x43: {  	s3 =	sadd.s32 $0x19000, s3;
	p0 =	sne.s32 s4, $0x1;
	s8 =	sadd.s32 s2, s8  }
.Ltmp7:
0x44: {  	s9 =	sshrl.u32 s3, $0x3;
	[sflag:s6] =	ssyncadd.s32 $0xFFFFFCE0;
	(pc) =	sbr.rel @p0 .LBB2_10-.Ltmp7, $3  }
0x45: {  	[hbm:s8], [sflag:s5] =	dma.local [spmem:s9], $0x320  }
0x46: {  	s4 =	sadd.s32 $0xFFFFFFFF, s4;
	_ =	sdelay $0x1  }
0x47: {  	s7 =	sadd.s32 $0x19000, s7;
	_ =	swait.ge [sflag:s6], $0x320  }
.LBB2_11:
0x48: {  	[sflag:s6] =	ssyncset.done $0x0  }
0x49: {  	[sflag:s6] =	ssyncadd.s32 $0xFFFFFCE0  }
.LBB2_12:
0x4a: {  	_ =	sfence.sel $0x180000  }
0x4b: {  	[bflag:$0x0] =	sbarrier.arrive $0xFFFF  }
0x4c: {  	p0 =	sne.s32 s1, $0x0;
	_ =	strace $0x9000004A  }
0x4d: {  	s0 =	sadd.s32 @!p0 $0x100000, s0;
	[bflag:$0x2] =	sbarrier.arrive $0xFFFF  }
0x4e: {  	[sflag:s0] =	ssyncadd.tile.s32 @!p0 $0x1;
	_ =	shalt  }
.Lfunc_end2:
_tile_overlayer_lowered:
.L_overlay_start_2:
0x4f: {  	(tag) =	ssettag $0x2  }
0x50: {  	s0 =	rddreg [dreg:$0x0];
	s2 =	stileid.u32  }
0x51: {  	s1 =	rddreg [dreg:$0x1];
	p0 =	sne.s32 s2, $0x0  }
0x52: {  	s3 =	rddreg [dreg:$0x2];
	[bflag:$0x3] =	sbarrier.arrive $0xFFFF;
	s2 =	simm.s32 @!p0 $0x1C01  }
0x53: {  	[timem:s3], [sflag:s2] =	dma.local @!p0 [hbm:s0], s1  }
0x54: {  	s0 =	simm.s32 @!p0 $0x1  }
0x55: {  	_ =	swait.ge @!p0 [sflag:s0], s1  }
0x56: {  	s1 =	ssub.s32 @!p0 $0x0, s1;
	[sflag:s0] =	ssyncset.done @!p0 $0x0  }
0x57: {  	[sflag:s0] =	ssyncadd.s32 @!p0 s1  }
0x58: {  	[bflag:$0x3] =	sbarrier.arrive $0xFFFF  }
0x59: {  	_ =	shalt  }

// kernel: kernel.31.cloned.1.call-start
scs
__scs_entry_jumppad:
0x0: {  	(pc) =	sbr.rel $0x88, $3  }
0x1: {  	(tag) =	ssettag $0x0;
	lr =	simm.s32 $0x1  }
0x2: {  	[smem:$0x3F8D] =	sst lr;
	_ =	strace $0xD0000000  }
0x3: {  	_ = 	snop  }
0x4: {  	_ = 	snop  }
0x5: {  	_ = 	snop  }
0x6: {  	_ = 	snop  }
0x7: {  	_ = 	snop  }
__scs_overlays_trampoline_lowered:
0x8: {  	[smem:$0x3F9C] =	sst s0  }
0x9: {  	[smem:$0x3F9D] =	sst s1  }
0xa: {  	[smem:$0x3F9E] =	sst s2  }
0xb: {  	[smem:$0x3F9F] =	sst s3  }
0xc: {  	[smem:$0x3FA0] =	sst s4  }
0xd: {  	[smem:$0x3FA1] =	sst s5  }
0xe: {  	[smem:$0x3FA2] =	sst s6  }
0xf: {  	[smem:$0x3FA3] =	sst s7  }
0x10: {  	[smem:$0x3FA4] =	sst s8  }
0x11: {  	[smem:$0x3FA5] =	sst s9;
	s0 =	simm.s32 @!p0 $0x0  }
0x12: {  	s1 =	sld [smem:$0x3F8B];
	s0 =	simm.s32 @p0 $0x1  }
0x13: {  	[smem:$0x3FA6] =	sst s0;
	s0 =	simm.s32 @!p1 $0x0  }
0x14: {  	s2 =	sld [smem:$0x3F8A];
	s0 =	simm.s32 @p1 $0x1  }
0x15: {  	[smem:$0x3FA7] =	sst s0;
	s0 =	simm.s32 @!p2 $0x0  }
0x16: {  	s3 =	sld [smem:$0x3FDB];
	s0 =	simm.s32 @p2 $0x1  }
0x17: {  	s4 =	simm.s32 $0x1BF5;
	[smem:$0x3FA9] =	sst s0  }
0x18: {  	s0 =	sld [smem:$0x3F8C];
	_ =	swait.ge [sflag:s4], $0x0  }
0x19: {  	s7 =	sld [smem:$0x3F8D]  }
0x1a: {  	s8 =	sadd.s32 $0xFFFFE003, lr  }
0x1b: {  	s9 =	sadd.s32 $0xFFFFFEF7, lr;
	s5 =	simm.s32 $0xFFFFFFFF;
	p2 =	slt.u32 s8, $0xFFFFF086  }
0x1c: {  	p1 =	slt.u32 s9, $0xF7A;
	s5 =	simm.s32 @!p2 $0x0  }
0x1d: {  	s5 =	simm.s32 @p1 $0x1;
	p0 =	seq.s32 s7, s2  }
0x1e: {  	s7 =	smul.u32 @!p0 $0xF7A, s2;
	p2 =	seq.s32 @!p0 s5, $0x0  }
0x1f: {  	s9 =	smul.u32 $0xF7A, s1;
	s8 =	simm.s32 @!p0 $0x1BF5;
	p2 =	por !p2, p0  }
0x20: {  	[sflag:s8] =	ssyncset.s32 @!p0 $0xFFFFF086;
	s6 =	sadd.s32 @!p0 s3, s7;
	s7 =	simm.s32 @!p0 $0x108  }
0x21: {  	s3 =	sadd.s32 s3, s9;
	s6 =	sadd.s32 @!p0 $0x88, s6;
	s7 =	simm.s32 @p2 $0x1082  }
0x22: {  	[simem:s7], [sflag:s8] =	dma.local @!p0 [hbm:s6], $0xF7A  }
0x23: {  	s9 =	sor.u32 $0xD0000000, s2;
	s6 =	simm.s32 $0x108;
	_ =	swait.ge @!p0 [sflag:s8], $0x0  }
0x24: {  	s3 =	sadd.s32 $0x88, s3;
	s6 =	simm.s32 @!p1 $0x1082;
	[sflag:s4] =	ssyncset.s32 $0xFFFFF086  }
0x25: {  	[simem:s6], [sflag:s4] =	dma.local [hbm:s3], $0xF7A  }
0x26: {  	[smem:$0x3F8D] =	sst s1;
	(tag) =	ssettag s2;
	_ =	strace s9  }
0x27: {  	s1 =	sld [smem:$0x3F9D]  }
0x28: {  	s2 =	sld [smem:$0x3F9E]  }
0x29: {  	s4 =	sld [smem:$0x3FA0]  }
0x2a: {  	p0 =	seq.s32 s5, $0x0;
	s5 =	sld [smem:$0x3FA1]  }
0x2b: {  	s6 =	sld [smem:$0x3FA2]  }
0x2c: {  	s7 =	sld [smem:$0x3FA3]  }
0x2d: {  	s3 =	simm.s32 $0x108;
	s8 =	sld [smem:$0x3FA4]  }
0x2e: {  	s3 =	simm.s32 @!p0 $0x1082;
	s9 =	sld [smem:$0x3FA5]  }
0x2f: {  	lr =	sadd.s32 s0, s3;
	s0 =	sld [smem:$0x3F9C]  }
0x30: {  	s3 =	sld [smem:$0x3F9F]  }
0x31: {  	[smem:$0x3FA8] =	sst s10  }
0x32: {  	s10 =	sld [smem:$0x3FA6];
	_ =	sdelay $0x3  }
0x33: {  	p0 =	seq.s32 s10, $0x1;
	s10 =	sld [smem:$0x3FA8];
	_ =	sdelay $0x3  }
0x34: {  	[smem:$0x3FA8] =	sst s10  }
0x35: {  	s10 =	sld [smem:$0x3FA7];
	_ =	sdelay $0x3  }
0x36: {  	p1 =	seq.s32 s10, $0x1;
	s10 =	sld [smem:$0x3FA8];
	_ =	sdelay $0x3  }
0x37: {  	[smem:$0x3FA8] =	sst s10  }
0x38: {  	s10 =	sld [smem:$0x3FA9]  }
0x39: {  	_ = 	snop;
	(pc) =	sbr.ind lr, $3  }
0x3a: {  	_ = 	snop  }
0x3b: {  	_ = 	snop  }
0x3c: {  	p2 =	seq.s32 s10, $0x1;
	s10 =	sld [smem:$0x3FA8]  }
0x3d: {  	_ =	shalt  }
0x3e: {  	_ =	shalt  }
0x3f: {  	_ =	shalt  }
0x40: {  	_ =	shalt  }
0x41: {  	_ =	shalt  }
0x42: {  	_ =	shalt  }
0x43: {  	_ =	shalt  }
0x44: {  	_ =	shalt  }
0x45: {  	_ =	shalt  }
0x46: {  	_ =	shalt  }
0x47: {  	_ =	shalt  }
0x48: {  	_ =	shalt  }
0x49: {  	_ =	shalt  }
0x4a: {  	_ =	shalt  }
0x4b: {  	_ =	shalt  }
0x4c: {  	_ =	shalt  }
0x4d: {  	_ =	shalt  }
0x4e: {  	_ =	shalt  }
0x4f: {  	_ =	shalt  }
0x50: {  	_ =	shalt  }
0x51: {  	_ =	shalt  }
0x52: {  	_ =	shalt  }
0x53: {  	_ =	shalt  }
0x54: {  	_ =	shalt  }
0x55: {  	_ =	shalt  }
0x56: {  	_ =	shalt  }
0x57: {  	_ =	shalt  }
0x58: {  	_ =	shalt  }
0x59: {  	_ =	shalt  }
0x5a: {  	_ =	shalt  }
0x5b: {  	_ =	shalt  }
0x5c: {  	_ =	shalt  }
0x5d: {  	_ =	shalt  }
0x5e: {  	_ =	shalt  }
0x5f: {  	_ =	shalt  }
0x60: {  	_ =	shalt  }
0x61: {  	_ =	shalt  }
0x62: {  	_ =	shalt  }
0x63: {  	_ =	shalt  }
0x64: {  	_ =	shalt  }
0x65: {  	_ =	shalt  }
0x66: {  	_ =	shalt  }
0x67: {  	_ =	shalt  }
0x68: {  	_ =	shalt  }
0x69: {  	_ =	shalt  }
0x6a: {  	_ =	shalt  }
0x6b: {  	_ =	shalt  }
0x6c: {  	_ =	shalt  }
0x6d: {  	_ =	shalt  }
0x6e: {  	_ =	shalt  }
0x6f: {  	_ =	shalt  }
0x70: {  	_ =	shalt  }
0x71: {  	_ =	shalt  }
0x72: {  	_ =	shalt  }
0x73: {  	_ =	shalt  }
0x74: {  	_ =	shalt  }
0x75: {  	_ =	shalt  }
0x76: {  	_ =	shalt  }
0x77: {  	_ =	shalt  }
0x78: {  	_ =	shalt  }
0x79: {  	_ =	shalt  }
0x7a: {  	_ =	shalt  }
0x7b: {  	_ =	shalt  }
0x7c: {  	_ =	shalt  }
0x7d: {  	_ =	shalt  }
0x7e: {  	_ =	shalt  }
0x7f: {  	_ =	shalt  }
0x80: {  	_ =	shalt  }
0x81: {  	_ =	shalt  }
0x82: {  	_ =	shalt  }
0x83: {  	_ =	shalt  }
0x84: {  	_ =	shalt  }
0x85: {  	_ =	shalt  }
0x86: {  	_ =	shalt  }
0x87: {  	_ =	shalt  }
.Lfunc_end0:
.L_simem_size_0:
called_computation.1_lowered:
.L_overlay_start_0:
0x88: {  	s2 =	sld [smem:$0x3FD9]  }
0x89: {  	s3 =	sld [smem:$0x3FFE];
	_ =	sdelay $0x1  }
0x8a: {  	s1 =	srdreg.scid  }
0x8b: {  	s0 =	sand.u32 $0x1, s1  }
0x8c: {  	s14 =	sshll.u32 s0, $0xA;
	s2 =	sadd.s32 s3, s2  }
0x8d: {  	s2 =	sadd.s32 s2, s14  }
0x8e: {  	[smem:$0x3FB4] =	sst s2  }
0x8f: {  	_ = 	snop  }
0x90: {  	s2 =	sld [smem:$0x3FD0];
	_ =	sdelay $0x2  }
0x91: {  	s15 =	simm.s32 $0xB;
	s4 =	simm.s32 $0x10  }
0x92: {  	[smem:s4], [sflag:s15] =	dma.local [hbm:s2], $0x1  }
0x93: {  	_ =	swait.eq [sflag:s15], $0x1  }
0x94: {  	[sflag:s15] =	ssyncset.done $0x0  }
0x95: {  	[sflag:s15] =	ssyncadd.s32 $0xFFFFFFFF  }
0x96: {  	s16 =	sld [smem:$0x10];
	(tm) =	ssettm $0x1  }
0x97: {  	s17 =	sld [smem:$0x3FFB];
	_ =	sdelay $0x3  }
0x98: {  	_ =	strace s17  }
0x99: {  	s3 =	sld [smem:$0x3FFC];
	_ =	sdelay $0x3  }
0x9a: {  	_ =	strace s3  }
0x9b: {  	s3 =	sld [smem:$0x3FFD];
	_ =	sdelay $0x3  }
0x9c: {  	_ =	strace s3  }
0x9d: {  	_ =	strace $0x8FFFFFFF  }
0x9e: {  	s18 =	sld [smem:$0x3FDB];
	_ =	sdelay $0x1  }
0x9f: {  	s19 =	simm.s32 $_scs_section_size  }
0xa0: {  	s5 =	simm.s32 $_size__tile_overlayer_lowered;
	s6 =	simm.s32 $_tile_overlayer_lowered  }
0xa1: {  	s22 =	simm.s32 $0x1BFF;
	s21 =	sshll.u32 s6, $0x1;
	s3 =	sadd.s32 s19, s18  }
0xa2: {  	s7 =	simm.s32 $0x0;
	s20 =	sshll.u32 s5, $0x1;
	s5 =	sadd.s32 s21, s3  }
0xa3: {  	[timem:s7], [sflag:s22] =	dma.local [hbm:s5], s20  }
0xa4: {  	_ =	swait.ge [sflag:s22], s20  }
0xa5: {  	s4 =	ssub.s32 $0x0, s20;
	[sflag:s22] =	ssyncset.done $0x0  }
0xa6: {  	[sflag:s22] =	ssyncadd.s32 s4;
	_ =	sdelay $0x1  }
0xa7: {  	s23 =	simm.s32 $0x1B8B  }
0xa8: {  	_ =	swait.ge [sflag:s23], $0x1  }
0xa9: {  	[sflag:s23] =	ssyncset.done $0x0  }
0xaa: {  	s25 =	simm.s32 $0x1B8E;
	s24 =	sld [smem:$0x3FFE];
	[sflag:s23] =	ssyncadd.s32 $0xFFFFFFFF  }
0xab: {  	s26 =	simm.s32 $execute0_lowered;
	[smem:$0x3FD2] =	sst s25  }
0xac: {  	s5 =	sshll.u32 s26, $0x1;
	_ =	strace $0x80000046;
	[dreg:$0x1] =	wrdreg $0xFFFFFFFF  }
0xad: {  	s28 =	simm.s32 $_size_execute0_lowered;
	s3 =	sadd.s32 s3, s5;
	[dreg:$0x0] =	wrdreg $0x0  }
0xae: {  	s5 =	sshll.u32 s28, $0x1;
	[dreg:$0x2] =	wrdreg s3  }
0xaf: {  	[dreg:$0x3] =	wrdreg s5  }
0xb0: {  	[dreg:$0x4] =	wrdreg $0xC0  }
0xb1: {  	_ =	task [dreg:s7], $0x5FFFF  }
0xb2: {  	[dreg:$0x1] =	wrdreg $0xFFFFFFFF  }
0xb3: {  	[dreg:$0x0] =	wrdreg $0x60  }
0xb4: {  	[dreg:$0x2] =	wrdreg s24  }
0xb5: {  	[dreg:$0x3] =	wrdreg s16  }
0xb6: {  	[dreg:$0x4] =	wrdreg $0x3CA00  }
0xb7: {  	[dreg:$0x5] =	wrdreg $0xA  }
0xb8: {  	_ =	task.clear_ibuf [dreg:s7], $0x6FFFF;
	_ =	strace $0x90000046  }
0xb9: {  	s29 =	simm.s32 $0xA;
	_ =	strace $0x80000048  }
0xba: {  	_ =	swait.ge [sflag:s29], $0x1  }
0xbb: {  	[sflag:s29] =	ssyncadd.s32 $0xFFFFFFFF  }
0xbc: {  	_ =	strace $0x90000048  }
0xbd: {  	_ =	sfence  }
0xbe: {  	s30 =	sld [smem:$0x0];
	_ =	sdelay $0x2  }
0xbf: {  	s31 =	sshll.u32 s1, $0xD;
	s1 =	sshrl.u32 s1, $0x2  }
0xc0: {  	s3 =	sand.u32 $0x4000, s31;
	s1 =	sadd.s32 s1, s30  }
0xc1: {  	s0 =	sor.u32 s3, s0;
	s1 =	sshll.u32 s1, $0x11  }
0xc2: {  	s0 =	sor.u32 s1, s0  }
0xc3: {  	s0 =	sadd.s32 $0x8F2B, s0  }
0xc4: {  	[sflag:s0] =	ssyncadd.remote.s32 $0x1  }
0xc5: {  	_ =	sfence.sel $0xFFFF  }
0xc6: {  	[dreg:$0x0] =	wrdreg $0xFFFFFFFF;
	(pc) =	sbr.abs _section_cstart, $3  }
0xc7: {  	[dreg:$0x1] =	wrdreg $0xFFFFFFFF  }
0xc8: {  	_ =	task.clear_ibuf [dreg:s7], $0x2FFFF;
	_ =	strace $0x9FFFFFFF  }
0xc9: {  	(tm) =	ssettm $0x7FFFFFFF  }
tec
execute0_lowered:
.L_overlay_start_1:
0x0: {  	(tag) =	ssettag $0x1  }
0x1: {  	s8 =	rddreg [dreg:$0x0]  }
0x2: {  	s2 =	rddreg [dreg:$0x1]  }
0x3: {  	s3 =	rddreg [dreg:$0x2]  }
0x4: {  	s0 =	rddreg [dreg:$0x3];
	s1 =	stileid.u32  }
0x5: {  	s4 =	simm.s32 $0x0;
	s6 =	srdreg.scid;
	s7 =	simm.s32 $0x8  }
0x6: {  	s14 =	simm.s32 $0xAA0;
	s15 =	simm.s32 $0x1;
	s16 =	simm.s32 $0x50  }
0x7: {  	s17 =	simm.s32 $0xA0;
	s18 =	simm.s32 $0x0;
	s5 =	smul.u32 $0xA, s1  }
0x8: {  	[smem:$0x7FF] =	sst s4;
	s9 =	sand.u32 $0x1, s6;
	s6 =	sadd.s32 $0x254800, s8  }
0x9: {  	p0 =	slt.u32 s1, $0xD;
	s13 =	smul.u32 $0xC800, s1;
	_ =	strace $0x80000047  }
.Ltmp0:
0xa: {  	s10 =	ssub.s32 $0x2, s9;
	s7 =	simm.s32 @!p0 $0x7;
	(pc) =	sbr.rel .LBB2_1-.Ltmp0, $4  }
0xb: {  	p0 =	seq.s32 s9, $0x1;
	s12 =	sadd.s32 s5, s8;
	s5 =	sadd.s32 $0xCDC00, s8  }
0xc: {  	s11 =	sshrl.u32 s10, $0x1;
	s8 =	sadd.s32 $0x12FA00, s8;
	s31 =	sshrl.u32 s13, $0x2  }
0xd: {  	s13 =	smul.u32 $0x3200, s1;
	s10 =	ssub.s32 s10, s11;
	s11 =	sadd.s32 $0x117200, s12  }
0xe: {  	v0 =	vimm.f32 $0.0e+00;
	s12 =	sadd.s32 $0xFEA00, s12;
	s9 =	smax.u32 s10, $0x1;
	s10 =	sadd.s32 s31, s3  }
.LBB2_15:
0xf: {  	_ =	swait.ge [sflag:s15], $0x640  }
0x10: {  	[sflag:s15] =	ssyncset.done $0x0  }
0x11: {  	[sflag:s15] =	ssyncadd.s32 $0xFFFFF9C0  }
.LBB2_16:
0x12: {  	s18 =	sadd.s32 $0x1, s18  }
0x13: {  	p1 =	sne.s32 s18, s9  }
.Ltmp1:
0x14: {  	_ = 	snop;
	(pc) =	sbr.rel @!p1 .LBB2_17-.Ltmp1, $1  }
0x15: {  	_ =	sdelay $0x3  }
.LBB2_1:
0x16: {  	s19 =	simm.s32 $0x80;
	s20 =	simm.s32 $0x0  }
.LBB2_2:
0x17: {  	p1 =	sne.s32 s19, $0xC780;
	[tilespmem:s20+$0xAA0] =	vst v0;
	s21 =	smov.u32 s19;
	s19 =	sadd.s32 $0x80, s19  }
.Ltmp2:
0x18: {  	[tilespmem:s20+$0xAB0] =	vst v0;
	(pc) =	sbr.rel @p1 .LBB2_2-.Ltmp2, $2  }
0x19: {  	_ =	sdelay $0x2  }
0x1a: {  	s20 =	sshra.s32 s21, $0x2  }
0x1b: {  	p1 =	sne.s32 s7, $0x1  }
.Ltmp3:
0x1c: {  	[tilespmem:s20+$0xAA0] =	vst v0;
	(pc) =	sbr.rel @!p1 .LBB2_5-.Ltmp3, $4  }
0x1d: {  	[tilespmem:s20+$0xAB0] =	vst v0  }
0x1e: {  	[spmem:s10] =	stream.linear.scatter [tilespmem:s14], [sflag:$0x1], $0x3200, $0x38;
	[tilespmem:$0x1C340] =	vst v63  }
0x1f: {  	_ =	swait.ge [sflag:s15], $0x3200  }
0x20: {  	s19 =	sadd.s32 $0xFFFFFFFF, s7;
	s20 =	smov.u32 s10;
	[sflag:s15] =	ssyncset.done $0x0  }
.LBB2_4:
0x21: {  	p2 =	sne.s32 s19, $0x1;
	[sflag:s15] =	ssyncadd.s32 $0xFFFFCE00;
	s20 =	sadd.s32 $0x32000, s20  }
.Ltmp4:
0x22: {  	s19 =	sadd.s32 $0xFFFFFFFF, s19;
	(pc) =	sbr.rel @p2 .LBB2_4-.Ltmp4, $4  }
0x23: {  	_ = 	snop  }
0x24: {  	[spmem:s20] =	stream.linear.scatter [tilespmem:s14], [sflag:$0x1], $0x3200, $0x38;
	[tilespmem:$0x1C340] =	vst v63  }
0x25: {  	_ =	swait.ge [sflag:s15], $0x3200  }
0x26: {  	[sflag:s15] =	ssyncset.done $0x0  }
.LBB2_5:
.Ltmp5:
0x27: {  	(pc) =	sbr.rel @!p0 .LBB2_6-.Ltmp5, $4  }
0x28: {  	_ = 	snop  }
0x29: {  	[sflag:s15] =	ssyncadd.s32 $0xFFFFCE00  }
0x2a: {  	[bflag:$0x0] =	sbarrier.arrive $0xFFFF  }
0x2b: {  	s19 =	sadd.s32 $0x0, s11  }
0x2c: {  	[tilespmem:s4], [sflag:$0x1] =	stream.linear.gather [hbm4b:s19+s4], $0x50, $0x38;
	[tilespmem:$0x1C340] =	vst v63  }
0x2d: {  	_ =	swait.ge [sflag:s15], $0x50  }
0x2e: {  	[sflag:s15] =	ssyncset.done $0x0  }
0x2f: {  	s31 =	sadd.s32 $0x0, s12;
	[sflag:s15] =	ssyncadd.s32 $0xFFFFFFB0  }
0x30: {  	[tilespmem:s16], [sflag:$0x1] =	stream.linear.gather [hbm4b:s31+s4], $0x50, $0x38;
	[tilespmem:$0x1C340] =	vst v63  }
0x31: {  	_ =	swait.ge [sflag:s15], $0x50  }
0x32: {  	[sflag:s15] =	ssyncset.done $0x0  }
0x33: {  	[sflag:s15] =	ssyncadd.s32 $0xFFFFFFB0  }
0x34: {  	[tilespmem:s17], [sflag:$0x1] =	stream.indirect.gather [hbm4b:s5+s16], $0x20, s4, s16, $0xb8;
	[tilespmem:$0x1C340] =	vst v63  }
0x35: {  	_ =	swait.ge [sflag:s15], $0xA00  }
0x36: {  	[sflag:s15] =	ssyncset.done $0x0  }
0x37: {  	[sflag:s15] =	ssyncadd.s32 $0xFFFFF600  }
0x38: {  	[spmem:s3] =	stream.indirect.scatter.add.f32 [tilespmem:s17], [sflag:$0x1], $0x20, s16, s16, $0xb8;
	[tilespmem:$0x1C340] =	vst v63  }
0x39: {  	_ =	swait.ge [sflag:s15], $0xA00  }
0x3a: {  	s19 =	simm.s32 $0xA0;
	s20 =	simm.s32 $0x140;
	[sflag:s15] =	ssyncset.done $0x0  }
.LBB2_12:
0x3b: {  	s21 =	sadd.s32 s19, s11  }
0x3c: {  	[sflag:s15] =	ssyncadd.s32 $0xFFFFF600;
	s22 =	smov.u32 s20;
	s23 =	sadd.s32 $0xA0, s20  }
0x3d: {  	[tilespmem:s4], [sflag:$0x1] =	stream.linear.gather [hbm4b:s21+s4], $0x50, $0x38;
	[tilespmem:$0x1C340] =	vst v63  }
0x3e: {  	p2 =	sne.s32 s20, $0x18600;
	_ =	swait.ge [sflag:s15], $0x50  }
0x3f: {  	[sflag:s15] =	ssyncset.done $0x0  }
0x40: {  	s20 =	sadd.s32 s19, s12;
	s19 =	smov.u32 s22;
	[sflag:s15] =	ssyncadd.s32 $0xFFFFFFB0  }
0x41: {  	[tilespmem:s16], [sflag:$0x1] =	stream.linear.gather [hbm4b:s20+s4], $0x50, $0x38;
	[tilespmem:$0x1C340] =	vst v63  }
0x42: {  	_ =	swait.ge [sflag:s15], $0x50  }
0x43: {  	[sflag:s15] =	ssyncset.done $0x0  }
0x44: {  	[sflag:s15] =	ssyncadd.s32 $0xFFFFFFB0  }
0x45: {  	[tilespmem:s17], [sflag:$0x1] =	stream.indirect.gather [hbm4b:s5+s16], $0x20, s4, s16, $0xb8;
	[tilespmem:$0x1C340] =	vst v63  }
0x46: {  	_ =	swait.ge [sflag:s15], $0xA00  }
.Ltmp6:
0x47: {  	[sflag:s15] =	ssyncset.done $0x0;
	(pc) =	sbr.rel @p2 .LBB2_12-.Ltmp6, $4  }
0x48: {  	[sflag:s15] =	ssyncadd.s32 $0xFFFFF600  }
0x49: {  	[spmem:s3] =	stream.indirect.scatter.add.f32 [tilespmem:s17], [sflag:$0x1], $0x20, s16, s16, $0xb8;
	[tilespmem:$0x1C340] =	vst v63  }
0x4a: {  	_ =	swait.ge [sflag:s15], $0xA00  }
0x4b: {  	s20 =	smov.u32 s23;
	[sflag:s15] =	ssyncset.done $0x0  }
0x4c: {  	s20 =	sadd.s32 s19, s11;
	[sflag:s15] =	ssyncadd.s32 $0xFFFFF600  }
0x4d: {  	[tilespmem:s4], [sflag:$0x1] =	stream.linear.gather [hbm4b:s20+s4], $0x50, $0x38;
	[tilespmem:$0x1C340] =	vst v63  }
0x4e: {  	_ =	swait.ge [sflag:s15], $0x50  }
0x4f: {  	[sflag:s15] =	ssyncset.done $0x0  }
0x50: {  	s29 =	sadd.s32 s19, s12;
	[sflag:s15] =	ssyncadd.s32 $0xFFFFFFB0  }
0x51: {  	[tilespmem:s16], [sflag:$0x1] =	stream.linear.gather [hbm4b:s29+s4], $0x50, $0x38;
	[tilespmem:$0x1C340] =	vst v63  }
0x52: {  	_ =	swait.ge [sflag:s15], $0x50  }
0x53: {  	[sflag:s15] =	ssyncset.done $0x0  }
0x54: {  	[sflag:s15] =	ssyncadd.s32 $0xFFFFFFB0  }
0x55: {  	[tilespmem:s17], [sflag:$0x1] =	stream.indirect.gather [hbm4b:s5+s16], $0x20, s4, s16, $0xb8;
	[tilespmem:$0x1C340] =	vst v63  }
0x56: {  	_ =	swait.ge [sflag:s15], $0xA00  }
0x57: {  	[sflag:s15] =	ssyncset.done $0x0  }
0x58: {  	[sflag:s15] =	ssyncadd.s32 $0xFFFFF600  }
0x59: {  	[spmem:s3] =	stream.indirect.scatter.add.f32 [tilespmem:s17], [sflag:$0x1], $0x20, s16, s16, $0xb8;
	[tilespmem:$0x1C340] =	vst v63  }
0x5a: {  	_ =	swait.ge [sflag:s15], $0xA00  }
.Ltmp7:
0x5b: {  	s30 =	sshll.u32 s1, $0x6;
	[sflag:s15] =	ssyncset.done $0x0;
	(pc) =	sbr.rel @!p1 .LBB2_15-.Ltmp7, $4  }
0x5c: {  	s31 =	sshrl.u32 s13, $0x3;
	s21 =	sshrl.u32 s10, $0x3;
	[sflag:s15] =	ssyncadd.s32 $0xFFFFF600  }
0x5d: {  	s20 =	sadd.s32 s8, s31;
	s19 =	sor.u32 $0x1C01, s30;
	[bflag:$0x0] =	sbarrier.arrive $0xFFFF  }
0x5e: {  	[hbm:s20], [sflag:s19] =	dma.local [spmem:s21], $0x640  }
0x5f: {  	s22 =	smov.u32 s13;
	s20 =	sadd.s32 $0xFFFFFFFF, s7;
	s21 =	sadd.s32 $0x32000, s10  }
.LBB2_14:
0x60: {  	_ =	swait.ge [sflag:s15], $0x640  }
0x61: {  	s22 =	sadd.s32 $0x32000, s22;
	s24 =	sshrl.u32 s21, $0x3;
	p1 =	sne.s32 s20, $0x1  }
.Ltmp8:
0x62: {  	s23 =	sshrl.u32 s22, $0x3;
	[sflag:s15] =	ssyncset.done $0x0;
	(pc) =	sbr.rel @p1 .LBB2_14-.Ltmp8, $4  }
0x63: {  	s23 =	sadd.s32 s8, s23;
	[sflag:s15] =	ssyncadd.s32 $0xFFFFF9C0  }
0x64: {  	[hbm:s23], [sflag:s19] =	dma.local [spmem:s24], $0x640  }
0x65: {  	s20 =	sadd.s32 $0xFFFFFFFF, s20  }
0x66: {  	s21 =	sadd.s32 $0x32000, s21  }
.Ltmp9:
0x67: {  	_ = 	snop;
	(pc) =	sbr.rel .LBB2_15-.Ltmp9, $1  }
0x68: {  	_ =	sdelay $0x3  }
.LBB2_6:
0x69: {  	[tilespmem:s4], [sflag:$0x1] =	stream.linear.gather [hbm4b:s19+s4], $0x50, $0x38;
	[tilespmem:$0x1C340] =	vst v63  }
0x6a: {  	_ =	swait.ge [sflag:s15], $0x50  }
0x6b: {  	[sflag:s15] =	ssyncset.done $0x0  }
0x6c: {  	s31 =	sadd.s32 $0x0, s12;
	[sflag:s15] =	ssyncadd.s32 $0xFFFFFFB0  }
0x6d: {  	[tilespmem:s16], [sflag:$0x1] =	stream.linear.gather [hbm4b:s31+s4], $0x50, $0x38;
	[tilespmem:$0x1C340] =	vst v63  }
0x6e: {  	_ =	swait.ge [sflag:s15], $0x50  }
0x6f: {  	[sflag:s15] =	ssyncset.done $0x0  }
0x70: {  	[sflag:s15] =	ssyncadd.s32 $0xFFFFFFB0  }
0x71: {  	[tilespmem:s17], [sflag:$0x1] =	stream.indirect.gather [hbm4b:s2+s16], $0x20, s4, s16, $0xb8;
	[tilespmem:$0x1C340] =	vst v63  }
0x72: {  	_ =	swait.ge [sflag:s15], $0xA00  }
0x73: {  	[sflag:s15] =	ssyncset.done $0x0  }
0x74: {  	[sflag:s15] =	ssyncadd.s32 $0xFFFFF600  }
0x75: {  	[spmem:s3] =	stream.indirect.scatter.add.f32 [tilespmem:s17], [sflag:$0x1], $0x20, s16, s16, $0xb8;
	[tilespmem:$0x1C340] =	vst v63  }
0x76: {  	_ =	swait.ge [sflag:s15], $0xA00  }
0x77: {  	s19 =	simm.s32 $0xA0;
	s20 =	simm.s32 $0x140;
	[sflag:s15] =	ssyncset.done $0x0  }
.LBB2_7:
0x78: {  	s21 =	sadd.s32 s19, s11  }
0x79: {  	[sflag:s15] =	ssyncadd.s32 $0xFFFFF600;
	s22 =	smov.u32 s20;
	s23 =	sadd.s32 $0xA0, s20  }
0x7a: {  	[tilespmem:s4], [sflag:$0x1] =	stream.linear.gather [hbm4b:s21+s4], $0x50, $0x38;
	[tilespmem:$0x1C340] =	vst v63  }
0x7b: {  	p1 =	sne.s32 s20, $0x18600;
	_ =	swait.ge [sflag:s15], $0x50  }
0x7c: {  	[sflag:s15] =	ssyncset.done $0x0  }
0x7d: {  	s20 =	sadd.s32 s19, s12;
	s19 =	smov.u32 s22;
	[sflag:s15] =	ssyncadd.s32 $0xFFFFFFB0  }
0x7e: {  	[tilespmem:s16], [sflag:$0x1] =	stream.linear.gather [hbm4b:s20+s4], $0x50, $0x38;
	[tilespmem:$0x1C340] =	vst v63  }
0x7f: {  	_ =	swait.ge [sflag:s15], $0x50  }
0x80: {  	[sflag:s15] =	ssyncset.done $0x0  }
0x81: {  	[sflag:s15] =	ssyncadd.s32 $0xFFFFFFB0  }
0x82: {  	[tilespmem:s17], [sflag:$0x1] =	stream.indirect.gather [hbm4b:s2+s16], $0x20, s4, s16, $0xb8;
	[tilespmem:$0x1C340] =	vst v63  }
0x83: {  	_ =	swait.ge [sflag:s15], $0xA00  }
.Ltmp10:
0x84: {  	[sflag:s15] =	ssyncset.done $0x0;
	(pc) =	sbr.rel @p1 .LBB2_7-.Ltmp10, $4  }
0x85: {  	[sflag:s15] =	ssyncadd.s32 $0xFFFFF600  }
0x86: {  	[spmem:s3] =	stream.indirect.scatter.add.f32 [tilespmem:s17], [sflag:$0x1], $0x20, s16, s16, $0xb8;
	[tilespmem:$0x1C340] =	vst v63  }
0x87: {  	_ =	swait.ge [sflag:s15], $0xA00  }
0x88: {  	s20 =	smov.u32 s23;
	[sflag:s15] =	ssyncset.done $0x0  }
0x89: {  	s20 =	sadd.s32 s19, s11;
	[sflag:s15] =	ssyncadd.s32 $0xFFFFF600  }
0x8a: {  	[tilespmem:s4], [sflag:$0x1] =	stream.linear.gather [hbm4b:s20+s4], $0x50, $0x38;
	[tilespmem:$0x1C340] =	vst v63  }
0x8b: {  	_ =	swait.ge [sflag:s15], $0x50  }
0x8c: {  	[sflag:s15] =	ssyncset.done $0x0  }
0x8d: {  	s29 =	sadd.s32 s19, s12;
	[sflag:s15] =	ssyncadd.s32 $0xFFFFFFB0  }
0x8e: {  	[tilespmem:s16], [sflag:$0x1] =	stream.linear.gather [hbm4b:s29+s4], $0x50, $0x38;
	[tilespmem:$0x1C340] =	vst v63  }
0x8f: {  	_ =	swait.ge [sflag:s15], $0x50  }
0x90: {  	[sflag:s15] =	ssyncset.done $0x0  }
0x91: {  	[sflag:s15] =	ssyncadd.s32 $0xFFFFFFB0  }
0x92: {  	[tilespmem:s17], [sflag:$0x1] =	stream.indirect.gather [hbm4b:s2+s16], $0x20, s4, s16, $0xb8;
	[tilespmem:$0x1C340] =	vst v63  }
0x93: {  	_ =	swait.ge [sflag:s15], $0xA00  }
0x94: {  	[sflag:s15] =	ssyncset.done $0x0  }
0x95: {  	[sflag:s15] =	ssyncadd.s32 $0xFFFFF600  }
0x96: {  	[spmem:s3] =	stream.indirect.scatter.add.f32 [tilespmem:s17], [sflag:$0x1], $0x20, s16, s16, $0xb8;
	[tilespmem:$0x1C340] =	vst v63  }
0x97: {  	p1 =	seq.s32 s7, $0x1;
	_ =	swait.ge [sflag:s15], $0xA00  }
.Ltmp11:
0x98: {  	s30 =	sshll.u32 s1, $0x6;
	[sflag:s15] =	ssyncset.done $0x0;
	(pc) =	sbr.rel @p1 .LBB2_10-.Ltmp11, $4  }
0x99: {  	s31 =	sshrl.u32 s13, $0x3;
	s21 =	sshrl.u32 s10, $0x3;
	[sflag:s15] =	ssyncadd.s32 $0xFFFFF600  }
0x9a: {  	s20 =	sadd.s32 s6, s31;
	s19 =	sor.u32 $0x1C01, s30;
	[bflag:$0x0] =	sbarrier.arrive $0xFFFF  }
0x9b: {  	[hbm:s20], [sflag:s19] =	dma.local [spmem:s21], $0x640  }
0x9c: {  	s22 =	smov.u32 s13;
	s20 =	sadd.s32 $0xFFFFFFFF, s7;
	s21 =	sadd.s32 $0x32000, s10  }
.LBB2_9:
0x9d: {  	_ =	swait.ge [sflag:s15], $0x640  }
0x9e: {  	s22 =	sadd.s32 $0x32000, s22;
	s24 =	sshrl.u32 s21, $0x3;
	p1 =	seq.s32 s20, $0x1  }
.Ltmp12:
0x9f: {  	s23 =	sshrl.u32 s22, $0x3;
	[sflag:s15] =	ssyncset.done $0x0;
	(pc) =	sbr.rel @!p1 .LBB2_9-.Ltmp12, $4  }
0xa0: {  	s23 =	sadd.s32 s6, s23;
	[sflag:s15] =	ssyncadd.s32 $0xFFFFF9C0  }
0xa1: {  	[hbm:s23], [sflag:s19] =	dma.local [spmem:s24], $0x640  }
0xa2: {  	s20 =	sadd.s32 $0xFFFFFFFF, s20  }
0xa3: {  	s21 =	sadd.s32 $0x32000, s21  }
.LBB2_10:
.Ltmp13:
0xa4: {  	(pc) =	sbr.rel .LBB2_16-.Ltmp13, $4  }
0xa5: {  	_ = 	snop  }
0xa6: {  	_ =	swait.ge [sflag:s15], $0x640  }
0xa7: {  	[sflag:s15] =	ssyncset.done $0x0  }
0xa8: {  	[sflag:s15] =	ssyncadd.s32 $0xFFFFF9C0  }
.LBB2_17:
0xa9: {  	_ =	sfence.sel $0x180000  }
0xaa: {  	[bflag:$0x0] =	sbarrier.arrive $0xFFFF  }
0xab: {  	p0 =	sne.s32 s1, $0x0;
	_ =	strace $0x90000047  }
0xac: {  	s0 =	sadd.s32 @!p0 $0x100000, s0;
	[bflag:$0x2] =	sbarrier.arrive $0xFFFF  }
0xad: {  	[sflag:s0] =	ssyncadd.tile.s32 @!p0 $0x1;
	_ =	shalt  }
.Lfunc_end2:
_tile_overlayer_lowered:
.L_overlay_start_2:
0xae: {  	(tag) =	ssettag $0x2  }
0xaf: {  	s0 =	rddreg [dreg:$0x0];
	s2 =	stileid.u32  }
0xb0: {  	s1 =	rddreg [dreg:$0x1];
	p0 =	sne.s32 s2, $0x0  }
0xb1: {  	s3 =	rddreg [dreg:$0x2];
	[bflag:$0x3] =	sbarrier.arrive $0xFFFF;
	s2 =	simm.s32 @!p0 $0x1C01  }
0xb2: {  	[timem:s3], [sflag:s2] =	dma.local @!p0 [hbm:s0], s1  }
0xb3: {  	s0 =	simm.s32 @!p0 $0x1  }
0xb4: {  	_ =	swait.ge @!p0 [sflag:s0], s1  }
0xb5: {  	s1 =	ssub.s32 @!p0 $0x0, s1;
	[sflag:s0] =	ssyncset.done @!p0 $0x0  }
0xb6: {  	[sflag:s0] =	ssyncadd.s32 @!p0 s1  }
0xb7: {  	[bflag:$0x3] =	sbarrier.arrive $0xFFFF  }
0xb8: {  	_ =	shalt  }

// kernel: kernel.34.cloned.1.call-start
scs
__scs_entry_jumppad:
0x0: {  	(pc) =	sbr.rel $0x88, $3  }
0x1: {  	(tag) =	ssettag $0x0;
	lr =	simm.s32 $0x1  }
0x2: {  	[smem:$0x3F8D] =	sst lr;
	_ =	strace $0xD0000000  }
0x3: {  	_ = 	snop  }
0x4: {  	_ = 	snop  }
0x5: {  	_ = 	snop  }
0x6: {  	_ = 	snop  }
0x7: {  	_ = 	snop  }
__scs_overlays_trampoline_lowered:
0x8: {  	[smem:$0x3F9C] =	sst s0  }
0x9: {  	[smem:$0x3F9D] =	sst s1  }
0xa: {  	[smem:$0x3F9E] =	sst s2  }
0xb: {  	[smem:$0x3F9F] =	sst s3  }
0xc: {  	[smem:$0x3FA0] =	sst s4  }
0xd: {  	[smem:$0x3FA1] =	sst s5  }
0xe: {  	[smem:$0x3FA2] =	sst s6  }
0xf: {  	[smem:$0x3FA3] =	sst s7  }
0x10: {  	[smem:$0x3FA4] =	sst s8  }
0x11: {  	[smem:$0x3FA5] =	sst s9;
	s0 =	simm.s32 @!p0 $0x0  }
0x12: {  	s1 =	sld [smem:$0x3F8B];
	s0 =	simm.s32 @p0 $0x1  }
0x13: {  	[smem:$0x3FA6] =	sst s0;
	s0 =	simm.s32 @!p1 $0x0  }
0x14: {  	s2 =	sld [smem:$0x3F8A];
	s0 =	simm.s32 @p1 $0x1  }
0x15: {  	[smem:$0x3FA7] =	sst s0;
	s0 =	simm.s32 @!p2 $0x0  }
0x16: {  	s3 =	sld [smem:$0x3FDB];
	s0 =	simm.s32 @p2 $0x1  }
0x17: {  	s4 =	simm.s32 $0x1BF5;
	[smem:$0x3FA9] =	sst s0  }
0x18: {  	s0 =	sld [smem:$0x3F8C];
	_ =	swait.ge [sflag:s4], $0x0  }
0x19: {  	s7 =	sld [smem:$0x3F8D]  }
0x1a: {  	s8 =	sadd.s32 $0xFFFFE003, lr  }
0x1b: {  	s9 =	sadd.s32 $0xFFFFFEF7, lr;
	s5 =	simm.s32 $0xFFFFFFFF;
	p2 =	slt.u32 s8, $0xFFFFF086  }
0x1c: {  	p1 =	slt.u32 s9, $0xF7A;
	s5 =	simm.s32 @!p2 $0x0  }
0x1d: {  	s5 =	simm.s32 @p1 $0x1;
	p0 =	seq.s32 s7, s2  }
0x1e: {  	s7 =	smul.u32 @!p0 $0xF7A, s2;
	p2 =	seq.s32 @!p0 s5, $0x0  }
0x1f: {  	s9 =	smul.u32 $0xF7A, s1;
	s8 =	simm.s32 @!p0 $0x1BF5;
	p2 =	por !p2, p0  }
0x20: {  	[sflag:s8] =	ssyncset.s32 @!p0 $0xFFFFF086;
	s6 =	sadd.s32 @!p0 s3, s7;
	s7 =	simm.s32 @!p0 $0x108  }
0x21: {  	s3 =	sadd.s32 s3, s9;
	s6 =	sadd.s32 @!p0 $0x88, s6;
	s7 =	simm.s32 @p2 $0x1082  }
0x22: {  	[simem:s7], [sflag:s8] =	dma.local @!p0 [hbm:s6], $0xF7A  }
0x23: {  	s9 =	sor.u32 $0xD0000000, s2;
	s6 =	simm.s32 $0x108;
	_ =	swait.ge @!p0 [sflag:s8], $0x0  }
0x24: {  	s3 =	sadd.s32 $0x88, s3;
	s6 =	simm.s32 @!p1 $0x1082;
	[sflag:s4] =	ssyncset.s32 $0xFFFFF086  }
0x25: {  	[simem:s6], [sflag:s4] =	dma.local [hbm:s3], $0xF7A  }
0x26: {  	[smem:$0x3F8D] =	sst s1;
	(tag) =	ssettag s2;
	_ =	strace s9  }
0x27: {  	s1 =	sld [smem:$0x3F9D]  }
0x28: {  	s2 =	sld [smem:$0x3F9E]  }
0x29: {  	s4 =	sld [smem:$0x3FA0]  }
0x2a: {  	p0 =	seq.s32 s5, $0x0;
	s5 =	sld [smem:$0x3FA1]  }
0x2b: {  	s6 =	sld [smem:$0x3FA2]  }
0x2c: {  	s7 =	sld [smem:$0x3FA3]  }
0x2d: {  	s3 =	simm.s32 $0x108;
	s8 =	sld [smem:$0x3FA4]  }
0x2e: {  	s3 =	simm.s32 @!p0 $0x1082;
	s9 =	sld [smem:$0x3FA5]  }
0x2f: {  	lr =	sadd.s32 s0, s3;
	s0 =	sld [smem:$0x3F9C]  }
0x30: {  	s3 =	sld [smem:$0x3F9F]  }
0x31: {  	[smem:$0x3FA8] =	sst s10  }
0x32: {  	s10 =	sld [smem:$0x3FA6];
	_ =	sdelay $0x3  }
0x33: {  	p0 =	seq.s32 s10, $0x1;
	s10 =	sld [smem:$0x3FA8];
	_ =	sdelay $0x3  }
0x34: {  	[smem:$0x3FA8] =	sst s10  }
0x35: {  	s10 =	sld [smem:$0x3FA7];
	_ =	sdelay $0x3  }
0x36: {  	p1 =	seq.s32 s10, $0x1;
	s10 =	sld [smem:$0x3FA8];
	_ =	sdelay $0x3  }
0x37: {  	[smem:$0x3FA8] =	sst s10  }
0x38: {  	s10 =	sld [smem:$0x3FA9]  }
0x39: {  	_ = 	snop;
	(pc) =	sbr.ind lr, $3  }
0x3a: {  	_ = 	snop  }
0x3b: {  	_ = 	snop  }
0x3c: {  	p2 =	seq.s32 s10, $0x1;
	s10 =	sld [smem:$0x3FA8]  }
0x3d: {  	_ =	shalt  }
0x3e: {  	_ =	shalt  }
0x3f: {  	_ =	shalt  }
0x40: {  	_ =	shalt  }
0x41: {  	_ =	shalt  }
0x42: {  	_ =	shalt  }
0x43: {  	_ =	shalt  }
0x44: {  	_ =	shalt  }
0x45: {  	_ =	shalt  }
0x46: {  	_ =	shalt  }
0x47: {  	_ =	shalt  }
0x48: {  	_ =	shalt  }
0x49: {  	_ =	shalt  }
0x4a: {  	_ =	shalt  }
0x4b: {  	_ =	shalt  }
0x4c: {  	_ =	shalt  }
0x4d: {  	_ =	shalt  }
0x4e: {  	_ =	shalt  }
0x4f: {  	_ =	shalt  }
0x50: {  	_ =	shalt  }
0x51: {  	_ =	shalt  }
0x52: {  	_ =	shalt  }
0x53: {  	_ =	shalt  }
0x54: {  	_ =	shalt  }
0x55: {  	_ =	shalt  }
0x56: {  	_ =	shalt  }
0x57: {  	_ =	shalt  }
0x58: {  	_ =	shalt  }
0x59: {  	_ =	shalt  }
0x5a: {  	_ =	shalt  }
0x5b: {  	_ =	shalt  }
0x5c: {  	_ =	shalt  }
0x5d: {  	_ =	shalt  }
0x5e: {  	_ =	shalt  }
0x5f: {  	_ =	shalt  }
0x60: {  	_ =	shalt  }
0x61: {  	_ =	shalt  }
0x62: {  	_ =	shalt  }
0x63: {  	_ =	shalt  }
0x64: {  	_ =	shalt  }
0x65: {  	_ =	shalt  }
0x66: {  	_ =	shalt  }
0x67: {  	_ =	shalt  }
0x68: {  	_ =	shalt  }
0x69: {  	_ =	shalt  }
0x6a: {  	_ =	shalt  }
0x6b: {  	_ =	shalt  }
0x6c: {  	_ =	shalt  }
0x6d: {  	_ =	shalt  }
0x6e: {  	_ =	shalt  }
0x6f: {  	_ =	shalt  }
0x70: {  	_ =	shalt  }
0x71: {  	_ =	shalt  }
0x72: {  	_ =	shalt  }
0x73: {  	_ =	shalt  }
0x74: {  	_ =	shalt  }
0x75: {  	_ =	shalt  }
0x76: {  	_ =	shalt  }
0x77: {  	_ =	shalt  }
0x78: {  	_ =	shalt  }
0x79: {  	_ =	shalt  }
0x7a: {  	_ =	shalt  }
0x7b: {  	_ =	shalt  }
0x7c: {  	_ =	shalt  }
0x7d: {  	_ =	shalt  }
0x7e: {  	_ =	shalt  }
0x7f: {  	_ =	shalt  }
0x80: {  	_ =	shalt  }
0x81: {  	_ =	shalt  }
0x82: {  	_ =	shalt  }
0x83: {  	_ =	shalt  }
0x84: {  	_ =	shalt  }
0x85: {  	_ =	shalt  }
0x86: {  	_ =	shalt  }
0x87: {  	_ =	shalt  }
.Lfunc_end0:
.L_simem_size_0:
called_computation.2_lowered:
.L_overlay_start_0:
0x88: {  	s2 =	sld [smem:$0x3FD9]  }
0x89: {  	s3 =	sld [smem:$0x3FFE];
	_ =	sdelay $0x1  }
0x8a: {  	s1 =	srdreg.scid  }
0x8b: {  	s0 =	sand.u32 $0x1, s1  }
0x8c: {  	s14 =	sshll.u32 s0, $0xA;
	s2 =	sadd.s32 s3, s2  }
0x8d: {  	s2 =	sadd.s32 s2, s14  }
0x8e: {  	[smem:$0x3FB4] =	sst s2  }
0x8f: {  	_ = 	snop  }
0x90: {  	s2 =	sld [smem:$0x3FD0];
	_ =	sdelay $0x2  }
0x91: {  	s15 =	simm.s32 $0xB;
	s4 =	simm.s32 $0x10  }
0x92: {  	[smem:s4], [sflag:s15] =	dma.local [hbm:s2], $0x1  }
0x93: {  	_ =	swait.eq [sflag:s15], $0x1  }
0x94: {  	[sflag:s15] =	ssyncset.done $0x0  }
0x95: {  	[sflag:s15] =	ssyncadd.s32 $0xFFFFFFFF  }
0x96: {  	s16 =	sld [smem:$0x10];
	(tm) =	ssettm $0x1  }
0x97: {  	s17 =	sld [smem:$0x3FFB];
	_ =	sdelay $0x3  }
0x98: {  	_ =	strace s17  }
0x99: {  	s3 =	sld [smem:$0x3FFC];
	_ =	sdelay $0x3  }
0x9a: {  	_ =	strace s3  }
0x9b: {  	s3 =	sld [smem:$0x3FFD];
	_ =	sdelay $0x3  }
0x9c: {  	_ =	strace s3  }
0x9d: {  	_ =	strace $0x8FFFFFFF  }
0x9e: {  	s18 =	sld [smem:$0x3FDB];
	_ =	sdelay $0x1  }
0x9f: {  	s19 =	simm.s32 $_scs_section_size  }
0xa0: {  	s5 =	simm.s32 $_size__tile_overlayer_lowered;
	s6 =	simm.s32 $_tile_overlayer_lowered  }
0xa1: {  	s22 =	simm.s32 $0x1BFF;
	s21 =	sshll.u32 s6, $0x1;
	s3 =	sadd.s32 s19, s18  }
0xa2: {  	s7 =	simm.s32 $0x0;
	s20 =	sshll.u32 s5, $0x1;
	s5 =	sadd.s32 s21, s3  }
0xa3: {  	[timem:s7], [sflag:s22] =	dma.local [hbm:s5], s20  }
0xa4: {  	_ =	swait.ge [sflag:s22], s20  }
0xa5: {  	s4 =	ssub.s32 $0x0, s20;
	[sflag:s22] =	ssyncset.done $0x0  }
0xa6: {  	[sflag:s22] =	ssyncadd.s32 s4;
	_ =	sdelay $0x1  }
0xa7: {  	s23 =	simm.s32 $0x1B8B  }
0xa8: {  	_ =	swait.ge [sflag:s23], $0x1  }
0xa9: {  	[sflag:s23] =	ssyncset.done $0x0  }
0xaa: {  	s25 =	simm.s32 $0x1B8E;
	s24 =	sld [smem:$0x3FFE];
	[sflag:s23] =	ssyncadd.s32 $0xFFFFFFFF  }
0xab: {  	s26 =	simm.s32 $execute0_lowered;
	[smem:$0x3FD2] =	sst s25  }
0xac: {  	s5 =	sshll.u32 s26, $0x1;
	_ =	strace $0x8000004C;
	[dreg:$0x1] =	wrdreg $0xFFFFFFFF  }
0xad: {  	s28 =	simm.s32 $_size_execute0_lowered;
	s3 =	sadd.s32 s3, s5;
	[dreg:$0x0] =	wrdreg $0x0  }
0xae: {  	s5 =	sshll.u32 s28, $0x1;
	[dreg:$0x2] =	wrdreg s3  }
0xaf: {  	[dreg:$0x3] =	wrdreg s5  }
0xb0: {  	[dreg:$0x4] =	wrdreg $0xC0  }
0xb1: {  	_ =	task [dreg:s7], $0x5FFFF  }
0xb2: {  	[dreg:$0x1] =	wrdreg $0xFFFFFFFF  }
0xb3: {  	[dreg:$0x0] =	wrdreg $0x60  }
0xb4: {  	[dreg:$0x2] =	wrdreg s24  }
0xb5: {  	[dreg:$0x3] =	wrdreg s16  }
0xb6: {  	[dreg:$0x4] =	wrdreg $0x3CA00  }
0xb7: {  	[dreg:$0x5] =	wrdreg $0x9  }
0xb8: {  	_ =	task.clear_ibuf [dreg:s7], $0x6FFFF;
	_ =	strace $0x9000004C  }
0xb9: {  	s29 =	simm.s32 $0x9;
	_ =	strace $0x8000004E  }
0xba: {  	_ =	swait.ge [sflag:s29], $0x1  }
0xbb: {  	[sflag:s29] =	ssyncadd.s32 $0xFFFFFFFF  }
0xbc: {  	_ =	strace $0x9000004E  }
0xbd: {  	_ =	sfence  }
0xbe: {  	s30 =	sld [smem:$0x0];
	_ =	sdelay $0x2  }
0xbf: {  	s31 =	sshll.u32 s1, $0xD;
	s1 =	sshrl.u32 s1, $0x2  }
0xc0: {  	s3 =	sand.u32 $0x4000, s31;
	s1 =	sadd.s32 s1, s30  }
0xc1: {  	s0 =	sor.u32 s3, s0;
	s1 =	sshll.u32 s1, $0x11  }
0xc2: {  	s0 =	sor.u32 s1, s0  }
0xc3: {  	s0 =	sadd.s32 $0x8F2B, s0  }
0xc4: {  	[sflag:s0] =	ssyncadd.remote.s32 $0x1  }
0xc5: {  	_ =	sfence.sel $0xFFFF  }
0xc6: {  	[dreg:$0x0] =	wrdreg $0xFFFFFFFF;
	(pc) =	sbr.abs _section_cstart, $3  }
0xc7: {  	[dreg:$0x1] =	wrdreg $0xFFFFFFFF  }
0xc8: {  	_ =	task.clear_ibuf [dreg:s7], $0x2FFFF;
	_ =	strace $0x9FFFFFFF  }
0xc9: {  	(tm) =	ssettm $0x7FFFFFFF  }
tec
execute0_lowered:
.L_overlay_start_1:
0x0: {  	(tag) =	ssettag $0x1  }
0x1: {  	s8 =	rddreg [dreg:$0x0]  }
0x2: {  	s2 =	rddreg [dreg:$0x1]  }
0x3: {  	s3 =	rddreg [dreg:$0x2]  }
0x4: {  	s0 =	rddreg [dreg:$0x3];
	s1 =	stileid.u32  }
0x5: {  	s4 =	simm.s32 $0x0;
	s6 =	srdreg.scid;
	s7 =	simm.s32 $0x8  }
0x6: {  	s14 =	simm.s32 $0xAA0;
	s15 =	simm.s32 $0x1;
	s16 =	simm.s32 $0x50  }
0x7: {  	s17 =	simm.s32 $0xA0;
	s18 =	simm.s32 $0x0;
	s5 =	smul.u32 $0xA, s1  }
0x8: {  	[smem:$0x7FF] =	sst s4;
	s9 =	sand.u32 $0x1, s6;
	s6 =	sadd.s32 $0x1AC600, s8  }
0x9: {  	p0 =	slt.u32 s1, $0xD;
	s13 =	smul.u32 $0xC800, s1;
	_ =	strace $0x8000004D  }
.Ltmp0:
0xa: {  	s10 =	ssub.s32 $0x2, s9;
	s7 =	simm.s32 @!p0 $0x7;
	(pc) =	sbr.rel .LBB2_1-.Ltmp0, $4  }
0xb: {  	p0 =	seq.s32 s9, $0x1;
	s12 =	sadd.s32 s5, s8;
	s5 =	sadd.s32 $0x12FA00, s8  }
0xc: {  	s11 =	sshrl.u32 s10, $0x1;
	s8 =	sadd.s32 $0x17B800, s8;
	s31 =	sshrl.u32 s13, $0x2  }
0xd: {  	s13 =	smul.u32 $0x3200, s1;
	s10 =	ssub.s32 s10, s11;
	s11 =	sadd.s32 $0x117200, s12  }
0xe: {  	v0 =	vimm.f32 $0.0e+00;
	s12 =	sadd.s32 $0xFEA00, s12;
	s9 =	smax.u32 s10, $0x1;
	s10 =	sadd.s32 s31, s3  }
.LBB2_15:
0xf: {  	_ =	swait.ge [sflag:s15], $0x640  }
0x10: {  	[sflag:s15] =	ssyncset.done $0x0  }
0x11: {  	[sflag:s15] =	ssyncadd.s32 $0xFFFFF9C0  }
.LBB2_16:
0x12: {  	s18 =	sadd.s32 $0x1, s18  }
0x13: {  	p1 =	sne.s32 s18, s9  }
.Ltmp1:
0x14: {  	_ = 	snop;
	(pc) =	sbr.rel @!p1 .LBB2_17-.Ltmp1, $1  }
0x15: {  	_ =	sdelay $0x3  }
.LBB2_1:
0x16: {  	s19 =	simm.s32 $0x80;
	s20 =	simm.s32 $0x0  }
.LBB2_2:
0x17: {  	p1 =	sne.s32 s19, $0xC780;
	[tilespmem:s20+$0xAA0] =	vst v0;
	s21 =	smov.u32 s19;
	s19 =	sadd.s32 $0x80, s19  }
.Ltmp2:
0x18: {  	[tilespmem:s20+$0xAB0] =	vst v0;
	(pc) =	sbr.rel @p1 .LBB2_2-.Ltmp2, $2  }
0x19: {  	_ =	sdelay $0x2  }
0x1a: {  	s20 =	sshra.s32 s21, $0x2  }
0x1b: {  	p1 =	sne.s32 s7, $0x1  }
.Ltmp3:
0x1c: {  	[tilespmem:s20+$0xAA0] =	vst v0;
	(pc) =	sbr.rel @!p1 .LBB2_5-.Ltmp3, $4  }
0x1d: {  	[tilespmem:s20+$0xAB0] =	vst v0  }
0x1e: {  	[spmem:s10] =	stream.linear.scatter [tilespmem:s14], [sflag:$0x1], $0x3200, $0x38;
	[tilespmem:$0x1C340] =	vst v63  }
0x1f: {  	_ =	swait.ge [sflag:s15], $0x3200  }
0x20: {  	s19 =	sadd.s32 $0xFFFFFFFF, s7;
	s20 =	smov.u32 s10;
	[sflag:s15] =	ssyncset.done $0x0  }
.LBB2_4:
0x21: {  	p2 =	sne.s32 s19, $0x1;
	[sflag:s15] =	ssyncadd.s32 $0xFFFFCE00;
	s20 =	sadd.s32 $0x32000, s20  }
.Ltmp4:
0x22: {  	s19 =	sadd.s32 $0xFFFFFFFF, s19;
	(pc) =	sbr.rel @p2 .LBB2_4-.Ltmp4, $4  }
0x23: {  	_ = 	snop  }
0x24: {  	[spmem:s20] =	stream.linear.scatter [tilespmem:s14], [sflag:$0x1], $0x3200, $0x38;
	[tilespmem:$0x1C340] =	vst v63  }
0x25: {  	_ =	swait.ge [sflag:s15], $0x3200  }
0x26: {  	[sflag:s15] =	ssyncset.done $0x0  }
.LBB2_5:
.Ltmp5:
0x27: {  	(pc) =	sbr.rel @!p0 .LBB2_6-.Ltmp5, $4  }
0x28: {  	_ = 	snop  }
0x29: {  	[sflag:s15] =	ssyncadd.s32 $0xFFFFCE00  }
0x2a: {  	[bflag:$0x0] =	sbarrier.arrive $0xFFFF  }
0x2b: {  	s19 =	sadd.s32 $0x0, s11  }
0x2c: {  	[tilespmem:s4], [sflag:$0x1] =	stream.linear.gather [hbm4b:s19+s4], $0x50, $0x38;
	[tilespmem:$0x1C340] =	vst v63  }
0x2d: {  	_ =	swait.ge [sflag:s15], $0x50  }
0x2e: {  	[sflag:s15] =	ssyncset.done $0x0  }
0x2f: {  	s31 =	sadd.s32 $0x0, s12;
	[sflag:s15] =	ssyncadd.s32 $0xFFFFFFB0  }
0x30: {  	[tilespmem:s16], [sflag:$0x1] =	stream.linear.gather [hbm4b:s31+s4], $0x50, $0x38;
	[tilespmem:$0x1C340] =	vst v63  }
0x31: {  	_ =	swait.ge [sflag:s15], $0x50  }
0x32: {  	[sflag:s15] =	ssyncset.done $0x0  }
0x33: {  	[sflag:s15] =	ssyncadd.s32 $0xFFFFFFB0  }
0x34: {  	[tilespmem:s17], [sflag:$0x1] =	stream.indirect.gather [hbm4b:s5+s16], $0x20, s4, s16, $0xb8;
	[tilespmem:$0x1C340] =	vst v63  }
0x35: {  	_ =	swait.ge [sflag:s15], $0xA00  }
0x36: {  	[sflag:s15] =	ssyncset.done $0x0  }
0x37: {  	[sflag:s15] =	ssyncadd.s32 $0xFFFFF600  }
0x38: {  	[spmem:s3] =	stream.indirect.scatter.add.f32 [tilespmem:s17], [sflag:$0x1], $0x20, s16, s16, $0xb8;
	[tilespmem:$0x1C340] =	vst v63  }
0x39: {  	_ =	swait.ge [sflag:s15], $0xA00  }
0x3a: {  	s19 =	simm.s32 $0xA0;
	s20 =	simm.s32 $0x140;
	[sflag:s15] =	ssyncset.done $0x0  }
.LBB2_12:
0x3b: {  	s21 =	sadd.s32 s19, s11  }
0x3c: {  	[sflag:s15] =	ssyncadd.s32 $0xFFFFF600;
	s22 =	smov.u32 s20;
	s23 =	sadd.s32 $0xA0, s20  }
0x3d: {  	[tilespmem:s4], [sflag:$0x1] =	stream.linear.gather [hbm4b:s21+s4], $0x50, $0x38;
	[tilespmem:$0x1C340] =	vst v63  }
0x3e: {  	p2 =	sne.s32 s20, $0x18600;
	_ =	swait.ge [sflag:s15], $0x50  }
0x3f: {  	[sflag:s15] =	ssyncset.done $0x0  }
0x40: {  	s20 =	sadd.s32 s19, s12;
	s19 =	smov.u32 s22;
	[sflag:s15] =	ssyncadd.s32 $0xFFFFFFB0  }
0x41: {  	[tilespmem:s16], [sflag:$0x1] =	stream.linear.gather [hbm4b:s20+s4], $0x50, $0x38;
	[tilespmem:$0x1C340] =	vst v63  }
0x42: {  	_ =	swait.ge [sflag:s15], $0x50  }
0x43: {  	[sflag:s15] =	ssyncset.done $0x0  }
0x44: {  	[sflag:s15] =	ssyncadd.s32 $0xFFFFFFB0  }
0x45: {  	[tilespmem:s17], [sflag:$0x1] =	stream.indirect.gather [hbm4b:s5+s16], $0x20, s4, s16, $0xb8;
	[tilespmem:$0x1C340] =	vst v63  }
0x46: {  	_ =	swait.ge [sflag:s15], $0xA00  }
.Ltmp6:
0x47: {  	[sflag:s15] =	ssyncset.done $0x0;
	(pc) =	sbr.rel @p2 .LBB2_12-.Ltmp6, $4  }
0x48: {  	[sflag:s15] =	ssyncadd.s32 $0xFFFFF600  }
0x49: {  	[spmem:s3] =	stream.indirect.scatter.add.f32 [tilespmem:s17], [sflag:$0x1], $0x20, s16, s16, $0xb8;
	[tilespmem:$0x1C340] =	vst v63  }
0x4a: {  	_ =	swait.ge [sflag:s15], $0xA00  }
0x4b: {  	s20 =	smov.u32 s23;
	[sflag:s15] =	ssyncset.done $0x0  }
0x4c: {  	s20 =	sadd.s32 s19, s11;
	[sflag:s15] =	ssyncadd.s32 $0xFFFFF600  }
0x4d: {  	[tilespmem:s4], [sflag:$0x1] =	stream.linear.gather [hbm4b:s20+s4], $0x50, $0x38;
	[tilespmem:$0x1C340] =	vst v63  }
0x4e: {  	_ =	swait.ge [sflag:s15], $0x50  }
0x4f: {  	[sflag:s15] =	ssyncset.done $0x0  }
0x50: {  	s29 =	sadd.s32 s19, s12;
	[sflag:s15] =	ssyncadd.s32 $0xFFFFFFB0  }
0x51: {  	[tilespmem:s16], [sflag:$0x1] =	stream.linear.gather [hbm4b:s29+s4], $0x50, $0x38;
	[tilespmem:$0x1C340] =	vst v63  }
0x52: {  	_ =	swait.ge [sflag:s15], $0x50  }
0x53: {  	[sflag:s15] =	ssyncset.done $0x0  }
0x54: {  	[sflag:s15] =	ssyncadd.s32 $0xFFFFFFB0  }
0x55: {  	[tilespmem:s17], [sflag:$0x1] =	stream.indirect.gather [hbm4b:s5+s16], $0x20, s4, s16, $0xb8;
	[tilespmem:$0x1C340] =	vst v63  }
0x56: {  	_ =	swait.ge [sflag:s15], $0xA00  }
0x57: {  	[sflag:s15] =	ssyncset.done $0x0  }
0x58: {  	[sflag:s15] =	ssyncadd.s32 $0xFFFFF600  }
0x59: {  	[spmem:s3] =	stream.indirect.scatter.add.f32 [tilespmem:s17], [sflag:$0x1], $0x20, s16, s16, $0xb8;
	[tilespmem:$0x1C340] =	vst v63  }
0x5a: {  	_ =	swait.ge [sflag:s15], $0xA00  }
.Ltmp7:
0x5b: {  	s30 =	sshll.u32 s1, $0x6;
	[sflag:s15] =	ssyncset.done $0x0;
	(pc) =	sbr.rel @!p1 .LBB2_15-.Ltmp7, $4  }
0x5c: {  	s31 =	sshrl.u32 s13, $0x3;
	s21 =	sshrl.u32 s10, $0x3;
	[sflag:s15] =	ssyncadd.s32 $0xFFFFF600  }
0x5d: {  	s20 =	sadd.s32 s8, s31;
	s19 =	sor.u32 $0x1C01, s30;
	[bflag:$0x0] =	sbarrier.arrive $0xFFFF  }
0x5e: {  	[hbm:s20], [sflag:s19] =	dma.local [spmem:s21], $0x640  }
0x5f: {  	s22 =	smov.u32 s13;
	s20 =	sadd.s32 $0xFFFFFFFF, s7;
	s21 =	sadd.s32 $0x32000, s10  }
.LBB2_14:
0x60: {  	_ =	swait.ge [sflag:s15], $0x640  }
0x61: {  	s22 =	sadd.s32 $0x32000, s22;
	s24 =	sshrl.u32 s21, $0x3;
	p1 =	sne.s32 s20, $0x1  }
.Ltmp8:
0x62: {  	s23 =	sshrl.u32 s22, $0x3;
	[sflag:s15] =	ssyncset.done $0x0;
	(pc) =	sbr.rel @p1 .LBB2_14-.Ltmp8, $4  }
0x63: {  	s23 =	sadd.s32 s8, s23;
	[sflag:s15] =	ssyncadd.s32 $0xFFFFF9C0  }
0x64: {  	[hbm:s23], [sflag:s19] =	dma.local [spmem:s24], $0x640  }
0x65: {  	s20 =	sadd.s32 $0xFFFFFFFF, s20  }
0x66: {  	s21 =	sadd.s32 $0x32000, s21  }
.Ltmp9:
0x67: {  	_ = 	snop;
	(pc) =	sbr.rel .LBB2_15-.Ltmp9, $1  }
0x68: {  	_ =	sdelay $0x3  }
.LBB2_6:
0x69: {  	[tilespmem:s4], [sflag:$0x1] =	stream.linear.gather [hbm4b:s19+s4], $0x50, $0x38;
	[tilespmem:$0x1C340] =	vst v63  }
0x6a: {  	_ =	swait.ge [sflag:s15], $0x50  }
0x6b: {  	[sflag:s15] =	ssyncset.done $0x0  }
0x6c: {  	s31 =	sadd.s32 $0x0, s12;
	[sflag:s15] =	ssyncadd.s32 $0xFFFFFFB0  }
0x6d: {  	[tilespmem:s16], [sflag:$0x1] =	stream.linear.gather [hbm4b:s31+s4], $0x50, $0x38;
	[tilespmem:$0x1C340] =	vst v63  }
0x6e: {  	_ =	swait.ge [sflag:s15], $0x50  }
0x6f: {  	[sflag:s15] =	ssyncset.done $0x0  }
0x70: {  	[sflag:s15] =	ssyncadd.s32 $0xFFFFFFB0  }
0x71: {  	[tilespmem:s17], [sflag:$0x1] =	stream.indirect.gather [hbm4b:s2+s16], $0x20, s4, s16, $0xb8;
	[tilespmem:$0x1C340] =	vst v63  }
0x72: {  	_ =	swait.ge [sflag:s15], $0xA00  }
0x73: {  	[sflag:s15] =	ssyncset.done $0x0  }
0x74: {  	[sflag:s15] =	ssyncadd.s32 $0xFFFFF600  }
0x75: {  	[spmem:s3] =	stream.indirect.scatter.add.f32 [tilespmem:s17], [sflag:$0x1], $0x20, s16, s16, $0xb8;
	[tilespmem:$0x1C340] =	vst v63  }
0x76: {  	_ =	swait.ge [sflag:s15], $0xA00  }
0x77: {  	s19 =	simm.s32 $0xA0;
	s20 =	simm.s32 $0x140;
	[sflag:s15] =	ssyncset.done $0x0  }
.LBB2_7:
0x78: {  	s21 =	sadd.s32 s19, s11  }
0x79: {  	[sflag:s15] =	ssyncadd.s32 $0xFFFFF600;
	s22 =	smov.u32 s20;
	s23 =	sadd.s32 $0xA0, s20  }
0x7a: {  	[tilespmem:s4], [sflag:$0x1] =	stream.linear.gather [hbm4b:s21+s4], $0x50, $0x38;
	[tilespmem:$0x1C340] =	vst v63  }
0x7b: {  	p1 =	sne.s32 s20, $0x18600;
	_ =	swait.ge [sflag:s15], $0x50  }
0x7c: {  	[sflag:s15] =	ssyncset.done $0x0  }
0x7d: {  	s20 =	sadd.s32 s19, s12;
	s19 =	smov.u32 s22;
	[sflag:s15] =	ssyncadd.s32 $0xFFFFFFB0  }
0x7e: {  	[tilespmem:s16], [sflag:$0x1] =	stream.linear.gather [hbm4b:s20+s4], $0x50, $0x38;
	[tilespmem:$0x1C340] =	vst v63  }
0x7f: {  	_ =	swait.ge [sflag:s15], $0x50  }
0x80: {  	[sflag:s15] =	ssyncset.done $0x0  }
0x81: {  	[sflag:s15] =	ssyncadd.s32 $0xFFFFFFB0  }
0x82: {  	[tilespmem:s17], [sflag:$0x1] =	stream.indirect.gather [hbm4b:s2+s16], $0x20, s4, s16, $0xb8;
	[tilespmem:$0x1C340] =	vst v63  }
0x83: {  	_ =	swait.ge [sflag:s15], $0xA00  }
.Ltmp10:
0x84: {  	[sflag:s15] =	ssyncset.done $0x0;
	(pc) =	sbr.rel @p1 .LBB2_7-.Ltmp10, $4  }
0x85: {  	[sflag:s15] =	ssyncadd.s32 $0xFFFFF600  }
0x86: {  	[spmem:s3] =	stream.indirect.scatter.add.f32 [tilespmem:s17], [sflag:$0x1], $0x20, s16, s16, $0xb8;
	[tilespmem:$0x1C340] =	vst v63  }
0x87: {  	_ =	swait.ge [sflag:s15], $0xA00  }
0x88: {  	s20 =	smov.u32 s23;
	[sflag:s15] =	ssyncset.done $0x0  }
0x89: {  	s20 =	sadd.s32 s19, s11;
	[sflag:s15] =	ssyncadd.s32 $0xFFFFF600  }
0x8a: {  	[tilespmem:s4], [sflag:$0x1] =	stream.linear.gather [hbm4b:s20+s4], $0x50, $0x38;
	[tilespmem:$0x1C340] =	vst v63  }
0x8b: {  	_ =	swait.ge [sflag:s15], $0x50  }
0x8c: {  	[sflag:s15] =	ssyncset.done $0x0  }
0x8d: {  	s29 =	sadd.s32 s19, s12;
	[sflag:s15] =	ssyncadd.s32 $0xFFFFFFB0  }
0x8e: {  	[tilespmem:s16], [sflag:$0x1] =	stream.linear.gather [hbm4b:s29+s4], $0x50, $0x38;
	[tilespmem:$0x1C340] =	vst v63  }
0x8f: {  	_ =	swait.ge [sflag:s15], $0x50  }
0x90: {  	[sflag:s15] =	ssyncset.done $0x0  }
0x91: {  	[sflag:s15] =	ssyncadd.s32 $0xFFFFFFB0  }
0x92: {  	[tilespmem:s17], [sflag:$0x1] =	stream.indirect.gather [hbm4b:s2+s16], $0x20, s4, s16, $0xb8;
	[tilespmem:$0x1C340] =	vst v63  }
0x93: {  	_ =	swait.ge [sflag:s15], $0xA00  }
0x94: {  	[sflag:s15] =	ssyncset.done $0x0  }
0x95: {  	[sflag:s15] =	ssyncadd.s32 $0xFFFFF600  }
0x96: {  	[spmem:s3] =	stream.indirect.scatter.add.f32 [tilespmem:s17], [sflag:$0x1], $0x20, s16, s16, $0xb8;
	[tilespmem:$0x1C340] =	vst v63  }
0x97: {  	p1 =	seq.s32 s7, $0x1;
	_ =	swait.ge [sflag:s15], $0xA00  }
.Ltmp11:
0x98: {  	s30 =	sshll.u32 s1, $0x6;
	[sflag:s15] =	ssyncset.done $0x0;
	(pc) =	sbr.rel @p1 .LBB2_10-.Ltmp11, $4  }
0x99: {  	s31 =	sshrl.u32 s13, $0x3;
	s21 =	sshrl.u32 s10, $0x3;
	[sflag:s15] =	ssyncadd.s32 $0xFFFFF600  }
0x9a: {  	s20 =	sadd.s32 s6, s31;
	s19 =	sor.u32 $0x1C01, s30;
	[bflag:$0x0] =	sbarrier.arrive $0xFFFF  }
0x9b: {  	[hbm:s20], [sflag:s19] =	dma.local [spmem:s21], $0x640  }
0x9c: {  	s22 =	smov.u32 s13;
	s20 =	sadd.s32 $0xFFFFFFFF, s7;
	s21 =	sadd.s32 $0x32000, s10  }
.LBB2_9:
0x9d: {  	_ =	swait.ge [sflag:s15], $0x640  }
0x9e: {  	s22 =	sadd.s32 $0x32000, s22;
	s24 =	sshrl.u32 s21, $0x3;
	p1 =	seq.s32 s20, $0x1  }
.Ltmp12:
0x9f: {  	s23 =	sshrl.u32 s22, $0x3;
	[sflag:s15] =	ssyncset.done $0x0;
	(pc) =	sbr.rel @!p1 .LBB2_9-.Ltmp12, $4  }
0xa0: {  	s23 =	sadd.s32 s6, s23;
	[sflag:s15] =	ssyncadd.s32 $0xFFFFF9C0  }
0xa1: {  	[hbm:s23], [sflag:s19] =	dma.local [spmem:s24], $0x640  }
0xa2: {  	s20 =	sadd.s32 $0xFFFFFFFF, s20  }
0xa3: {  	s21 =	sadd.s32 $0x32000, s21  }
.LBB2_10:
.Ltmp13:
0xa4: {  	(pc) =	sbr.rel .LBB2_16-.Ltmp13, $4  }
0xa5: {  	_ = 	snop  }
0xa6: {  	_ =	swait.ge [sflag:s15], $0x640  }
0xa7: {  	[sflag:s15] =	ssyncset.done $0x0  }
0xa8: {  	[sflag:s15] =	ssyncadd.s32 $0xFFFFF9C0  }
.LBB2_17:
0xa9: {  	_ =	sfence.sel $0x180000  }
0xaa: {  	[bflag:$0x0] =	sbarrier.arrive $0xFFFF  }
0xab: {  	p0 =	sne.s32 s1, $0x0;
	_ =	strace $0x9000004D  }
0xac: {  	s0 =	sadd.s32 @!p0 $0x100000, s0;
	[bflag:$0x2] =	sbarrier.arrive $0xFFFF  }
0xad: {  	[sflag:s0] =	ssyncadd.tile.s32 @!p0 $0x1;
	_ =	shalt  }
.Lfunc_end2:
_tile_overlayer_lowered:
.L_overlay_start_2:
0xae: {  	(tag) =	ssettag $0x2  }
0xaf: {  	s0 =	rddreg [dreg:$0x0];
	s2 =	stileid.u32  }
0xb0: {  	s1 =	rddreg [dreg:$0x1];
	p0 =	sne.s32 s2, $0x0  }
0xb1: {  	s3 =	rddreg [dreg:$0x2];
	[bflag:$0x3] =	sbarrier.arrive $0xFFFF;
	s2 =	simm.s32 @!p0 $0x1C01  }
0xb2: {  	[timem:s3], [sflag:s2] =	dma.local @!p0 [hbm:s0], s1  }
0xb3: {  	s0 =	simm.s32 @!p0 $0x1  }
0xb4: {  	_ =	swait.ge @!p0 [sflag:s0], s1  }
0xb5: {  	s1 =	ssub.s32 @!p0 $0x0, s1;
	[sflag:s0] =	ssyncset.done @!p0 $0x0  }
0xb6: {  	[sflag:s0] =	ssyncadd.s32 @!p0 s1  }
0xb7: {  	[bflag:$0x3] =	sbarrier.arrive $0xFFFF  }
0xb8: {  	_ =	shalt  }

// kernel: kernel.37.cloned.1.call-start
scs
__scs_entry_jumppad:
0x0: {  	(pc) =	sbr.rel $0x88, $3  }
0x1: {  	(tag) =	ssettag $0x0;
	lr =	simm.s32 $0x1  }
0x2: {  	[smem:$0x3F8D] =	sst lr;
	_ =	strace $0xD0000000  }
0x3: {  	_ = 	snop  }
0x4: {  	_ = 	snop  }
0x5: {  	_ = 	snop  }
0x6: {  	_ = 	snop  }
0x7: {  	_ = 	snop  }
__scs_overlays_trampoline_lowered:
0x8: {  	[smem:$0x3F9C] =	sst s0  }
0x9: {  	[smem:$0x3F9D] =	sst s1  }
0xa: {  	[smem:$0x3F9E] =	sst s2  }
0xb: {  	[smem:$0x3F9F] =	sst s3  }
0xc: {  	[smem:$0x3FA0] =	sst s4  }
0xd: {  	[smem:$0x3FA1] =	sst s5  }
0xe: {  	[smem:$0x3FA2] =	sst s6  }
0xf: {  	[smem:$0x3FA3] =	sst s7  }
0x10: {  	[smem:$0x3FA4] =	sst s8  }
0x11: {  	[smem:$0x3FA5] =	sst s9;
	s0 =	simm.s32 @!p0 $0x0  }
0x12: {  	s1 =	sld [smem:$0x3F8B];
	s0 =	simm.s32 @p0 $0x1  }
0x13: {  	[smem:$0x3FA6] =	sst s0;
	s0 =	simm.s32 @!p1 $0x0  }
0x14: {  	s2 =	sld [smem:$0x3F8A];
	s0 =	simm.s32 @p1 $0x1  }
0x15: {  	[smem:$0x3FA7] =	sst s0;
	s0 =	simm.s32 @!p2 $0x0  }
0x16: {  	s3 =	sld [smem:$0x3FDB];
	s0 =	simm.s32 @p2 $0x1  }
0x17: {  	s4 =	simm.s32 $0x1BF5;
	[smem:$0x3FA9] =	sst s0  }
0x18: {  	s0 =	sld [smem:$0x3F8C];
	_ =	swait.ge [sflag:s4], $0x0  }
0x19: {  	s7 =	sld [smem:$0x3F8D]  }
0x1a: {  	s8 =	sadd.s32 $0xFFFFE003, lr  }
0x1b: {  	s9 =	sadd.s32 $0xFFFFFEF7, lr;
	s5 =	simm.s32 $0xFFFFFFFF;
	p2 =	slt.u32 s8, $0xFFFFF086  }
0x1c: {  	p1 =	slt.u32 s9, $0xF7A;
	s5 =	simm.s32 @!p2 $0x0  }
0x1d: {  	s5 =	simm.s32 @p1 $0x1;
	p0 =	seq.s32 s7, s2  }
0x1e: {  	s7 =	smul.u32 @!p0 $0xF7A, s2;
	p2 =	seq.s32 @!p0 s5, $0x0  }
0x1f: {  	s9 =	smul.u32 $0xF7A, s1;
	s8 =	simm.s32 @!p0 $0x1BF5;
	p2 =	por !p2, p0  }
0x20: {  	[sflag:s8] =	ssyncset.s32 @!p0 $0xFFFFF086;
	s6 =	sadd.s32 @!p0 s3, s7;
	s7 =	simm.s32 @!p0 $0x108  }
0x21: {  	s3 =	sadd.s32 s3, s9;
	s6 =	sadd.s32 @!p0 $0x88, s6;
	s7 =	simm.s32 @p2 $0x1082  }
0x22: {  	[simem:s7], [sflag:s8] =	dma.local @!p0 [hbm:s6], $0xF7A  }
0x23: {  	s9 =	sor.u32 $0xD0000000, s2;
	s6 =	simm.s32 $0x108;
	_ =	swait.ge @!p0 [sflag:s8], $0x0  }
0x24: {  	s3 =	sadd.s32 $0x88, s3;
	s6 =	simm.s32 @!p1 $0x1082;
	[sflag:s4] =	ssyncset.s32 $0xFFFFF086  }
0x25: {  	[simem:s6], [sflag:s4] =	dma.local [hbm:s3], $0xF7A  }
0x26: {  	[smem:$0x3F8D] =	sst s1;
	(tag) =	ssettag s2;
	_ =	strace s9  }
0x27: {  	s1 =	sld [smem:$0x3F9D]  }
0x28: {  	s2 =	sld [smem:$0x3F9E]  }
0x29: {  	s4 =	sld [smem:$0x3FA0]  }
0x2a: {  	p0 =	seq.s32 s5, $0x0;
	s5 =	sld [smem:$0x3FA1]  }
0x2b: {  	s6 =	sld [smem:$0x3FA2]  }
0x2c: {  	s7 =	sld [smem:$0x3FA3]  }
0x2d: {  	s3 =	simm.s32 $0x108;
	s8 =	sld [smem:$0x3FA4]  }
0x2e: {  	s3 =	simm.s32 @!p0 $0x1082;
	s9 =	sld [smem:$0x3FA5]  }
0x2f: {  	lr =	sadd.s32 s0, s3;
	s0 =	sld [smem:$0x3F9C]  }
0x30: {  	s3 =	sld [smem:$0x3F9F]  }
0x31: {  	[smem:$0x3FA8] =	sst s10  }
0x32: {  	s10 =	sld [smem:$0x3FA6];
	_ =	sdelay $0x3  }
0x33: {  	p0 =	seq.s32 s10, $0x1;
	s10 =	sld [smem:$0x3FA8];
	_ =	sdelay $0x3  }
0x34: {  	[smem:$0x3FA8] =	sst s10  }
0x35: {  	s10 =	sld [smem:$0x3FA7];
	_ =	sdelay $0x3  }
0x36: {  	p1 =	seq.s32 s10, $0x1;
	s10 =	sld [smem:$0x3FA8];
	_ =	sdelay $0x3  }
0x37: {  	[smem:$0x3FA8] =	sst s10  }
0x38: {  	s10 =	sld [smem:$0x3FA9]  }
0x39: {  	_ = 	snop;
	(pc) =	sbr.ind lr, $3  }
0x3a: {  	_ = 	snop  }
0x3b: {  	_ = 	snop  }
0x3c: {  	p2 =	seq.s32 s10, $0x1;
	s10 =	sld [smem:$0x3FA8]  }
0x3d: {  	_ =	shalt  }
0x3e: {  	_ =	shalt  }
0x3f: {  	_ =	shalt  }
0x40: {  	_ =	shalt  }
0x41: {  	_ =	shalt  }
0x42: {  	_ =	shalt  }
0x43: {  	_ =	shalt  }
0x44: {  	_ =	shalt  }
0x45: {  	_ =	shalt  }
0x46: {  	_ =	shalt  }
0x47: {  	_ =	shalt  }
0x48: {  	_ =	shalt  }
0x49: {  	_ =	shalt  }
0x4a: {  	_ =	shalt  }
0x4b: {  	_ =	shalt  }
0x4c: {  	_ =	shalt  }
0x4d: {  	_ =	shalt  }
0x4e: {  	_ =	shalt  }
0x4f: {  	_ =	shalt  }
0x50: {  	_ =	shalt  }
0x51: {  	_ =	shalt  }
0x52: {  	_ =	shalt  }
0x53: {  	_ =	shalt  }
0x54: {  	_ =	shalt  }
0x55: {  	_ =	shalt  }
0x56: {  	_ =	shalt  }
0x57: {  	_ =	shalt  }
0x58: {  	_ =	shalt  }
0x59: {  	_ =	shalt  }
0x5a: {  	_ =	shalt  }
0x5b: {  	_ =	shalt  }
0x5c: {  	_ =	shalt  }
0x5d: {  	_ =	shalt  }
0x5e: {  	_ =	shalt  }
0x5f: {  	_ =	shalt  }
0x60: {  	_ =	shalt  }
0x61: {  	_ =	shalt  }
0x62: {  	_ =	shalt  }
0x63: {  	_ =	shalt  }
0x64: {  	_ =	shalt  }
0x65: {  	_ =	shalt  }
0x66: {  	_ =	shalt  }
0x67: {  	_ =	shalt  }
0x68: {  	_ =	shalt  }
0x69: {  	_ =	shalt  }
0x6a: {  	_ =	shalt  }
0x6b: {  	_ =	shalt  }
0x6c: {  	_ =	shalt  }
0x6d: {  	_ =	shalt  }
0x6e: {  	_ =	shalt  }
0x6f: {  	_ =	shalt  }
0x70: {  	_ =	shalt  }
0x71: {  	_ =	shalt  }
0x72: {  	_ =	shalt  }
0x73: {  	_ =	shalt  }
0x74: {  	_ =	shalt  }
0x75: {  	_ =	shalt  }
0x76: {  	_ =	shalt  }
0x77: {  	_ =	shalt  }
0x78: {  	_ =	shalt  }
0x79: {  	_ =	shalt  }
0x7a: {  	_ =	shalt  }
0x7b: {  	_ =	shalt  }
0x7c: {  	_ =	shalt  }
0x7d: {  	_ =	shalt  }
0x7e: {  	_ =	shalt  }
0x7f: {  	_ =	shalt  }
0x80: {  	_ =	shalt  }
0x81: {  	_ =	shalt  }
0x82: {  	_ =	shalt  }
0x83: {  	_ =	shalt  }
0x84: {  	_ =	shalt  }
0x85: {  	_ =	shalt  }
0x86: {  	_ =	shalt  }
0x87: {  	_ =	shalt  }
.Lfunc_end0:
.L_simem_size_0:
called_computation.3_lowered:
.L_overlay_start_0:
0x88: {  	s2 =	sld [smem:$0x3FD9]  }
0x89: {  	s3 =	sld [smem:$0x3FFE];
	_ =	sdelay $0x1  }
0x8a: {  	s1 =	srdreg.scid  }
0x8b: {  	s0 =	sand.u32 $0x1, s1  }
0x8c: {  	s14 =	sshll.u32 s0, $0xA;
	s2 =	sadd.s32 s3, s2  }
0x8d: {  	s2 =	sadd.s32 s2, s14  }
0x8e: {  	[smem:$0x3FB4] =	sst s2  }
0x8f: {  	_ = 	snop  }
0x90: {  	s2 =	sld [smem:$0x3FD0];
	_ =	sdelay $0x2  }
0x91: {  	s15 =	simm.s32 $0xB;
	s4 =	simm.s32 $0x10  }
0x92: {  	[smem:s4], [sflag:s15] =	dma.local [hbm:s2], $0x1  }
0x93: {  	_ =	swait.eq [sflag:s15], $0x1  }
0x94: {  	[sflag:s15] =	ssyncset.done $0x0  }
0x95: {  	[sflag:s15] =	ssyncadd.s32 $0xFFFFFFFF  }
0x96: {  	s16 =	sld [smem:$0x10];
	(tm) =	ssettm $0x1  }
0x97: {  	s17 =	sld [smem:$0x3FFB];
	_ =	sdelay $0x3  }
0x98: {  	_ =	strace s17  }
0x99: {  	s3 =	sld [smem:$0x3FFC];
	_ =	sdelay $0x3  }
0x9a: {  	_ =	strace s3  }
0x9b: {  	s3 =	sld [smem:$0x3FFD];
	_ =	sdelay $0x3  }
0x9c: {  	_ =	strace s3  }
0x9d: {  	_ =	strace $0x8FFFFFFF  }
0x9e: {  	s18 =	sld [smem:$0x3FDB];
	_ =	sdelay $0x1  }
0x9f: {  	s19 =	simm.s32 $_scs_section_size  }
0xa0: {  	s5 =	simm.s32 $_size__tile_overlayer_lowered;
	s6 =	simm.s32 $_tile_overlayer_lowered  }
0xa1: {  	s22 =	simm.s32 $0x1BFF;
	s21 =	sshll.u32 s6, $0x1;
	s3 =	sadd.s32 s19, s18  }
0xa2: {  	s7 =	simm.s32 $0x0;
	s20 =	sshll.u32 s5, $0x1;
	s5 =	sadd.s32 s21, s3  }
0xa3: {  	[timem:s7], [sflag:s22] =	dma.local [hbm:s5], s20  }
0xa4: {  	_ =	swait.ge [sflag:s22], s20  }
0xa5: {  	s4 =	ssub.s32 $0x0, s20;
	[sflag:s22] =	ssyncset.done $0x0  }
0xa6: {  	[sflag:s22] =	ssyncadd.s32 s4;
	_ =	sdelay $0x1  }
0xa7: {  	s23 =	simm.s32 $0x1B8B  }
0xa8: {  	_ =	swait.ge [sflag:s23], $0x1  }
0xa9: {  	[sflag:s23] =	ssyncset.done $0x0  }
0xaa: {  	s25 =	simm.s32 $0x1B8E;
	s24 =	sld [smem:$0x3FFE];
	[sflag:s23] =	ssyncadd.s32 $0xFFFFFFFF  }
0xab: {  	s26 =	simm.s32 $execute0_lowered;
	[smem:$0x3FD2] =	sst s25  }
0xac: {  	s5 =	sshll.u32 s26, $0x1;
	_ =	strace $0x8000004F;
	[dreg:$0x1] =	wrdreg $0xFFFFFFFF  }
0xad: {  	s28 =	simm.s32 $_size_execute0_lowered;
	s3 =	sadd.s32 s3, s5;
	[dreg:$0x0] =	wrdreg $0x0  }
0xae: {  	s5 =	sshll.u32 s28, $0x1;
	[dreg:$0x2] =	wrdreg s3  }
0xaf: {  	[dreg:$0x3] =	wrdreg s5  }
0xb0: {  	[dreg:$0x4] =	wrdreg $0xC0  }
0xb1: {  	_ =	task [dreg:s7], $0x5FFFF  }
0xb2: {  	[dreg:$0x1] =	wrdreg $0xFFFFFFFF  }
0xb3: {  	[dreg:$0x0] =	wrdreg $0x60  }
0xb4: {  	[dreg:$0x2] =	wrdreg s24  }
0xb5: {  	[dreg:$0x3] =	wrdreg s16  }
0xb6: {  	[dreg:$0x4] =	wrdreg $0x3CA00  }
0xb7: {  	[dreg:$0x5] =	wrdreg $0x9  }
0xb8: {  	_ =	task.clear_ibuf [dreg:s7], $0x6FFFF;
	_ =	strace $0x9000004F  }
0xb9: {  	s29 =	simm.s32 $0x9;
	_ =	strace $0x80000051  }
0xba: {  	_ =	swait.ge [sflag:s29], $0x1  }
0xbb: {  	[sflag:s29] =	ssyncadd.s32 $0xFFFFFFFF  }
0xbc: {  	_ =	strace $0x90000051  }
0xbd: {  	_ =	sfence  }
0xbe: {  	s30 =	sld [smem:$0x0];
	_ =	sdelay $0x2  }
0xbf: {  	s31 =	sshll.u32 s1, $0xD;
	s1 =	sshrl.u32 s1, $0x2  }
0xc0: {  	s3 =	sand.u32 $0x4000, s31;
	s1 =	sadd.s32 s1, s30  }
0xc1: {  	s0 =	sor.u32 s3, s0;
	s1 =	sshll.u32 s1, $0x11  }
0xc2: {  	s0 =	sor.u32 s1, s0  }
0xc3: {  	s0 =	sadd.s32 $0x8F2B, s0  }
0xc4: {  	[sflag:s0] =	ssyncadd.remote.s32 $0x1  }
0xc5: {  	_ =	sfence.sel $0xFFFF  }
0xc6: {  	[dreg:$0x0] =	wrdreg $0xFFFFFFFF;
	(pc) =	sbr.abs _section_cstart, $3  }
0xc7: {  	[dreg:$0x1] =	wrdreg $0xFFFFFFFF  }
0xc8: {  	_ =	task.clear_ibuf [dreg:s7], $0x2FFFF;
	_ =	strace $0x9FFFFFFF  }
0xc9: {  	(tm) =	ssettm $0x7FFFFFFF  }
tec
execute0_lowered:
.L_overlay_start_1:
0x0: {  	(tag) =	ssettag $0x1  }
0x1: {  	s8 =	rddreg [dreg:$0x0]  }
0x2: {  	s2 =	rddreg [dreg:$0x1]  }
0x3: {  	s3 =	rddreg [dreg:$0x2]  }
0x4: {  	s0 =	rddreg [dreg:$0x3];
	s1 =	stileid.u32  }
0x5: {  	s4 =	simm.s32 $0x0;
	s6 =	srdreg.scid;
	s7 =	simm.s32 $0x8  }
0x6: {  	s14 =	simm.s32 $0xAA0;
	s15 =	simm.s32 $0x1;
	s16 =	simm.s32 $0x50  }
0x7: {  	s17 =	simm.s32 $0xA0;
	s18 =	simm.s32 $0x0;
	s5 =	smul.u32 $0xA, s1  }
0x8: {  	[smem:$0x7FF] =	sst s4;
	s9 =	sand.u32 $0x1, s6;
	s6 =	sadd.s32 $0x3C5600, s8  }
0x9: {  	p0 =	slt.u32 s1, $0xD;
	s13 =	smul.u32 $0xC800, s1;
	_ =	strace $0x80000050  }
.Ltmp0:
0xa: {  	s10 =	ssub.s32 $0x2, s9;
	s7 =	simm.s32 @!p0 $0x7;
	(pc) =	sbr.rel .LBB2_1-.Ltmp0, $4  }
0xb: {  	p0 =	seq.s32 s9, $0x1;
	s12 =	sadd.s32 s5, s8;
	s5 =	sadd.s32 $0xCDC00, s8  }
0xc: {  	s11 =	sshrl.u32 s10, $0x1;
	s8 =	sadd.s32 $0x12FA00, s8;
	s31 =	sshrl.u32 s13, $0x2  }
0xd: {  	s13 =	smul.u32 $0x3200, s1;
	s10 =	ssub.s32 s10, s11;
	s11 =	sadd.s32 $0x117200, s12  }
0xe: {  	v0 =	vimm.f32 $0.0e+00;
	s12 =	sadd.s32 $0xFEA00, s12;
	s9 =	smax.u32 s10, $0x1;
	s10 =	sadd.s32 s31, s3  }
.LBB2_15:
0xf: {  	_ =	swait.ge [sflag:s15], $0x640  }
0x10: {  	[sflag:s15] =	ssyncset.done $0x0  }
0x11: {  	[sflag:s15] =	ssyncadd.s32 $0xFFFFF9C0  }
.LBB2_16:
0x12: {  	s18 =	sadd.s32 $0x1, s18  }
0x13: {  	p1 =	sne.s32 s18, s9  }
.Ltmp1:
0x14: {  	_ = 	snop;
	(pc) =	sbr.rel @!p1 .LBB2_17-.Ltmp1, $1  }
0x15: {  	_ =	sdelay $0x3  }
.LBB2_1:
0x16: {  	s19 =	simm.s32 $0x80;
	s20 =	simm.s32 $0x0  }
.LBB2_2:
0x17: {  	p1 =	sne.s32 s19, $0xC780;
	[tilespmem:s20+$0xAA0] =	vst v0;
	s21 =	smov.u32 s19;
	s19 =	sadd.s32 $0x80, s19  }
.Ltmp2:
0x18: {  	[tilespmem:s20+$0xAB0] =	vst v0;
	(pc) =	sbr.rel @p1 .LBB2_2-.Ltmp2, $2  }
0x19: {  	_ =	sdelay $0x2  }
0x1a: {  	s20 =	sshra.s32 s21, $0x2  }
0x1b: {  	p1 =	sne.s32 s7, $0x1  }
.Ltmp3:
0x1c: {  	[tilespmem:s20+$0xAA0] =	vst v0;
	(pc) =	sbr.rel @!p1 .LBB2_5-.Ltmp3, $4  }
0x1d: {  	[tilespmem:s20+$0xAB0] =	vst v0  }
0x1e: {  	[spmem:s10] =	stream.linear.scatter [tilespmem:s14], [sflag:$0x1], $0x3200, $0x38;
	[tilespmem:$0x1C340] =	vst v63  }
0x1f: {  	_ =	swait.ge [sflag:s15], $0x3200  }
0x20: {  	s19 =	sadd.s32 $0xFFFFFFFF, s7;
	s20 =	smov.u32 s10;
	[sflag:s15] =	ssyncset.done $0x0  }
.LBB2_4:
0x21: {  	p2 =	sne.s32 s19, $0x1;
	[sflag:s15] =	ssyncadd.s32 $0xFFFFCE00;
	s20 =	sadd.s32 $0x32000, s20  }
.Ltmp4:
0x22: {  	s19 =	sadd.s32 $0xFFFFFFFF, s19;
	(pc) =	sbr.rel @p2 .LBB2_4-.Ltmp4, $4  }
0x23: {  	_ = 	snop  }
0x24: {  	[spmem:s20] =	stream.linear.scatter [tilespmem:s14], [sflag:$0x1], $0x3200, $0x38;
	[tilespmem:$0x1C340] =	vst v63  }
0x25: {  	_ =	swait.ge [sflag:s15], $0x3200  }
0x26: {  	[sflag:s15] =	ssyncset.done $0x0  }
.LBB2_5:
.Ltmp5:
0x27: {  	(pc) =	sbr.rel @!p0 .LBB2_6-.Ltmp5, $4  }
0x28: {  	_ = 	snop  }
0x29: {  	[sflag:s15] =	ssyncadd.s32 $0xFFFFCE00  }
0x2a: {  	[bflag:$0x0] =	sbarrier.arrive $0xFFFF  }
0x2b: {  	s19 =	sadd.s32 $0x0, s11  }
0x2c: {  	[tilespmem:s4], [sflag:$0x1] =	stream.linear.gather [hbm4b:s19+s4], $0x50, $0x38;
	[tilespmem:$0x1C340] =	vst v63  }
0x2d: {  	_ =	swait.ge [sflag:s15], $0x50  }
0x2e: {  	[sflag:s15] =	ssyncset.done $0x0  }
0x2f: {  	s31 =	sadd.s32 $0x0, s12;
	[sflag:s15] =	ssyncadd.s32 $0xFFFFFFB0  }
0x30: {  	[tilespmem:s16], [sflag:$0x1] =	stream.linear.gather [hbm4b:s31+s4], $0x50, $0x38;
	[tilespmem:$0x1C340] =	vst v63  }
0x31: {  	_ =	swait.ge [sflag:s15], $0x50  }
0x32: {  	[sflag:s15] =	ssyncset.done $0x0  }
0x33: {  	[sflag:s15] =	ssyncadd.s32 $0xFFFFFFB0  }
0x34: {  	[tilespmem:s17], [sflag:$0x1] =	stream.indirect.gather [hbm4b:s5+s16], $0x20, s4, s16, $0xb8;
	[tilespmem:$0x1C340] =	vst v63  }
0x35: {  	_ =	swait.ge [sflag:s15], $0xA00  }
0x36: {  	[sflag:s15] =	ssyncset.done $0x0  }
0x37: {  	[sflag:s15] =	ssyncadd.s32 $0xFFFFF600  }
0x38: {  	[spmem:s3] =	stream.indirect.scatter.add.f32 [tilespmem:s17], [sflag:$0x1], $0x20, s16, s16, $0xb8;
	[tilespmem:$0x1C340] =	vst v63  }
0x39: {  	_ =	swait.ge [sflag:s15], $0xA00  }
0x3a: {  	s19 =	simm.s32 $0xA0;
	s20 =	simm.s32 $0x140;
	[sflag:s15] =	ssyncset.done $0x0  }
.LBB2_12:
0x3b: {  	s21 =	sadd.s32 s19, s11  }
0x3c: {  	[sflag:s15] =	ssyncadd.s32 $0xFFFFF600;
	s22 =	smov.u32 s20;
	s23 =	sadd.s32 $0xA0, s20  }
0x3d: {  	[tilespmem:s4], [sflag:$0x1] =	stream.linear.gather [hbm4b:s21+s4], $0x50, $0x38;
	[tilespmem:$0x1C340] =	vst v63  }
0x3e: {  	p2 =	sne.s32 s20, $0x18600;
	_ =	swait.ge [sflag:s15], $0x50  }
0x3f: {  	[sflag:s15] =	ssyncset.done $0x0  }
0x40: {  	s20 =	sadd.s32 s19, s12;
	s19 =	smov.u32 s22;
	[sflag:s15] =	ssyncadd.s32 $0xFFFFFFB0  }
0x41: {  	[tilespmem:s16], [sflag:$0x1] =	stream.linear.gather [hbm4b:s20+s4], $0x50, $0x38;
	[tilespmem:$0x1C340] =	vst v63  }
0x42: {  	_ =	swait.ge [sflag:s15], $0x50  }
0x43: {  	[sflag:s15] =	ssyncset.done $0x0  }
0x44: {  	[sflag:s15] =	ssyncadd.s32 $0xFFFFFFB0  }
0x45: {  	[tilespmem:s17], [sflag:$0x1] =	stream.indirect.gather [hbm4b:s5+s16], $0x20, s4, s16, $0xb8;
	[tilespmem:$0x1C340] =	vst v63  }
0x46: {  	_ =	swait.ge [sflag:s15], $0xA00  }
.Ltmp6:
0x47: {  	[sflag:s15] =	ssyncset.done $0x0;
	(pc) =	sbr.rel @p2 .LBB2_12-.Ltmp6, $4  }
0x48: {  	[sflag:s15] =	ssyncadd.s32 $0xFFFFF600  }
0x49: {  	[spmem:s3] =	stream.indirect.scatter.add.f32 [tilespmem:s17], [sflag:$0x1], $0x20, s16, s16, $0xb8;
	[tilespmem:$0x1C340] =	vst v63  }
0x4a: {  	_ =	swait.ge [sflag:s15], $0xA00  }
0x4b: {  	s20 =	smov.u32 s23;
	[sflag:s15] =	ssyncset.done $0x0  }
0x4c: {  	s20 =	sadd.s32 s19, s11;
	[sflag:s15] =	ssyncadd.s32 $0xFFFFF600  }
0x4d: {  	[tilespmem:s4], [sflag:$0x1] =	stream.linear.gather [hbm4b:s20+s4], $0x50, $0x38;
	[tilespmem:$0x1C340] =	vst v63  }
0x4e: {  	_ =	swait.ge [sflag:s15], $0x50  }
0x4f: {  	[sflag:s15] =	ssyncset.done $0x0  }
0x50: {  	s29 =	sadd.s32 s19, s12;
	[sflag:s15] =	ssyncadd.s32 $0xFFFFFFB0  }
0x51: {  	[tilespmem:s16], [sflag:$0x1] =	stream.linear.gather [hbm4b:s29+s4], $0x50, $0x38;
	[tilespmem:$0x1C340] =	vst v63  }
0x52: {  	_ =	swait.ge [sflag:s15], $0x50  }
0x53: {  	[sflag:s15] =	ssyncset.done $0x0  }
0x54: {  	[sflag:s15] =	ssyncadd.s32 $0xFFFFFFB0  }
0x55: {  	[tilespmem:s17], [sflag:$0x1] =	stream.indirect.gather [hbm4b:s5+s16], $0x20, s4, s16, $0xb8;
	[tilespmem:$0x1C340] =	vst v63  }
0x56: {  	_ =	swait.ge [sflag:s15], $0xA00  }
0x57: {  	[sflag:s15] =	ssyncset.done $0x0  }
0x58: {  	[sflag:s15] =	ssyncadd.s32 $0xFFFFF600  }
0x59: {  	[spmem:s3] =	stream.indirect.scatter.add.f32 [tilespmem:s17], [sflag:$0x1], $0x20, s16, s16, $0xb8;
	[tilespmem:$0x1C340] =	vst v63  }
0x5a: {  	_ =	swait.ge [sflag:s15], $0xA00  }
.Ltmp7:
0x5b: {  	s30 =	sshll.u32 s1, $0x6;
	[sflag:s15] =	ssyncset.done $0x0;
	(pc) =	sbr.rel @!p1 .LBB2_15-.Ltmp7, $4  }
0x5c: {  	s31 =	sshrl.u32 s13, $0x3;
	s21 =	sshrl.u32 s10, $0x3;
	[sflag:s15] =	ssyncadd.s32 $0xFFFFF600  }
0x5d: {  	s20 =	sadd.s32 s8, s31;
	s19 =	sor.u32 $0x1C01, s30;
	[bflag:$0x0] =	sbarrier.arrive $0xFFFF  }
0x5e: {  	[hbm:s20], [sflag:s19] =	dma.local [spmem:s21], $0x640  }
0x5f: {  	s22 =	smov.u32 s13;
	s20 =	sadd.s32 $0xFFFFFFFF, s7;
	s21 =	sadd.s32 $0x32000, s10  }
.LBB2_14:
0x60: {  	_ =	swait.ge [sflag:s15], $0x640  }
0x61: {  	s22 =	sadd.s32 $0x32000, s22;
	s24 =	sshrl.u32 s21, $0x3;
	p1 =	sne.s32 s20, $0x1  }
.Ltmp8:
0x62: {  	s23 =	sshrl.u32 s22, $0x3;
	[sflag:s15] =	ssyncset.done $0x0;
	(pc) =	sbr.rel @p1 .LBB2_14-.Ltmp8, $4  }
0x63: {  	s23 =	sadd.s32 s8, s23;
	[sflag:s15] =	ssyncadd.s32 $0xFFFFF9C0  }
0x64: {  	[hbm:s23], [sflag:s19] =	dma.local [spmem:s24], $0x640  }
0x65: {  	s20 =	sadd.s32 $0xFFFFFFFF, s20  }
0x66: {  	s21 =	sadd.s32 $0x32000, s21  }
.Ltmp9:
0x67: {  	_ = 	snop;
	(pc) =	sbr.rel .LBB2_15-.Ltmp9, $1  }
0x68: {  	_ =	sdelay $0x3  }
.LBB2_6:
0x69: {  	[tilespmem:s4], [sflag:$0x1] =	stream.linear.gather [hbm4b:s19+s4], $0x50, $0x38;
	[tilespmem:$0x1C340] =	vst v63  }
0x6a: {  	_ =	swait.ge [sflag:s15], $0x50  }
0x6b: {  	[sflag:s15] =	ssyncset.done $0x0  }
0x6c: {  	s31 =	sadd.s32 $0x0, s12;
	[sflag:s15] =	ssyncadd.s32 $0xFFFFFFB0  }
0x6d: {  	[tilespmem:s16], [sflag:$0x1] =	stream.linear.gather [hbm4b:s31+s4], $0x50, $0x38;
	[tilespmem:$0x1C340] =	vst v63  }
0x6e: {  	_ =	swait.ge [sflag:s15], $0x50  }
0x6f: {  	[sflag:s15] =	ssyncset.done $0x0  }
0x70: {  	[sflag:s15] =	ssyncadd.s32 $0xFFFFFFB0  }
0x71: {  	[tilespmem:s17], [sflag:$0x1] =	stream.indirect.gather [hbm4b:s2+s16], $0x20, s4, s16, $0xb8;
	[tilespmem:$0x1C340] =	vst v63  }
0x72: {  	_ =	swait.ge [sflag:s15], $0xA00  }
0x73: {  	[sflag:s15] =	ssyncset.done $0x0  }
0x74: {  	[sflag:s15] =	ssyncadd.s32 $0xFFFFF600  }
0x75: {  	[spmem:s3] =	stream.indirect.scatter.add.f32 [tilespmem:s17], [sflag:$0x1], $0x20, s16, s16, $0xb8;
	[tilespmem:$0x1C340] =	vst v63  }
0x76: {  	_ =	swait.ge [sflag:s15], $0xA00  }
0x77: {  	s19 =	simm.s32 $0xA0;
	s20 =	simm.s32 $0x140;
	[sflag:s15] =	ssyncset.done $0x0  }
.LBB2_7:
0x78: {  	s21 =	sadd.s32 s19, s11  }
0x79: {  	[sflag:s15] =	ssyncadd.s32 $0xFFFFF600;
	s22 =	smov.u32 s20;
	s23 =	sadd.s32 $0xA0, s20  }
0x7a: {  	[tilespmem:s4], [sflag:$0x1] =	stream.linear.gather [hbm4b:s21+s4], $0x50, $0x38;
	[tilespmem:$0x1C340] =	vst v63  }
0x7b: {  	p1 =	sne.s32 s20, $0x18600;
	_ =	swait.ge [sflag:s15], $0x50  }
0x7c: {  	[sflag:s15] =	ssyncset.done $0x0  }
0x7d: {  	s20 =	sadd.s32 s19, s12;
	s19 =	smov.u32 s22;
	[sflag:s15] =	ssyncadd.s32 $0xFFFFFFB0  }
0x7e: {  	[tilespmem:s16], [sflag:$0x1] =	stream.linear.gather [hbm4b:s20+s4], $0x50, $0x38;
	[tilespmem:$0x1C340] =	vst v63  }
0x7f: {  	_ =	swait.ge [sflag:s15], $0x50  }
0x80: {  	[sflag:s15] =	ssyncset.done $0x0  }
0x81: {  	[sflag:s15] =	ssyncadd.s32 $0xFFFFFFB0  }
0x82: {  	[tilespmem:s17], [sflag:$0x1] =	stream.indirect.gather [hbm4b:s2+s16], $0x20, s4, s16, $0xb8;
	[tilespmem:$0x1C340] =	vst v63  }
0x83: {  	_ =	swait.ge [sflag:s15], $0xA00  }
.Ltmp10:
0x84: {  	[sflag:s15] =	ssyncset.done $0x0;
	(pc) =	sbr.rel @p1 .LBB2_7-.Ltmp10, $4  }
0x85: {  	[sflag:s15] =	ssyncadd.s32 $0xFFFFF600  }
0x86: {  	[spmem:s3] =	stream.indirect.scatter.add.f32 [tilespmem:s17], [sflag:$0x1], $0x20, s16, s16, $0xb8;
	[tilespmem:$0x1C340] =	vst v63  }
0x87: {  	_ =	swait.ge [sflag:s15], $0xA00  }
0x88: {  	s20 =	smov.u32 s23;
	[sflag:s15] =	ssyncset.done $0x0  }
0x89: {  	s20 =	sadd.s32 s19, s11;
	[sflag:s15] =	ssyncadd.s32 $0xFFFFF600  }
0x8a: {  	[tilespmem:s4], [sflag:$0x1] =	stream.linear.gather [hbm4b:s20+s4], $0x50, $0x38;
	[tilespmem:$0x1C340] =	vst v63  }
0x8b: {  	_ =	swait.ge [sflag:s15], $0x50  }
0x8c: {  	[sflag:s15] =	ssyncset.done $0x0  }
0x8d: {  	s29 =	sadd.s32 s19, s12;
	[sflag:s15] =	ssyncadd.s32 $0xFFFFFFB0  }
0x8e: {  	[tilespmem:s16], [sflag:$0x1] =	stream.linear.gather [hbm4b:s29+s4], $0x50, $0x38;
	[tilespmem:$0x1C340] =	vst v63  }
0x8f: {  	_ =	swait.ge [sflag:s15], $0x50  }
0x90: {  	[sflag:s15] =	ssyncset.done $0x0  }
0x91: {  	[sflag:s15] =	ssyncadd.s32 $0xFFFFFFB0  }
0x92: {  	[tilespmem:s17], [sflag:$0x1] =	stream.indirect.gather [hbm4b:s2+s16], $0x20, s4, s16, $0xb8;
	[tilespmem:$0x1C340] =	vst v63  }
0x93: {  	_ =	swait.ge [sflag:s15], $0xA00  }
0x94: {  	[sflag:s15] =	ssyncset.done $0x0  }
0x95: {  	[sflag:s15] =	ssyncadd.s32 $0xFFFFF600  }
0x96: {  	[spmem:s3] =	stream.indirect.scatter.add.f32 [tilespmem:s17], [sflag:$0x1], $0x20, s16, s16, $0xb8;
	[tilespmem:$0x1C340] =	vst v63  }
0x97: {  	p1 =	seq.s32 s7, $0x1;
	_ =	swait.ge [sflag:s15], $0xA00  }
.Ltmp11:
0x98: {  	s30 =	sshll.u32 s1, $0x6;
	[sflag:s15] =	ssyncset.done $0x0;
	(pc) =	sbr.rel @p1 .LBB2_10-.Ltmp11, $4  }
0x99: {  	s31 =	sshrl.u32 s13, $0x3;
	s21 =	sshrl.u32 s10, $0x3;
	[sflag:s15] =	ssyncadd.s32 $0xFFFFF600  }
0x9a: {  	s20 =	sadd.s32 s6, s31;
	s19 =	sor.u32 $0x1C01, s30;
	[bflag:$0x0] =	sbarrier.arrive $0xFFFF  }
0x9b: {  	[hbm:s20], [sflag:s19] =	dma.local [spmem:s21], $0x640  }
0x9c: {  	s22 =	smov.u32 s13;
	s20 =	sadd.s32 $0xFFFFFFFF, s7;
	s21 =	sadd.s32 $0x32000, s10  }
.LBB2_9:
0x9d: {  	_ =	swait.ge [sflag:s15], $0x640  }
0x9e: {  	s22 =	sadd.s32 $0x32000, s22;
	s24 =	sshrl.u32 s21, $0x3;
	p1 =	seq.s32 s20, $0x1  }
.Ltmp12:
0x9f: {  	s23 =	sshrl.u32 s22, $0x3;
	[sflag:s15] =	ssyncset.done $0x0;
	(pc) =	sbr.rel @!p1 .LBB2_9-.Ltmp12, $4  }
0xa0: {  	s23 =	sadd.s32 s6, s23;
	[sflag:s15] =	ssyncadd.s32 $0xFFFFF9C0  }
0xa1: {  	[hbm:s23], [sflag:s19] =	dma.local [spmem:s24], $0x640  }
0xa2: {  	s20 =	sadd.s32 $0xFFFFFFFF, s20  }
0xa3: {  	s21 =	sadd.s32 $0x32000, s21  }
.LBB2_10:
.Ltmp13:
0xa4: {  	(pc) =	sbr.rel .LBB2_16-.Ltmp13, $4  }
0xa5: {  	_ = 	snop  }
0xa6: {  	_ =	swait.ge [sflag:s15], $0x640  }
0xa7: {  	[sflag:s15] =	ssyncset.done $0x0  }
0xa8: {  	[sflag:s15] =	ssyncadd.s32 $0xFFFFF9C0  }
.LBB2_17:
0xa9: {  	_ =	sfence.sel $0x180000  }
0xaa: {  	[bflag:$0x0] =	sbarrier.arrive $0xFFFF  }
0xab: {  	p0 =	sne.s32 s1, $0x0;
	_ =	strace $0x90000050  }
0xac: {  	s0 =	sadd.s32 @!p0 $0x100000, s0;
	[bflag:$0x2] =	sbarrier.arrive $0xFFFF  }
0xad: {  	[sflag:s0] =	ssyncadd.tile.s32 @!p0 $0x1;
	_ =	shalt  }
.Lfunc_end2:
_tile_overlayer_lowered:
.L_overlay_start_2:
0xae: {  	(tag) =	ssettag $0x2  }
0xaf: {  	s0 =	rddreg [dreg:$0x0];
	s2 =	stileid.u32  }
0xb0: {  	s1 =	rddreg [dreg:$0x1];
	p0 =	sne.s32 s2, $0x0  }
0xb1: {  	s3 =	rddreg [dreg:$0x2];
	[bflag:$0x3] =	sbarrier.arrive $0xFFFF;
	s2 =	simm.s32 @!p0 $0x1C01  }
0xb2: {  	[timem:s3], [sflag:s2] =	dma.local @!p0 [hbm:s0], s1  }
0xb3: {  	s0 =	simm.s32 @!p0 $0x1  }
0xb4: {  	_ =	swait.ge @!p0 [sflag:s0], s1  }
0xb5: {  	s1 =	ssub.s32 @!p0 $0x0, s1;
	[sflag:s0] =	ssyncset.done @!p0 $0x0  }
0xb6: {  	[sflag:s0] =	ssyncadd.s32 @!p0 s1  }
0xb7: {  	[bflag:$0x3] =	sbarrier.arrive $0xFFFF  }
0xb8: {  	_ =	shalt  }

</sc_bundles>
